<compile_context>
chip_gen: v7x
topology: tpu7x:2x2x1
jax: 0.10.2.dev20260603
libtpu: 0.0.44.dev20260713+nightly
codegen_flags: <defaults>
</compile_context>

<pallas_src>
import functools

import jax
import jax.numpy as jnp
from jax import lax
from jax.experimental import pallas as pl
from jax.experimental.pallas import tpu as pltpu
from jax.experimental.pallas import tpu_sc as plsc

B = 4096
D = 64
P = 4
K = 256
DC = 16
NI = 100000
NC = 2
NS = 16
NW = NC * NS
BPW = B // NW
NBUF = 8

_MESH = plsc.VectorSubcoreMesh(core_axis_name="c", subcore_axis_name="s")


NB_T = 8192


def _prep_body(muT_ref, lvT_ref, out_ref):
    out_ref[:, 0:D] = muT_ref[...].T
    out_ref[:, D:2 * D] = lvT_ref[...].T


def _tc_prep(muT, lvT):
    return pl.pallas_call(
        _prep_body,
        grid=((NI + NB_T - 1) // NB_T,),
        in_specs=[
            pl.BlockSpec((D, NB_T), lambda i: (0, i)),
            pl.BlockSpec((D, NB_T), lambda i: (0, i)),
        ],
        out_specs=pl.BlockSpec((NB_T, 2 * D), lambda i: (i, 0)),
        out_shape=jax.ShapeDtypeStruct((NI, 2 * D), jnp.float32),
    )(muT, lvT)


@functools.partial(
    pl.kernel,
    mesh=_MESH,
    compiler_params=pltpu.CompilerParams(needs_layout_passes=False),
    out_type=[
        jax.ShapeDtypeStruct((D, B), jnp.float32),
        jax.ShapeDtypeStruct((B, 2 * D), jnp.float32),
    ],
    scratch_types=[
        pltpu.VMEM((BPW,), jnp.int32),
        pltpu.VMEM((BPW,), jnp.int32),
        pltpu.VMEM((NBUF, D, 128), jnp.float32),
        pltpu.VMEM((D, BPW), jnp.float32),
        pltpu.VMEM((BPW, 2 * D), jnp.float32),
        pltpu.SemaphoreType.DMA,
    ] + [pltpu.SemaphoreType.DMA] * NBUF,
)
def _sc_gather(uid_hbm, iid_hbm, utT_hbm, mulv_hbm, uT_out, ms_out,
               uid_v, iid_v, ring_v, u_c, ms_v, sem_g, *sems):
    wid = lax.axis_index("s") * NC + lax.axis_index("c")
    base = wid * BPW
    pltpu.sync_copy(uid_hbm.at[pl.ds(base, BPW)], uid_v)
    pltpu.sync_copy(iid_hbm.at[pl.ds(base, BPW)], iid_v)
    cp_items = pltpu.async_copy(mulv_hbm.at[iid_v], ms_v, sem_g)
    lane = lax.iota(jnp.int32, 16)

    def fire(ru, slot):
        start = pl.multiple_of((ru >> 7) * 128, 128)
        for b in range(NBUF):
            @pl.when(slot == b)
            def _():
                pltpu.async_copy(utT_hbm.at[:, pl.ds(start, 128)],
                                 ring_v.at[b], sems[b])

    def extract(ru, slot, col):
        rc = jnp.bitwise_and(ru, 127)
        for b in range(NBUF):
            @pl.when(slot == b)
            def _():
                pltpu.make_async_copy(utT_hbm.at[:, pl.ds(0, 128)],
                                      ring_v.at[b], sems[b]).wait()
                for c4 in range(D // 16):
                    d_idx = c4 * 16 + lane
                    vals = plsc.load_gather(
                        ring_v.at[b], [d_idx, jnp.full((16,), rc, jnp.int32)])
                    plsc.store_scatter(
                        u_c, [d_idx, jnp.full((16,), col, jnp.int32)], vals)

    def sb(s, carry):
        ub = uid_v[pl.ds(pl.multiple_of(s * 16, 16), 16)]
        for j in range(NBUF):
            fire(ub[j], j)
        for j in range(NBUF):
            extract(ub[j], j, s * 16 + j)
            fire(ub[j + NBUF], j)
        for j in range(NBUF):
            extract(ub[j + NBUF], j, s * 16 + j + NBUF)
        return carry

    lax.fori_loop(0, BPW // 16, sb, 0)
    pltpu.sync_copy(u_c, uT_out.at[:, pl.ds(base, BPW)])
    cp_items.wait()
    pltpu.sync_copy(ms_v, ms_out.at[pl.ds(base, BPW)])


BB = 1024


def _dense_body(uT_ref, c_ref, g_ref, ms_ref, eps_ref, out_ref):
    lane_k = lax.broadcasted_iota(jnp.int32, (BB, K), 1)
    acc = None
    for p in range(P):
        uTp = uT_ref[p * DC:(p + 1) * DC, :]
        cp = c_ref[p]
        uc = lax.dot_general(uTp, cp, (((0,), (1,)), ((), ())),
                             precision=lax.Precision.HIGHEST)
        u2 = jnp.sum(uTp * uTp, axis=0)[:, None]
        c2 = jnp.sum(cp * cp, axis=1)[None, :]
        d2 = jnp.maximum(u2 - 2.0 * uc + c2, 0.0) + 1e-12
        score = g_ref[:, p, :] - jnp.sqrt(d2)
        am = jnp.argmax(score, axis=-1).astype(jnp.int32)
        sl = slice(p * DC, (p + 1) * DC)
        iv_p = (ms_ref[:, p * DC:(p + 1) * DC]
                + eps_ref[:, sl] * jnp.exp(0.5 * ms_ref[:, D + p * DC:
                                                        D + (p + 1) * DC]))
        w = lax.dot_general(iv_p, cp, (((1,), (1,)), ((), ())),
                            precision=lax.Precision.HIGHEST)
        part = jnp.sum(jnp.where(lane_k == am[:, None], w, 0.0), axis=1)
        acc = part if acc is None else acc + part
    out_ref[...] = acc


def _tc_dense(uT, centroids, gumbel, ms, eps):
    return pl.pallas_call(
        _dense_body,
        grid=(B // BB,),
        in_specs=[
            pl.BlockSpec((D, BB), lambda i: (0, i)),
            pl.BlockSpec((P, K, DC), lambda i: (0, 0, 0)),
            pl.BlockSpec((BB, P, K), lambda i: (i, 0, 0)),
            pl.BlockSpec((BB, 2 * D), lambda i: (i, 0)),
            pl.BlockSpec((BB, D), lambda i: (i, 0)),
        ],
        out_specs=pl.BlockSpec((BB,), lambda i: (i,)),
        out_shape=jax.ShapeDtypeStruct((B,), jnp.float32),
    )(uT, centroids, gumbel, ms, eps)


def kernel(user_id, item_id, user_table, centroids, item_mu, item_logvar,
           eps, gumbel):
    mulv = _tc_prep(item_mu.T, item_logvar.T)
    uT, ms = _sc_gather(user_id, item_id, user_table.T, mulv)
    return _tc_dense(uT, centroids, gumbel, ms, eps)

# --- scband reference (transcript-rebuilt; emitter-appended) ---
"""Pipeline reference for scband-qvae-cf-41755672051861 (READ-ONLY COPY).

The authoritative reference and input builder live on the scoring server;
editing this copy changes nothing except your own understanding.
"""

import jax, jax.numpy as jnp
import numpy as np

NUM_USER = 1000000
NUM_ITEM = 100000
LATENT_DIM = 64
NUM_PARTITIONS = 4
NUM_CENTROIDS = 256
CLUSTER_DIM = LATENT_DIM // NUM_PARTITIONS
BATCH = 4096
TAU = 1.0


def setup_inputs(seed: int = 0) -> dict:
    key = jax.random.key(seed)
    ks = jax.random.split(key, 8)
    user_id = jax.random.randint(ks[0], (BATCH,), 0, NUM_USER, dtype=jnp.int64 if jax.config.jax_enable_x64 else jnp.int32).astype(jnp.int32)
    item_id = jax.random.randint(ks[1], (BATCH,), 0, NUM_ITEM).astype(jnp.int32)
    user_table = jax.random.normal(ks[2], (NUM_USER, LATENT_DIM), dtype=jnp.float32) * 0.1
    centroids = jax.random.normal(ks[3], (NUM_PARTITIONS, NUM_CENTROIDS, CLUSTER_DIM), dtype=jnp.float32) * 0.1
    item_mu = jax.random.normal(ks[4], (NUM_ITEM, LATENT_DIM), dtype=jnp.float32) * 0.1
    item_logvar = jax.random.normal(ks[5], (NUM_ITEM, LATENT_DIM), dtype=jnp.float32) * 0.1 - 2.0
    eps = jax.random.normal(ks[6], (BATCH, LATENT_DIM), dtype=jnp.float32)
    u = jax.random.uniform(ks[7], (BATCH, NUM_PARTITIONS, NUM_CENTROIDS), dtype=jnp.float32, minval=1e-6, maxval=1.0 - 1e-6)
    gumbel = -jnp.log(-jnp.log(u))
    return {"user_id": user_id, "item_id": item_id, "user_table": user_table, "centroids": centroids, "item_mu": item_mu, "item_logvar": item_logvar, "eps": eps, "gumbel": gumbel}


def reference(user_id, item_id, user_table, centroids, item_mu, item_logvar, eps, gumbel):
    # encode_user: quantize user embedding per subspace with gumbel-softmax hard assignment
    u = jnp.take(user_table, user_id, axis=0)  # [B, D] gather
    B = u.shape[0]
    P, K, dc = centroids.shape
    u_sub = u.reshape(B, P, dc)
    diff = u_sub[:, :, None, :] - centroids[None, :, :, :]  # [B, P, K, dc]
    dist = jnp.sqrt(jnp.sum(diff * diff, axis=-1) + 1e-12)  # pairwise_distance p=2
    neg_dist = -dist
    # straight-through gumbel-softmax (hard=True)
    g = (neg_dist + gumbel) / TAU
    y_soft = jax.nn.softmax(g, axis=-1)
    idx_center = jnp.argmax(g, axis=-1)  # [B, P]
    y_hard = jax.nn.one_hot(idx_center, K, dtype=y_soft.dtype)
    y = y_soft + jax.lax.stop_gradient(y_hard - y_soft)
    encode_emb = jnp.einsum('bpk,pkd->bpd', y, centroids).reshape(B, P * dc)  # [B, D]
    # encode_item: reparameterize(mu, logvar)
    mu = jnp.take(item_mu, item_id, axis=0)
    logvar = jnp.take(item_logvar, item_id, axis=0)
    std = jnp.exp(0.5 * logvar)
    item_vecs = eps * std + mu
    out = jnp.sum(encode_emb * item_vecs, axis=-1)  # [B]
    return out

if __name__ == "__main__":
    import jax
    _d = setup_inputs()
    print(jax.jit(kernel)(*tuple(_d.values())))

</pallas_src>

<mosaic_0001>
#map = affine_map<(d0, d1) -> (0)>
#map1 = affine_map<(d0, d1) -> (0, 0)>
module attributes {stable_mosaic.version = 14 : i64} {
  func.func @_sc_gather(%arg0: i32, %arg1: i32, %arg2: memref<4096xi32, #tpu.memory_space<hbm>>, %arg3: memref<4096xi32, #tpu.memory_space<hbm>>, %arg4: memref<64x1000000xf32, #tpu.memory_space<hbm>>, %arg5: memref<100000x128xf32, #tpu.memory_space<hbm>>, %arg6: memref<64x4096xf32, #tpu.memory_space<hbm>>, %arg7: memref<4096x128xf32, #tpu.memory_space<hbm>>, %arg8: memref<128xi32, #tpu.memory_space<vmem>>, %arg9: memref<128xi32, #tpu.memory_space<vmem>>, %arg10: memref<8x64x128xf32, #tpu.memory_space<vmem>>, %arg11: memref<64x128xf32, #tpu.memory_space<vmem>>, %arg12: memref<128x128xf32, #tpu.memory_space<vmem>>, %arg13: memref<!tpu.dma_semaphore, #tpu.memory_space<semaphore_mem>>, %arg14: memref<!tpu.dma_semaphore, #tpu.memory_space<semaphore_mem>>, %arg15: memref<!tpu.dma_semaphore, #tpu.memory_space<semaphore_mem>>, %arg16: memref<!tpu.dma_semaphore, #tpu.memory_space<semaphore_mem>>, %arg17: memref<!tpu.dma_semaphore, #tpu.memory_space<semaphore_mem>>, %arg18: memref<!tpu.dma_semaphore, #tpu.memory_space<semaphore_mem>>, %arg19: memref<!tpu.dma_semaphore, #tpu.memory_space<semaphore_mem>>, %arg20: memref<!tpu.dma_semaphore, #tpu.memory_space<semaphore_mem>>, %arg21: memref<!tpu.dma_semaphore, #tpu.memory_space<semaphore_mem>>) attributes {dimension_semantics = [#tpu.dimension_semantics<core_parallel>, #tpu.dimension_semantics<subcore_parallel>], iteration_bounds = array<i64: 2, 16>, scalar_prefetch = 0 : i64, scratch_operands = 14 : i64, tpu.core_type = #tpu.core_type<sc_vector_subcore>, window_params = [{transform_indices = #map}, {transform_indices = #map}, {transform_indices = #map1}, {transform_indices = #map1}, {transform_indices = #map1}, {transform_indices = #map1}]} {
    %mul3A = arith.constant 2 : i32
    %mul3A_0 = arith.muli %arg1, %mul3A : i32
    %add3A = arith.addi %mul3A_0, %arg0 : i32
    %mul3A_1 = arith.constant 128 : i32
    %mul3A_2 = arith.muli %add3A, %mul3A_1 : i32
    "tpu.region"() ({
      %run_scoped3A = tpu.sem_alloc : memref<!tpu.dma_semaphore, #tpu.memory_space<semaphore_mem>>
      %dma_start3A_12 = tpu.memref_slice %arg2[%mul3A_2] : memref<4096xi32, #tpu.memory_space<hbm>> -> memref<128xi32, #tpu.memory_space<hbm>>
      %dma_start3A_13 = tpu.memref_slice %arg2[%mul3A_2] : memref<4096xi32, #tpu.memory_space<hbm>> -> memref<128xi32, #tpu.memory_space<hbm>>
      tpu.enqueue_dma source(%dma_start3A_13 : memref<128xi32, #tpu.memory_space<hbm>>) target(%arg8 : memref<128xi32, #tpu.memory_space<vmem>>) target_semaphore(%run_scoped3A : memref<!tpu.dma_semaphore, #tpu.memory_space<semaphore_mem>>)
      %dma_wait3A_14 = tpu.memref_slice %arg2[%mul3A_2] : memref<4096xi32, #tpu.memory_space<hbm>> -> memref<128xi32, #tpu.memory_space<hbm>>
      %dma_wait3A_15 = tpu.memref_slice %arg2[%mul3A_2] : memref<4096xi32, #tpu.memory_space<hbm>> -> memref<128xi32, #tpu.memory_space<hbm>>
      tpu.wait_dma2 semaphore(%run_scoped3A : memref<!tpu.dma_semaphore, #tpu.memory_space<semaphore_mem>>) src(%dma_wait3A_15 : memref<128xi32, #tpu.memory_space<hbm>>) dst(%arg8 : memref<128xi32, #tpu.memory_space<vmem>>)
      tpu.yield
    }) : () -> ()
    "tpu.region"() ({
      %run_scoped3A = tpu.sem_alloc : memref<!tpu.dma_semaphore, #tpu.memory_space<semaphore_mem>>
      %dma_start3A_12 = tpu.memref_slice %arg3[%mul3A_2] : memref<4096xi32, #tpu.memory_space<hbm>> -> memref<128xi32, #tpu.memory_space<hbm>>
      %dma_start3A_13 = tpu.memref_slice %arg3[%mul3A_2] : memref<4096xi32, #tpu.memory_space<hbm>> -> memref<128xi32, #tpu.memory_space<hbm>>
      tpu.enqueue_dma source(%dma_start3A_13 : memref<128xi32, #tpu.memory_space<hbm>>) target(%arg9 : memref<128xi32, #tpu.memory_space<vmem>>) target_semaphore(%run_scoped3A : memref<!tpu.dma_semaphore, #tpu.memory_space<semaphore_mem>>)
      %dma_wait3A_14 = tpu.memref_slice %arg3[%mul3A_2] : memref<4096xi32, #tpu.memory_space<hbm>> -> memref<128xi32, #tpu.memory_space<hbm>>
      %dma_wait3A_15 = tpu.memref_slice %arg3[%mul3A_2] : memref<4096xi32, #tpu.memory_space<hbm>> -> memref<128xi32, #tpu.memory_space<hbm>>
      tpu.wait_dma2 semaphore(%run_scoped3A : memref<!tpu.dma_semaphore, #tpu.memory_space<semaphore_mem>>) src(%dma_wait3A_15 : memref<128xi32, #tpu.memory_space<hbm>>) dst(%arg9 : memref<128xi32, #tpu.memory_space<vmem>>)
      tpu.yield
    }) : () -> ()
    %dma_start3A = arith.constant 0 : i32
    %dma_start3A_3 = arith.constant 0 : i32
    %dma_start3A_4 = tpu.memref_slice %arg5[%dma_start3A, %dma_start3A_3] : memref<100000x128xf32, #tpu.memory_space<hbm>> -> memref<100000x128xf32, #tpu.memory_space<hbm>>
    tpu.enqueue_indirect_dma source(%dma_start3A_4 : memref<100000x128xf32, #tpu.memory_space<hbm>>) target(%arg12 : memref<128x128xf32, #tpu.memory_space<vmem>>) offsets(%arg9 : memref<128xi32, #tpu.memory_space<vmem>>) semaphore(%arg13 : memref<!tpu.dma_semaphore, #tpu.memory_space<semaphore_mem>>)
    %iota3A = tpu.iota {dimensions = array<i32: 0>} : vector<16xi32>
    %scan3A = arith.constant 0 : i32
    %scan3A_5 = arith.constant 0 : i32
    %scan3A_6 = arith.constant 8 : i32
    %scan3A_7 = arith.addi %scan3A_5, %scan3A_6 : i32
    %scan3A_8 = arith.constant 1 : i32
    scf.for %scan3A_12 = %scan3A_5 to %scan3A_7 step %scan3A_8  : i32 {
      %mul3A_13 = arith.constant 16 : i32
      %mul3A_14 = arith.muli %scan3A_12, %mul3A_13 : i32
      %multiple_of3A = tpu.assume_multiple %mul3A_14, 16 : i32
      %get3A = arith.index_cast %multiple_of3A : i32 to index
      %get3A_15 = tpu.vector_load %arg8[%get3A] {strides = array<i32>} : memref<128xi32, #tpu.memory_space<vmem>>, vector<16xi32>,
      %slice3A = vector.extract_strided_slice %get3A_15 {offsets = [0], sizes = [1], strides = [1]} : vector<16xi32> to vector<1xi32>
      %squeeze3A = vector.extract %slice3A[0] : i32 from vector<1xi32>
      %shift_right_arithmetic3A = arith.constant 7 : i32
      %shift_right_arithmetic3A_16 = arith.shrsi %squeeze3A, %shift_right_arithmetic3A : i32
      %mul3A_17 = arith.constant 128 : i32
      %mul3A_18 = arith.muli %shift_right_arithmetic3A_16, %mul3A_17 : i32
      %multiple_of3A_19 = tpu.assume_multiple %mul3A_18, 128 : i32
      %dma_start3A_20 = arith.constant 0 : i32
      %dma_start3A_21 = arith.constant 0 : i32
      %dma_start3A_22 = arith.constant 0 : i32
      %dma_start3A_23 = tpu.memref_slice %arg10[%dma_start3A_20, %dma_start3A_21, %dma_start3A_22] : memref<8x64x128xf32, #tpu.memory_space<vmem>> -> memref<1x64x128xf32, #tpu.memory_space<vmem>>
      %dma_start3A_24 = tpu.memref_squeeze %dma_start3A_23 : memref<1x64x128xf32, #tpu.memory_space<vmem>> -> memref<64x128xf32, #tpu.memory_space<vmem>>
      %dma_start3A_25 = arith.constant 0 : i32
      %dma_start3A_26 = tpu.memref_slice %arg4[%dma_start3A_25, %multiple_of3A_19] : memref<64x1000000xf32, #tpu.memory_space<hbm>> -> memref<64x128xf32, #tpu.memory_space<hbm>>
      %dma_start3A_27 = arith.constant 0 : i32
      %dma_start3A_28 = arith.constant 0 : i32
      %dma_start3A_29 = tpu.memref_slice %arg10[%dma_start3A_20, %dma_start3A_27, %dma_start3A_28] : memref<8x64x128xf32, #tpu.memory_space<vmem>> -> memref<1x64x128xf32, #tpu.memory_space<vmem>>
      %dma_start3A_30 = tpu.memref_squeeze %dma_start3A_29 : memref<1x64x128xf32, #tpu.memory_space<vmem>> -> memref<64x128xf32, #tpu.memory_space<vmem>>
      %dma_start3A_31 = arith.constant 0 : i32
      %dma_start3A_32 = tpu.memref_slice %arg4[%dma_start3A_31, %multiple_of3A_19] : memref<64x1000000xf32, #tpu.memory_space<hbm>> -> memref<64x128xf32, #tpu.memory_space<hbm>>
      tpu.enqueue_dma source(%dma_start3A_32 : memref<64x128xf32, #tpu.memory_space<hbm>>) target(%dma_start3A_30 : memref<64x128xf32, #tpu.memory_space<vmem>>) target_semaphore(%arg14 : memref<!tpu.dma_semaphore, #tpu.memory_space<semaphore_mem>>)
      %slice3A_33 = vector.extract_strided_slice %get3A_15 {offsets = [1], sizes = [1], strides = [1]} : vector<16xi32> to vector<1xi32>
      %squeeze3A_34 = vector.extract %slice3A_33[0] : i32 from vector<1xi32>
      %shift_right_arithmetic3A_35 = arith.constant 7 : i32
      %shift_right_arithmetic3A_36 = arith.shrsi %squeeze3A_34, %shift_right_arithmetic3A_35 : i32
      %mul3A_37 = arith.constant 128 : i32
      %mul3A_38 = arith.muli %shift_right_arithmetic3A_36, %mul3A_37 : i32
      %multiple_of3A_39 = tpu.assume_multiple %mul3A_38, 128 : i32
      %dma_start3A_40 = arith.constant 1 : i32
      %dma_start3A_41 = arith.constant 0 : i32
      %dma_start3A_42 = arith.constant 0 : i32
      %dma_start3A_43 = tpu.memref_slice %arg10[%dma_start3A_40, %dma_start3A_41, %dma_start3A_42] : memref<8x64x128xf32, #tpu.memory_space<vmem>> -> memref<1x64x128xf32, #tpu.memory_space<vmem>>
      %dma_start3A_44 = tpu.memref_squeeze %dma_start3A_43 : memref<1x64x128xf32, #tpu.memory_space<vmem>> -> memref<64x128xf32, #tpu.memory_space<vmem>>
      %dma_start3A_45 = arith.constant 0 : i32
      %dma_start3A_46 = tpu.memref_slice %arg4[%dma_start3A_45, %multiple_of3A_39] : memref<64x1000000xf32, #tpu.memory_space<hbm>> -> memref<64x128xf32, #tpu.memory_space<hbm>>
      %dma_start3A_47 = arith.constant 0 : i32
      %dma_start3A_48 = arith.constant 0 : i32
      %dma_start3A_49 = tpu.memref_slice %arg10[%dma_start3A_40, %dma_start3A_47, %dma_start3A_48] : memref<8x64x128xf32, #tpu.memory_space<vmem>> -> memref<1x64x128xf32, #tpu.memory_space<vmem>>
      %dma_start3A_50 = tpu.memref_squeeze %dma_start3A_49 : memref<1x64x128xf32, #tpu.memory_space<vmem>> -> memref<64x128xf32, #tpu.memory_space<vmem>>
      %dma_start3A_51 = arith.constant 0 : i32
      %dma_start3A_52 = tpu.memref_slice %arg4[%dma_start3A_51, %multiple_of3A_39] : memref<64x1000000xf32, #tpu.memory_space<hbm>> -> memref<64x128xf32, #tpu.memory_space<hbm>>
      tpu.enqueue_dma source(%dma_start3A_52 : memref<64x128xf32, #tpu.memory_space<hbm>>) target(%dma_start3A_50 : memref<64x128xf32, #tpu.memory_space<vmem>>) target_semaphore(%arg15 : memref<!tpu.dma_semaphore, #tpu.memory_space<semaphore_mem>>)
      %slice3A_53 = vector.extract_strided_slice %get3A_15 {offsets = [2], sizes = [1], strides = [1]} : vector<16xi32> to vector<1xi32>
      %squeeze3A_54 = vector.extract %slice3A_53[0] : i32 from vector<1xi32>
      %shift_right_arithmetic3A_55 = arith.constant 7 : i32
      %shift_right_arithmetic3A_56 = arith.shrsi %squeeze3A_54, %shift_right_arithmetic3A_55 : i32
      %mul3A_57 = arith.constant 128 : i32
      %mul3A_58 = arith.muli %shift_right_arithmetic3A_56, %mul3A_57 : i32
      %multiple_of3A_59 = tpu.assume_multiple %mul3A_58, 128 : i32
      %dma_start3A_60 = arith.constant 2 : i32
      %dma_start3A_61 = arith.constant 0 : i32
      %dma_start3A_62 = arith.constant 0 : i32
      %dma_start3A_63 = tpu.memref_slice %arg10[%dma_start3A_60, %dma_start3A_61, %dma_start3A_62] : memref<8x64x128xf32, #tpu.memory_space<vmem>> -> memref<1x64x128xf32, #tpu.memory_space<vmem>>
      %dma_start3A_64 = tpu.memref_squeeze %dma_start3A_63 : memref<1x64x128xf32, #tpu.memory_space<vmem>> -> memref<64x128xf32, #tpu.memory_space<vmem>>
      %dma_start3A_65 = arith.constant 0 : i32
      %dma_start3A_66 = tpu.memref_slice %arg4[%dma_start3A_65, %multiple_of3A_59] : memref<64x1000000xf32, #tpu.memory_space<hbm>> -> memref<64x128xf32, #tpu.memory_space<hbm>>
      %dma_start3A_67 = arith.constant 0 : i32
      %dma_start3A_68 = arith.constant 0 : i32
      %dma_start3A_69 = tpu.memref_slice %arg10[%dma_start3A_60, %dma_start3A_67, %dma_start3A_68] : memref<8x64x128xf32, #tpu.memory_space<vmem>> -> memref<1x64x128xf32, #tpu.memory_space<vmem>>
      %dma_start3A_70 = tpu.memref_squeeze %dma_start3A_69 : memref<1x64x128xf32, #tpu.memory_space<vmem>> -> memref<64x128xf32, #tpu.memory_space<vmem>>
      %dma_start3A_71 = arith.constant 0 : i32
      %dma_start3A_72 = tpu.memref_slice %arg4[%dma_start3A_71, %multiple_of3A_59] : memref<64x1000000xf32, #tpu.memory_space<hbm>> -> memref<64x128xf32, #tpu.memory_space<hbm>>
      tpu.enqueue_dma source(%dma_start3A_72 : memref<64x128xf32, #tpu.memory_space<hbm>>) target(%dma_start3A_70 : memref<64x128xf32, #tpu.memory_space<vmem>>) target_semaphore(%arg16 : memref<!tpu.dma_semaphore, #tpu.memory_space<semaphore_mem>>)
      %slice3A_73 = vector.extract_strided_slice %get3A_15 {offsets = [3], sizes = [1], strides = [1]} : vector<16xi32> to vector<1xi32>
      %squeeze3A_74 = vector.extract %slice3A_73[0] : i32 from vector<1xi32>
      %shift_right_arithmetic3A_75 = arith.constant 7 : i32
      %shift_right_arithmetic3A_76 = arith.shrsi %squeeze3A_74, %shift_right_arithmetic3A_75 : i32
      %mul3A_77 = arith.constant 128 : i32
      %mul3A_78 = arith.muli %shift_right_arithmetic3A_76, %mul3A_77 : i32
      %multiple_of3A_79 = tpu.assume_multiple %mul3A_78, 128 : i32
      %dma_start3A_80 = arith.constant 3 : i32
      %dma_start3A_81 = arith.constant 0 : i32
      %dma_start3A_82 = arith.constant 0 : i32
      %dma_start3A_83 = tpu.memref_slice %arg10[%dma_start3A_80, %dma_start3A_81, %dma_start3A_82] : memref<8x64x128xf32, #tpu.memory_space<vmem>> -> memref<1x64x128xf32, #tpu.memory_space<vmem>>
      %dma_start3A_84 = tpu.memref_squeeze %dma_start3A_83 : memref<1x64x128xf32, #tpu.memory_space<vmem>> -> memref<64x128xf32, #tpu.memory_space<vmem>>
      %dma_start3A_85 = arith.constant 0 : i32
      %dma_start3A_86 = tpu.memref_slice %arg4[%dma_start3A_85, %multiple_of3A_79] : memref<64x1000000xf32, #tpu.memory_space<hbm>> -> memref<64x128xf32, #tpu.memory_space<hbm>>
      %dma_start3A_87 = arith.constant 0 : i32
      %dma_start3A_88 = arith.constant 0 : i32
      %dma_start3A_89 = tpu.memref_slice %arg10[%dma_start3A_80, %dma_start3A_87, %dma_start3A_88] : memref<8x64x128xf32, #tpu.memory_space<vmem>> -> memref<1x64x128xf32, #tpu.memory_space<vmem>>
      %dma_start3A_90 = tpu.memref_squeeze %dma_start3A_89 : memref<1x64x128xf32, #tpu.memory_space<vmem>> -> memref<64x128xf32, #tpu.memory_space<vmem>>
      %dma_start3A_91 = arith.constant 0 : i32
      %dma_start3A_92 = tpu.memref_slice %arg4[%dma_start3A_91, %multiple_of3A_79] : memref<64x1000000xf32, #tpu.memory_space<hbm>> -> memref<64x128xf32, #tpu.memory_space<hbm>>
      tpu.enqueue_dma source(%dma_start3A_92 : memref<64x128xf32, #tpu.memory_space<hbm>>) target(%dma_start3A_90 : memref<64x128xf32, #tpu.memory_space<vmem>>) target_semaphore(%arg17 : memref<!tpu.dma_semaphore, #tpu.memory_space<semaphore_mem>>)
      %slice3A_93 = vector.extract_strided_slice %get3A_15 {offsets = [4], sizes = [1], strides = [1]} : vector<16xi32> to vector<1xi32>
      %squeeze3A_94 = vector.extract %slice3A_93[0] : i32 from vector<1xi32>
      %shift_right_arithmetic3A_95 = arith.constant 7 : i32
      %shift_right_arithmetic3A_96 = arith.shrsi %squeeze3A_94, %shift_right_arithmetic3A_95 : i32
      %mul3A_97 = arith.constant 128 : i32
      %mul3A_98 = arith.muli %shift_right_arithmetic3A_96, %mul3A_97 : i32
      %multiple_of3A_99 = tpu.assume_multiple %mul3A_98, 128 : i32
      %dma_start3A_100 = arith.constant 4 : i32
      %dma_start3A_101 = arith.constant 0 : i32
      %dma_start3A_102 = arith.constant 0 : i32
      %dma_start3A_103 = tpu.memref_slice %arg10[%dma_start3A_100, %dma_start3A_101, %dma_start3A_102] : memref<8x64x128xf32, #tpu.memory_space<vmem>> -> memref<1x64x128xf32, #tpu.memory_space<vmem>>
      %dma_start3A_104 = tpu.memref_squeeze %dma_start3A_103 : memref<1x64x128xf32, #tpu.memory_space<vmem>> -> memref<64x128xf32, #tpu.memory_space<vmem>>
      %dma_start3A_105 = arith.constant 0 : i32
      %dma_start3A_106 = tpu.memref_slice %arg4[%dma_start3A_105, %multiple_of3A_99] : memref<64x1000000xf32, #tpu.memory_space<hbm>> -> memref<64x128xf32, #tpu.memory_space<hbm>>
      %dma_start3A_107 = arith.constant 0 : i32
      %dma_start3A_108 = arith.constant 0 : i32
      %dma_start3A_109 = tpu.memref_slice %arg10[%dma_start3A_100, %dma_start3A_107, %dma_start3A_108] : memref<8x64x128xf32, #tpu.memory_space<vmem>> -> memref<1x64x128xf32, #tpu.memory_space<vmem>>
      %dma_start3A_110 = tpu.memref_squeeze %dma_start3A_109 : memref<1x64x128xf32, #tpu.memory_space<vmem>> -> memref<64x128xf32, #tpu.memory_space<vmem>>
      %dma_start3A_111 = arith.constant 0 : i32
      %dma_start3A_112 = tpu.memref_slice %arg4[%dma_start3A_111, %multiple_of3A_99] : memref<64x1000000xf32, #tpu.memory_space<hbm>> -> memref<64x128xf32, #tpu.memory_space<hbm>>
      tpu.enqueue_dma source(%dma_start3A_112 : memref<64x128xf32, #tpu.memory_space<hbm>>) target(%dma_start3A_110 : memref<64x128xf32, #tpu.memory_space<vmem>>) target_semaphore(%arg18 : memref<!tpu.dma_semaphore, #tpu.memory_space<semaphore_mem>>)
      %slice3A_113 = vector.extract_strided_slice %get3A_15 {offsets = [5], sizes = [1], strides = [1]} : vector<16xi32> to vector<1xi32>
      %squeeze3A_114 = vector.extract %slice3A_113[0] : i32 from vector<1xi32>
      %shift_right_arithmetic3A_115 = arith.constant 7 : i32
      %shift_right_arithmetic3A_116 = arith.shrsi %squeeze3A_114, %shift_right_arithmetic3A_115 : i32
      %mul3A_117 = arith.constant 128 : i32
      %mul3A_118 = arith.muli %shift_right_arithmetic3A_116, %mul3A_117 : i32
      %multiple_of3A_119 = tpu.assume_multiple %mul3A_118, 128 : i32
      %dma_start3A_120 = arith.constant 5 : i32
      %dma_start3A_121 = arith.constant 0 : i32
      %dma_start3A_122 = arith.constant 0 : i32
      %dma_start3A_123 = tpu.memref_slice %arg10[%dma_start3A_120, %dma_start3A_121, %dma_start3A_122] : memref<8x64x128xf32, #tpu.memory_space<vmem>> -> memref<1x64x128xf32, #tpu.memory_space<vmem>>
      %dma_start3A_124 = tpu.memref_squeeze %dma_start3A_123 : memref<1x64x128xf32, #tpu.memory_space<vmem>> -> memref<64x128xf32, #tpu.memory_space<vmem>>
      %dma_start3A_125 = arith.constant 0 : i32
      %dma_start3A_126 = tpu.memref_slice %arg4[%dma_start3A_125, %multiple_of3A_119] : memref<64x1000000xf32, #tpu.memory_space<hbm>> -> memref<64x128xf32, #tpu.memory_space<hbm>>
      %dma_start3A_127 = arith.constant 0 : i32
      %dma_start3A_128 = arith.constant 0 : i32
      %dma_start3A_129 = tpu.memref_slice %arg10[%dma_start3A_120, %dma_start3A_127, %dma_start3A_128] : memref<8x64x128xf32, #tpu.memory_space<vmem>> -> memref<1x64x128xf32, #tpu.memory_space<vmem>>
      %dma_start3A_130 = tpu.memref_squeeze %dma_start3A_129 : memref<1x64x128xf32, #tpu.memory_space<vmem>> -> memref<64x128xf32, #tpu.memory_space<vmem>>
      %dma_start3A_131 = arith.constant 0 : i32
      %dma_start3A_132 = tpu.memref_slice %arg4[%dma_start3A_131, %multiple_of3A_119] : memref<64x1000000xf32, #tpu.memory_space<hbm>> -> memref<64x128xf32, #tpu.memory_space<hbm>>
      tpu.enqueue_dma source(%dma_start3A_132 : memref<64x128xf32, #tpu.memory_space<hbm>>) target(%dma_start3A_130 : memref<64x128xf32, #tpu.memory_space<vmem>>) target_semaphore(%arg19 : memref<!tpu.dma_semaphore, #tpu.memory_space<semaphore_mem>>)
      %slice3A_133 = vector.extract_strided_slice %get3A_15 {offsets = [6], sizes = [1], strides = [1]} : vector<16xi32> to vector<1xi32>
      %squeeze3A_134 = vector.extract %slice3A_133[0] : i32 from vector<1xi32>
      %shift_right_arithmetic3A_135 = arith.constant 7 : i32
      %shift_right_arithmetic3A_136 = arith.shrsi %squeeze3A_134, %shift_right_arithmetic3A_135 : i32
      %mul3A_137 = arith.constant 128 : i32
      %mul3A_138 = arith.muli %shift_right_arithmetic3A_136, %mul3A_137 : i32
      %multiple_of3A_139 = tpu.assume_multiple %mul3A_138, 128 : i32
      %dma_start3A_140 = arith.constant 6 : i32
      %dma_start3A_141 = arith.constant 0 : i32
      %dma_start3A_142 = arith.constant 0 : i32
      %dma_start3A_143 = tpu.memref_slice %arg10[%dma_start3A_140, %dma_start3A_141, %dma_start3A_142] : memref<8x64x128xf32, #tpu.memory_space<vmem>> -> memref<1x64x128xf32, #tpu.memory_space<vmem>>
      %dma_start3A_144 = tpu.memref_squeeze %dma_start3A_143 : memref<1x64x128xf32, #tpu.memory_space<vmem>> -> memref<64x128xf32, #tpu.memory_space<vmem>>
      %dma_start3A_145 = arith.constant 0 : i32
      %dma_start3A_146 = tpu.memref_slice %arg4[%dma_start3A_145, %multiple_of3A_139] : memref<64x1000000xf32, #tpu.memory_space<hbm>> -> memref<64x128xf32, #tpu.memory_space<hbm>>
      %dma_start3A_147 = arith.constant 0 : i32
      %dma_start3A_148 = arith.constant 0 : i32
      %dma_start3A_149 = tpu.memref_slice %arg10[%dma_start3A_140, %dma_start3A_147, %dma_start3A_148] : memref<8x64x128xf32, #tpu.memory_space<vmem>> -> memref<1x64x128xf32, #tpu.memory_space<vmem>>
      %dma_start3A_150 = tpu.memref_squeeze %dma_start3A_149 : memref<1x64x128xf32, #tpu.memory_space<vmem>> -> memref<64x128xf32, #tpu.memory_space<vmem>>
      %dma_start3A_151 = arith.constant 0 : i32
      %dma_start3A_152 = tpu.memref_slice %arg4[%dma_start3A_151, %multiple_of3A_139] : memref<64x1000000xf32, #tpu.memory_space<hbm>> -> memref<64x128xf32, #tpu.memory_space<hbm>>
      tpu.enqueue_dma source(%dma_start3A_152 : memref<64x128xf32, #tpu.memory_space<hbm>>) target(%dma_start3A_150 : memref<64x128xf32, #tpu.memory_space<vmem>>) target_semaphore(%arg20 : memref<!tpu.dma_semaphore, #tpu.memory_space<semaphore_mem>>)
      %slice3A_153 = vector.extract_strided_slice %get3A_15 {offsets = [7], sizes = [1], strides = [1]} : vector<16xi32> to vector<1xi32>
      %squeeze3A_154 = vector.extract %slice3A_153[0] : i32 from vector<1xi32>
      %shift_right_arithmetic3A_155 = arith.constant 7 : i32
      %shift_right_arithmetic3A_156 = arith.shrsi %squeeze3A_154, %shift_right_arithmetic3A_155 : i32
      %mul3A_157 = arith.constant 128 : i32
      %mul3A_158 = arith.muli %shift_right_arithmetic3A_156, %mul3A_157 : i32
      %multiple_of3A_159 = tpu.assume_multiple %mul3A_158, 128 : i32
      %dma_start3A_160 = arith.constant 7 : i32
      %dma_start3A_161 = arith.constant 0 : i32
      %dma_start3A_162 = arith.constant 0 : i32
      %dma_start3A_163 = tpu.memref_slice %arg10[%dma_start3A_160, %dma_start3A_161, %dma_start3A_162] : memref<8x64x128xf32, #tpu.memory_space<vmem>> -> memref<1x64x128xf32, #tpu.memory_space<vmem>>
      %dma_start3A_164 = tpu.memref_squeeze %dma_start3A_163 : memref<1x64x128xf32, #tpu.memory_space<vmem>> -> memref<64x128xf32, #tpu.memory_space<vmem>>
      %dma_start3A_165 = arith.constant 0 : i32
      %dma_start3A_166 = tpu.memref_slice %arg4[%dma_start3A_165, %multiple_of3A_159] : memref<64x1000000xf32, #tpu.memory_space<hbm>> -> memref<64x128xf32, #tpu.memory_space<hbm>>
      %dma_start3A_167 = arith.constant 0 : i32
      %dma_start3A_168 = arith.constant 0 : i32
      %dma_start3A_169 = tpu.memref_slice %arg10[%dma_start3A_160, %dma_start3A_167, %dma_start3A_168] : memref<8x64x128xf32, #tpu.memory_space<vmem>> -> memref<1x64x128xf32, #tpu.memory_space<vmem>>
      %dma_start3A_170 = tpu.memref_squeeze %dma_start3A_169 : memref<1x64x128xf32, #tpu.memory_space<vmem>> -> memref<64x128xf32, #tpu.memory_space<vmem>>
      %dma_start3A_171 = arith.constant 0 : i32
      %dma_start3A_172 = tpu.memref_slice %arg4[%dma_start3A_171, %multiple_of3A_159] : memref<64x1000000xf32, #tpu.memory_space<hbm>> -> memref<64x128xf32, #tpu.memory_space<hbm>>
      tpu.enqueue_dma source(%dma_start3A_172 : memref<64x128xf32, #tpu.memory_space<hbm>>) target(%dma_start3A_170 : memref<64x128xf32, #tpu.memory_space<vmem>>) target_semaphore(%arg21 : memref<!tpu.dma_semaphore, #tpu.memory_space<semaphore_mem>>)
      %slice3A_173 = vector.extract_strided_slice %get3A_15 {offsets = [0], sizes = [1], strides = [1]} : vector<16xi32> to vector<1xi32>
      %squeeze3A_174 = vector.extract %slice3A_173[0] : i32 from vector<1xi32>
      %mul3A_175 = arith.constant 16 : i32
      %mul3A_176 = arith.muli %scan3A_12, %mul3A_175 : i32
      %add3A_177 = arith.constant 0 : i32
      %add3A_178 = arith.addi %mul3A_176, %add3A_177 : i32
      %and3A = arith.constant 127 : i32
      %and3A_179 = arith.andi %squeeze3A_174, %and3A : i32
      %dma_wait3A_180 = arith.constant 0 : i32
      %dma_wait3A_181 = arith.constant 0 : i32
      %dma_wait3A_182 = arith.constant 0 : i32
      %dma_wait3A_183 = tpu.memref_slice %arg10[%dma_wait3A_180, %dma_wait3A_181, %dma_wait3A_182] : memref<8x64x128xf32, #tpu.memory_space<vmem>> -> memref<1x64x128xf32, #tpu.memory_space<vmem>>
      %dma_wait3A_184 = tpu.memref_squeeze %dma_wait3A_183 : memref<1x64x128xf32, #tpu.memory_space<vmem>> -> memref<64x128xf32, #tpu.memory_space<vmem>>
      %dma_wait3A_185 = arith.constant 0 : i32
      %dma_wait3A_186 = arith.constant 0 : i32
      %dma_wait3A_187 = tpu.memref_slice %arg4[%dma_wait3A_185, %dma_wait3A_186] : memref<64x1000000xf32, #tpu.memory_space<hbm>> -> memref<64x128xf32, #tpu.memory_space<hbm>>
      %dma_wait3A_188 = arith.constant 0 : i32
      %dma_wait3A_189 = arith.constant 0 : i32
      %dma_wait3A_190 = tpu.memref_slice %arg10[%dma_wait3A_180, %dma_wait3A_188, %dma_wait3A_189] : memref<8x64x128xf32, #tpu.memory_space<vmem>> -> memref<1x64x128xf32, #tpu.memory_space<vmem>>
      %dma_wait3A_191 = tpu.memref_squeeze %dma_wait3A_190 : memref<1x64x128xf32, #tpu.memory_space<vmem>> -> memref<64x128xf32, #tpu.memory_space<vmem>>
      %dma_wait3A_192 = arith.constant 0 : i32
      %dma_wait3A_193 = arith.constant 0 : i32
      %dma_wait3A_194 = tpu.memref_slice %arg4[%dma_wait3A_192, %dma_wait3A_193] : memref<64x1000000xf32, #tpu.memory_space<hbm>> -> memref<64x128xf32, #tpu.memory_space<hbm>>
      tpu.wait_dma2 semaphore(%arg14 : memref<!tpu.dma_semaphore, #tpu.memory_space<semaphore_mem>>) src(%dma_wait3A_194 : memref<64x128xf32, #tpu.memory_space<hbm>>) dst(%dma_wait3A_191 : memref<64x128xf32, #tpu.memory_space<vmem>>)
      %add3A_195 = arith.constant 0 : i32
      %add3A_196 = vector.broadcast %add3A_195 : i32 to vector<16xi32>
      %add3A_197 = arith.addi %add3A_196, %iota3A : vector<16xi32>
      %broadcast_in_dim3A = vector.broadcast %and3A_179 : i32 to vector<16xi32>
      %gather3A = arith.constant 0 : i32
      %gather3A_198 = arith.constant 0 : i32
      %gather3A_199 = arith.constant 0 : i32
      %gather3A_200 = tpu.memref_slice %arg10[%gather3A, %gather3A_198, %gather3A_199] : memref<8x64x128xf32, #tpu.memory_space<vmem>> -> memref<1x64x128xf32, #tpu.memory_space<vmem>>
      %gather3A_201 = tpu.memref_squeeze %gather3A_200 : memref<1x64x128xf32, #tpu.memory_space<vmem>> -> memref<64x128xf32, #tpu.memory_space<vmem>>
      %gather3A_202 = tpu.vector_load_idx %gather3A_201[%add3A_197, %broadcast_in_dim3A] : memref<64x128xf32, #tpu.memory_space<vmem>>[vector<16xi32>, vector<16xi32>], vector<16xf32>,
      %broadcast_in_dim3A_203 = vector.broadcast %add3A_178 : i32 to vector<16xi32>
      tpu.vector_store_idx %arg11[%add3A_197, %broadcast_in_dim3A_203], %gather3A_202 : memref<64x128xf32, #tpu.memory_space<vmem>>[vector<16xi32>, vector<16xi32>], vector<16xf32>,
      %add3A_204 = arith.constant 16 : i32
      %add3A_205 = vector.broadcast %add3A_204 : i32 to vector<16xi32>
      %add3A_206 = arith.addi %add3A_205, %iota3A : vector<16xi32>
      %broadcast_in_dim3A_207 = vector.broadcast %and3A_179 : i32 to vector<16xi32>
      %gather3A_208 = arith.constant 0 : i32
      %gather3A_209 = arith.constant 0 : i32
      %gather3A_210 = arith.constant 0 : i32
      %gather3A_211 = tpu.memref_slice %arg10[%gather3A_208, %gather3A_209, %gather3A_210] : memref<8x64x128xf32, #tpu.memory_space<vmem>> -> memref<1x64x128xf32, #tpu.memory_space<vmem>>
      %gather3A_212 = tpu.memref_squeeze %gather3A_211 : memref<1x64x128xf32, #tpu.memory_space<vmem>> -> memref<64x128xf32, #tpu.memory_space<vmem>>
      %gather3A_213 = tpu.vector_load_idx %gather3A_212[%add3A_206, %broadcast_in_dim3A_207] : memref<64x128xf32, #tpu.memory_space<vmem>>[vector<16xi32>, vector<16xi32>], vector<16xf32>,
      %broadcast_in_dim3A_214 = vector.broadcast %add3A_178 : i32 to vector<16xi32>
      tpu.vector_store_idx %arg11[%add3A_206, %broadcast_in_dim3A_214], %gather3A_213 : memref<64x128xf32, #tpu.memory_space<vmem>>[vector<16xi32>, vector<16xi32>], vector<16xf32>,
      %add3A_215 = arith.constant 32 : i32
      %add3A_216 = vector.broadcast %add3A_215 : i32 to vector<16xi32>
      %add3A_217 = arith.addi %add3A_216, %iota3A : vector<16xi32>
      %broadcast_in_dim3A_218 = vector.broadcast %and3A_179 : i32 to vector<16xi32>
      %gather3A_219 = arith.constant 0 : i32
      %gather3A_220 = arith.constant 0 : i32
      %gather3A_221 = arith.constant 0 : i32
      %gather3A_222 = tpu.memref_slice %arg10[%gather3A_219, %gather3A_220, %gather3A_221] : memref<8x64x128xf32, #tpu.memory_space<vmem>> -> memref<1x64x128xf32, #tpu.memory_space<vmem>>
      %gather3A_223 = tpu.memref_squeeze %gather3A_222 : memref<1x64x128xf32, #tpu.memory_space<vmem>> -> memref<64x128xf32, #tpu.memory_space<vmem>>
      %gather3A_224 = tpu.vector_load_idx %gather3A_223[%add3A_217, %broadcast_in_dim3A_218] : memref<64x128xf32, #tpu.memory_space<vmem>>[vector<16xi32>, vector<16xi32>], vector<16xf32>,
      %broadcast_in_dim3A_225 = vector.broadcast %add3A_178 : i32 to vector<16xi32>
      tpu.vector_store_idx %arg11[%add3A_217, %broadcast_in_dim3A_225], %gather3A_224 : memref<64x128xf32, #tpu.memory_space<vmem>>[vector<16xi32>, vector<16xi32>], vector<16xf32>,
      %add3A_226 = arith.constant 48 : i32
      %add3A_227 = vector.broadcast %add3A_226 : i32 to vector<16xi32>
      %add3A_228 = arith.addi %add3A_227, %iota3A : vector<16xi32>
      %broadcast_in_dim3A_229 = vector.broadcast %and3A_179 : i32 to vector<16xi32>
      %gather3A_230 = arith.constant 0 : i32
      %gather3A_231 = arith.constant 0 : i32
      %gather3A_232 = arith.constant 0 : i32
      %gather3A_233 = tpu.memref_slice %arg10[%gather3A_230, %gather3A_231, %gather3A_232] : memref<8x64x128xf32, #tpu.memory_space<vmem>> -> memref<1x64x128xf32, #tpu.memory_space<vmem>>
      %gather3A_234 = tpu.memref_squeeze %gather3A_233 : memref<1x64x128xf32, #tpu.memory_space<vmem>> -> memref<64x128xf32, #tpu.memory_space<vmem>>
      %gather3A_235 = tpu.vector_load_idx %gather3A_234[%add3A_228, %broadcast_in_dim3A_229] : memref<64x128xf32, #tpu.memory_space<vmem>>[vector<16xi32>, vector<16xi32>], vector<16xf32>,
      %broadcast_in_dim3A_236 = vector.broadcast %add3A_178 : i32 to vector<16xi32>
      tpu.vector_store_idx %arg11[%add3A_228, %broadcast_in_dim3A_236], %gather3A_235 : memref<64x128xf32, #tpu.memory_space<vmem>>[vector<16xi32>, vector<16xi32>], vector<16xf32>,
      %slice3A_237 = vector.extract_strided_slice %get3A_15 {offsets = [8], sizes = [1], strides = [1]} : vector<16xi32> to vector<1xi32>
      %squeeze3A_238 = vector.extract %slice3A_237[0] : i32 from vector<1xi32>
      %shift_right_arithmetic3A_239 = arith.constant 7 : i32
      %shift_right_arithmetic3A_240 = arith.shrsi %squeeze3A_238, %shift_right_arithmetic3A_239 : i32
      %mul3A_241 = arith.constant 128 : i32
      %mul3A_242 = arith.muli %shift_right_arithmetic3A_240, %mul3A_241 : i32
      %multiple_of3A_243 = tpu.assume_multiple %mul3A_242, 128 : i32
      %dma_start3A_244 = arith.constant 0 : i32
      %dma_start3A_245 = arith.constant 0 : i32
      %dma_start3A_246 = arith.constant 0 : i32
      %dma_start3A_247 = tpu.memref_slice %arg10[%dma_start3A_244, %dma_start3A_245, %dma_start3A_246] : memref<8x64x128xf32, #tpu.memory_space<vmem>> -> memref<1x64x128xf32, #tpu.memory_space<vmem>>
      %dma_start3A_248 = tpu.memref_squeeze %dma_start3A_247 : memref<1x64x128xf32, #tpu.memory_space<vmem>> -> memref<64x128xf32, #tpu.memory_space<vmem>>
      %dma_start3A_249 = arith.constant 0 : i32
      %dma_start3A_250 = tpu.memref_slice %arg4[%dma_start3A_249, %multiple_of3A_243] : memref<64x1000000xf32, #tpu.memory_space<hbm>> -> memref<64x128xf32, #tpu.memory_space<hbm>>
      %dma_start3A_251 = arith.constant 0 : i32
      %dma_start3A_252 = arith.constant 0 : i32
      %dma_start3A_253 = tpu.memref_slice %arg10[%dma_start3A_244, %dma_start3A_251, %dma_start3A_252] : memref<8x64x128xf32, #tpu.memory_space<vmem>> -> memref<1x64x128xf32, #tpu.memory_space<vmem>>
      %dma_start3A_254 = tpu.memref_squeeze %dma_start3A_253 : memref<1x64x128xf32, #tpu.memory_space<vmem>> -> memref<64x128xf32, #tpu.memory_space<vmem>>
      %dma_start3A_255 = arith.constant 0 : i32
      %dma_start3A_256 = tpu.memref_slice %arg4[%dma_start3A_255, %multiple_of3A_243] : memref<64x1000000xf32, #tpu.memory_space<hbm>> -> memref<64x128xf32, #tpu.memory_space<hbm>>
      tpu.enqueue_dma source(%dma_start3A_256 : memref<64x128xf32, #tpu.memory_space<hbm>>) target(%dma_start3A_254 : memref<64x128xf32, #tpu.memory_space<vmem>>) target_semaphore(%arg14 : memref<!tpu.dma_semaphore, #tpu.memory_space<semaphore_mem>>)
      %slice3A_257 = vector.extract_strided_slice %get3A_15 {offsets = [1], sizes = [1], strides = [1]} : vector<16xi32> to vector<1xi32>
      %squeeze3A_258 = vector.extract %slice3A_257[0] : i32 from vector<1xi32>
      %mul3A_259 = arith.constant 16 : i32
      %mul3A_260 = arith.muli %scan3A_12, %mul3A_259 : i32
      %add3A_261 = arith.constant 1 : i32
      %add3A_262 = arith.addi %mul3A_260, %add3A_261 : i32
      %and3A_263 = arith.constant 127 : i32
      %and3A_264 = arith.andi %squeeze3A_258, %and3A_263 : i32
      %dma_wait3A_265 = arith.constant 1 : i32
      %dma_wait3A_266 = arith.constant 0 : i32
      %dma_wait3A_267 = arith.constant 0 : i32
      %dma_wait3A_268 = tpu.memref_slice %arg10[%dma_wait3A_265, %dma_wait3A_266, %dma_wait3A_267] : memref<8x64x128xf32, #tpu.memory_space<vmem>> -> memref<1x64x128xf32, #tpu.memory_space<vmem>>
      %dma_wait3A_269 = tpu.memref_squeeze %dma_wait3A_268 : memref<1x64x128xf32, #tpu.memory_space<vmem>> -> memref<64x128xf32, #tpu.memory_space<vmem>>
      %dma_wait3A_270 = arith.constant 0 : i32
      %dma_wait3A_271 = arith.constant 0 : i32
      %dma_wait3A_272 = tpu.memref_slice %arg4[%dma_wait3A_270, %dma_wait3A_271] : memref<64x1000000xf32, #tpu.memory_space<hbm>> -> memref<64x128xf32, #tpu.memory_space<hbm>>
      %dma_wait3A_273 = arith.constant 0 : i32
      %dma_wait3A_274 = arith.constant 0 : i32
      %dma_wait3A_275 = tpu.memref_slice %arg10[%dma_wait3A_265, %dma_wait3A_273, %dma_wait3A_274] : memref<8x64x128xf32, #tpu.memory_space<vmem>> -> memref<1x64x128xf32, #tpu.memory_space<vmem>>
      %dma_wait3A_276 = tpu.memref_squeeze %dma_wait3A_275 : memref<1x64x128xf32, #tpu.memory_space<vmem>> -> memref<64x128xf32, #tpu.memory_space<vmem>>
      %dma_wait3A_277 = arith.constant 0 : i32
      %dma_wait3A_278 = arith.constant 0 : i32
      %dma_wait3A_279 = tpu.memref_slice %arg4[%dma_wait3A_277, %dma_wait3A_278] : memref<64x1000000xf32, #tpu.memory_space<hbm>> -> memref<64x128xf32, #tpu.memory_space<hbm>>
      tpu.wait_dma2 semaphore(%arg15 : memref<!tpu.dma_semaphore, #tpu.memory_space<semaphore_mem>>) src(%dma_wait3A_279 : memref<64x128xf32, #tpu.memory_space<hbm>>) dst(%dma_wait3A_276 : memref<64x128xf32, #tpu.memory_space<vmem>>)
      %add3A_280 = arith.constant 0 : i32
      %add3A_281 = vector.broadcast %add3A_280 : i32 to vector<16xi32>
      %add3A_282 = arith.addi %add3A_281, %iota3A : vector<16xi32>
      %broadcast_in_dim3A_283 = vector.broadcast %and3A_264 : i32 to vector<16xi32>
      %gather3A_284 = arith.constant 1 : i32
      %gather3A_285 = arith.constant 0 : i32
      %gather3A_286 = arith.constant 0 : i32
      %gather3A_287 = tpu.memref_slice %arg10[%gather3A_284, %gather3A_285, %gather3A_286] : memref<8x64x128xf32, #tpu.memory_space<vmem>> -> memref<1x64x128xf32, #tpu.memory_space<vmem>>
      %gather3A_288 = tpu.memref_squeeze %gather3A_287 : memref<1x64x128xf32, #tpu.memory_space<vmem>> -> memref<64x128xf32, #tpu.memory_space<vmem>>
      %gather3A_289 = tpu.vector_load_idx %gather3A_288[%add3A_282, %broadcast_in_dim3A_283] : memref<64x128xf32, #tpu.memory_space<vmem>>[vector<16xi32>, vector<16xi32>], vector<16xf32>,
      %broadcast_in_dim3A_290 = vector.broadcast %add3A_262 : i32 to vector<16xi32>
      tpu.vector_store_idx %arg11[%add3A_282, %broadcast_in_dim3A_290], %gather3A_289 : memref<64x128xf32, #tpu.memory_space<vmem>>[vector<16xi32>, vector<16xi32>], vector<16xf32>,
      %add3A_291 = arith.constant 16 : i32
      %add3A_292 = vector.broadcast %add3A_291 : i32 to vector<16xi32>
      %add3A_293 = arith.addi %add3A_292, %iota3A : vector<16xi32>
      %broadcast_in_dim3A_294 = vector.broadcast %and3A_264 : i32 to vector<16xi32>
      %gather3A_295 = arith.constant 1 : i32
      %gather3A_296 = arith.constant 0 : i32
      %gather3A_297 = arith.constant 0 : i32
      %gather3A_298 = tpu.memref_slice %arg10[%gather3A_295, %gather3A_296, %gather3A_297] : memref<8x64x128xf32, #tpu.memory_space<vmem>> -> memref<1x64x128xf32, #tpu.memory_space<vmem>>
      %gather3A_299 = tpu.memref_squeeze %gather3A_298 : memref<1x64x128xf32, #tpu.memory_space<vmem>> -> memref<64x128xf32, #tpu.memory_space<vmem>>
      %gather3A_300 = tpu.vector_load_idx %gather3A_299[%add3A_293, %broadcast_in_dim3A_294] : memref<64x128xf32, #tpu.memory_space<vmem>>[vector<16xi32>, vector<16xi32>], vector<16xf32>,
      %broadcast_in_dim3A_301 = vector.broadcast %add3A_262 : i32 to vector<16xi32>
      tpu.vector_store_idx %arg11[%add3A_293, %broadcast_in_dim3A_301], %gather3A_300 : memref<64x128xf32, #tpu.memory_space<vmem>>[vector<16xi32>, vector<16xi32>], vector<16xf32>,
      %add3A_302 = arith.constant 32 : i32
      %add3A_303 = vector.broadcast %add3A_302 : i32 to vector<16xi32>
      %add3A_304 = arith.addi %add3A_303, %iota3A : vector<16xi32>
      %broadcast_in_dim3A_305 = vector.broadcast %and3A_264 : i32 to vector<16xi32>
      %gather3A_306 = arith.constant 1 : i32
      %gather3A_307 = arith.constant 0 : i32
      %gather3A_308 = arith.constant 0 : i32
      %gather3A_309 = tpu.memref_slice %arg10[%gather3A_306, %gather3A_307, %gather3A_308] : memref<8x64x128xf32, #tpu.memory_space<vmem>> -> memref<1x64x128xf32, #tpu.memory_space<vmem>>
      %gather3A_310 = tpu.memref_squeeze %gather3A_309 : memref<1x64x128xf32, #tpu.memory_space<vmem>> -> memref<64x128xf32, #tpu.memory_space<vmem>>
      %gather3A_311 = tpu.vector_load_idx %gather3A_310[%add3A_304, %broadcast_in_dim3A_305] : memref<64x128xf32, #tpu.memory_space<vmem>>[vector<16xi32>, vector<16xi32>], vector<16xf32>,
      %broadcast_in_dim3A_312 = vector.broadcast %add3A_262 : i32 to vector<16xi32>
      tpu.vector_store_idx %arg11[%add3A_304, %broadcast_in_dim3A_312], %gather3A_311 : memref<64x128xf32, #tpu.memory_space<vmem>>[vector<16xi32>, vector<16xi32>], vector<16xf32>,
      %add3A_313 = arith.constant 48 : i32
      %add3A_314 = vector.broadcast %add3A_313 : i32 to vector<16xi32>
      %add3A_315 = arith.addi %add3A_314, %iota3A : vector<16xi32>
      %broadcast_in_dim3A_316 = vector.broadcast %and3A_264 : i32 to vector<16xi32>
      %gather3A_317 = arith.constant 1 : i32
      %gather3A_318 = arith.constant 0 : i32
      %gather3A_319 = arith.constant 0 : i32
      %gather3A_320 = tpu.memref_slice %arg10[%gather3A_317, %gather3A_318, %gather3A_319] : memref<8x64x128xf32, #tpu.memory_space<vmem>> -> memref<1x64x128xf32, #tpu.memory_space<vmem>>
      %gather3A_321 = tpu.memref_squeeze %gather3A_320 : memref<1x64x128xf32, #tpu.memory_space<vmem>> -> memref<64x128xf32, #tpu.memory_space<vmem>>
      %gather3A_322 = tpu.vector_load_idx %gather3A_321[%add3A_315, %broadcast_in_dim3A_316] : memref<64x128xf32, #tpu.memory_space<vmem>>[vector<16xi32>, vector<16xi32>], vector<16xf32>,
      %broadcast_in_dim3A_323 = vector.broadcast %add3A_262 : i32 to vector<16xi32>
      tpu.vector_store_idx %arg11[%add3A_315, %broadcast_in_dim3A_323], %gather3A_322 : memref<64x128xf32, #tpu.memory_space<vmem>>[vector<16xi32>, vector<16xi32>], vector<16xf32>,
      %slice3A_324 = vector.extract_strided_slice %get3A_15 {offsets = [9], sizes = [1], strides = [1]} : vector<16xi32> to vector<1xi32>
      %squeeze3A_325 = vector.extract %slice3A_324[0] : i32 from vector<1xi32>
      %shift_right_arithmetic3A_326 = arith.constant 7 : i32
      %shift_right_arithmetic3A_327 = arith.shrsi %squeeze3A_325, %shift_right_arithmetic3A_326 : i32
      %mul3A_328 = arith.constant 128 : i32
      %mul3A_329 = arith.muli %shift_right_arithmetic3A_327, %mul3A_328 : i32
      %multiple_of3A_330 = tpu.assume_multiple %mul3A_329, 128 : i32
      %dma_start3A_331 = arith.constant 1 : i32
      %dma_start3A_332 = arith.constant 0 : i32
      %dma_start3A_333 = arith.constant 0 : i32
      %dma_start3A_334 = tpu.memref_slice %arg10[%dma_start3A_331, %dma_start3A_332, %dma_start3A_333] : memref<8x64x128xf32, #tpu.memory_space<vmem>> -> memref<1x64x128xf32, #tpu.memory_space<vmem>>
      %dma_start3A_335 = tpu.memref_squeeze %dma_start3A_334 : memref<1x64x128xf32, #tpu.memory_space<vmem>> -> memref<64x128xf32, #tpu.memory_space<vmem>>
      %dma_start3A_336 = arith.constant 0 : i32
      %dma_start3A_337 = tpu.memref_slice %arg4[%dma_start3A_336, %multiple_of3A_330] : memref<64x1000000xf32, #tpu.memory_space<hbm>> -> memref<64x128xf32, #tpu.memory_space<hbm>>
      %dma_start3A_338 = arith.constant 0 : i32
      %dma_start3A_339 = arith.constant 0 : i32
      %dma_start3A_340 = tpu.memref_slice %arg10[%dma_start3A_331, %dma_start3A_338, %dma_start3A_339] : memref<8x64x128xf32, #tpu.memory_space<vmem>> -> memref<1x64x128xf32, #tpu.memory_space<vmem>>
      %dma_start3A_341 = tpu.memref_squeeze %dma_start3A_340 : memref<1x64x128xf32, #tpu.memory_space<vmem>> -> memref<64x128xf32, #tpu.memory_space<vmem>>
      %dma_start3A_342 = arith.constant 0 : i32
      %dma_start3A_343 = tpu.memref_slice %arg4[%dma_start3A_342, %multiple_of3A_330] : memref<64x1000000xf32, #tpu.memory_space<hbm>> -> memref<64x128xf32, #tpu.memory_space<hbm>>
      tpu.enqueue_dma source(%dma_start3A_343 : memref<64x128xf32, #tpu.memory_space<hbm>>) target(%dma_start3A_341 : memref<64x128xf32, #tpu.memory_space<vmem>>) target_semaphore(%arg15 : memref<!tpu.dma_semaphore, #tpu.memory_space<semaphore_mem>>)
      %slice3A_344 = vector.extract_strided_slice %get3A_15 {offsets = [2], sizes = [1], strides = [1]} : vector<16xi32> to vector<1xi32>
      %squeeze3A_345 = vector.extract %slice3A_344[0] : i32 from vector<1xi32>
      %mul3A_346 = arith.constant 16 : i32
      %mul3A_347 = arith.muli %scan3A_12, %mul3A_346 : i32
      %add3A_348 = arith.constant 2 : i32
      %add3A_349 = arith.addi %mul3A_347, %add3A_348 : i32
      %and3A_350 = arith.constant 127 : i32
      %and3A_351 = arith.andi %squeeze3A_345, %and3A_350 : i32
      %dma_wait3A_352 = arith.constant 2 : i32
      %dma_wait3A_353 = arith.constant 0 : i32
      %dma_wait3A_354 = arith.constant 0 : i32
      %dma_wait3A_355 = tpu.memref_slice %arg10[%dma_wait3A_352, %dma_wait3A_353, %dma_wait3A_354] : memref<8x64x128xf32, #tpu.memory_space<vmem>> -> memref<1x64x128xf32, #tpu.memory_space<vmem>>
      %dma_wait3A_356 = tpu.memref_squeeze %dma_wait3A_355 : memref<1x64x128xf32, #tpu.memory_space<vmem>> -> memref<64x128xf32, #tpu.memory_space<vmem>>
      %dma_wait3A_357 = arith.constant 0 : i32
      %dma_wait3A_358 = arith.constant 0 : i32
      %dma_wait3A_359 = tpu.memref_slice %arg4[%dma_wait3A_357, %dma_wait3A_358] : memref<64x1000000xf32, #tpu.memory_space<hbm>> -> memref<64x128xf32, #tpu.memory_space<hbm>>
      %dma_wait3A_360 = arith.constant 0 : i32
      %dma_wait3A_361 = arith.constant 0 : i32
      %dma_wait3A_362 = tpu.memref_slice %arg10[%dma_wait3A_352, %dma_wait3A_360, %dma_wait3A_361] : memref<8x64x128xf32, #tpu.memory_space<vmem>> -> memref<1x64x128xf32, #tpu.memory_space<vmem>>
      %dma_wait3A_363 = tpu.memref_squeeze %dma_wait3A_362 : memref<1x64x128xf32, #tpu.memory_space<vmem>> -> memref<64x128xf32, #tpu.memory_space<vmem>>
      %dma_wait3A_364 = arith.constant 0 : i32
      %dma_wait3A_365 = arith.constant 0 : i32
      %dma_wait3A_366 = tpu.memref_slice %arg4[%dma_wait3A_364, %dma_wait3A_365] : memref<64x1000000xf32, #tpu.memory_space<hbm>> -> memref<64x128xf32, #tpu.memory_space<hbm>>
      tpu.wait_dma2 semaphore(%arg16 : memref<!tpu.dma_semaphore, #tpu.memory_space<semaphore_mem>>) src(%dma_wait3A_366 : memref<64x128xf32, #tpu.memory_space<hbm>>) dst(%dma_wait3A_363 : memref<64x128xf32, #tpu.memory_space<vmem>>)
      %add3A_367 = arith.constant 0 : i32
      %add3A_368 = vector.broadcast %add3A_367 : i32 to vector<16xi32>
      %add3A_369 = arith.addi %add3A_368, %iota3A : vector<16xi32>
      %broadcast_in_dim3A_370 = vector.broadcast %and3A_351 : i32 to vector<16xi32>
      %gather3A_371 = arith.constant 2 : i32
      %gather3A_372 = arith.constant 0 : i32
      %gather3A_373 = arith.constant 0 : i32
      %gather3A_374 = tpu.memref_slice %arg10[%gather3A_371, %gather3A_372, %gather3A_373] : memref<8x64x128xf32, #tpu.memory_space<vmem>> -> memref<1x64x128xf32, #tpu.memory_space<vmem>>
      %gather3A_375 = tpu.memref_squeeze %gather3A_374 : memref<1x64x128xf32, #tpu.memory_space<vmem>> -> memref<64x128xf32, #tpu.memory_space<vmem>>
      %gather3A_376 = tpu.vector_load_idx %gather3A_375[%add3A_369, %broadcast_in_dim3A_370] : memref<64x128xf32, #tpu.memory_space<vmem>>[vector<16xi32>, vector<16xi32>], vector<16xf32>,
      %broadcast_in_dim3A_377 = vector.broadcast %add3A_349 : i32 to vector<16xi32>
      tpu.vector_store_idx %arg11[%add3A_369, %broadcast_in_dim3A_377], %gather3A_376 : memref<64x128xf32, #tpu.memory_space<vmem>>[vector<16xi32>, vector<16xi32>], vector<16xf32>,
      %add3A_378 = arith.constant 16 : i32
      %add3A_379 = vector.broadcast %add3A_378 : i32 to vector<16xi32>
      %add3A_380 = arith.addi %add3A_379, %iota3A : vector<16xi32>
      %broadcast_in_dim3A_381 = vector.broadcast %and3A_351 : i32 to vector<16xi32>
      %gather3A_382 = arith.constant 2 : i32
      %gather3A_383 = arith.constant 0 : i32
      %gather3A_384 = arith.constant 0 : i32
      %gather3A_385 = tpu.memref_slice %arg10[%gather3A_382, %gather3A_383, %gather3A_384] : memref<8x64x128xf32, #tpu.memory_space<vmem>> -> memref<1x64x128xf32, #tpu.memory_space<vmem>>
      %gather3A_386 = tpu.memref_squeeze %gather3A_385 : memref<1x64x128xf32, #tpu.memory_space<vmem>> -> memref<64x128xf32, #tpu.memory_space<vmem>>
      %gather3A_387 = tpu.vector_load_idx %gather3A_386[%add3A_380, %broadcast_in_dim3A_381] : memref<64x128xf32, #tpu.memory_space<vmem>>[vector<16xi32>, vector<16xi32>], vector<16xf32>,
      %broadcast_in_dim3A_388 = vector.broadcast %add3A_349 : i32 to vector<16xi32>
      tpu.vector_store_idx %arg11[%add3A_380, %broadcast_in_dim3A_388], %gather3A_387 : memref<64x128xf32, #tpu.memory_space<vmem>>[vector<16xi32>, vector<16xi32>], vector<16xf32>,
      %add3A_389 = arith.constant 32 : i32
      %add3A_390 = vector.broadcast %add3A_389 : i32 to vector<16xi32>
      %add3A_391 = arith.addi %add3A_390, %iota3A : vector<16xi32>
      %broadcast_in_dim3A_392 = vector.broadcast %and3A_351 : i32 to vector<16xi32>
      %gather3A_393 = arith.constant 2 : i32
      %gather3A_394 = arith.constant 0 : i32
      %gather3A_395 = arith.constant 0 : i32
      %gather3A_396 = tpu.memref_slice %arg10[%gather3A_393, %gather3A_394, %gather3A_395] : memref<8x64x128xf32, #tpu.memory_space<vmem>> -> memref<1x64x128xf32, #tpu.memory_space<vmem>>
      %gather3A_397 = tpu.memref_squeeze %gather3A_396 : memref<1x64x128xf32, #tpu.memory_space<vmem>> -> memref<64x128xf32, #tpu.memory_space<vmem>>
      %gather3A_398 = tpu.vector_load_idx %gather3A_397[%add3A_391, %broadcast_in_dim3A_392] : memref<64x128xf32, #tpu.memory_space<vmem>>[vector<16xi32>, vector<16xi32>], vector<16xf32>,
      %broadcast_in_dim3A_399 = vector.broadcast %add3A_349 : i32 to vector<16xi32>
      tpu.vector_store_idx %arg11[%add3A_391, %broadcast_in_dim3A_399], %gather3A_398 : memref<64x128xf32, #tpu.memory_space<vmem>>[vector<16xi32>, vector<16xi32>], vector<16xf32>,
      %add3A_400 = arith.constant 48 : i32
      %add3A_401 = vector.broadcast %add3A_400 : i32 to vector<16xi32>
      %add3A_402 = arith.addi %add3A_401, %iota3A : vector<16xi32>
      %broadcast_in_dim3A_403 = vector.broadcast %and3A_351 : i32 to vector<16xi32>
      %gather3A_404 = arith.constant 2 : i32
      %gather3A_405 = arith.constant 0 : i32
      %gather3A_406 = arith.constant 0 : i32
      %gather3A_407 = tpu.memref_slice %arg10[%gather3A_404, %gather3A_405, %gather3A_406] : memref<8x64x128xf32, #tpu.memory_space<vmem>> -> memref<1x64x128xf32, #tpu.memory_space<vmem>>
      %gather3A_408 = tpu.memref_squeeze %gather3A_407 : memref<1x64x128xf32, #tpu.memory_space<vmem>> -> memref<64x128xf32, #tpu.memory_space<vmem>>
      %gather3A_409 = tpu.vector_load_idx %gather3A_408[%add3A_402, %broadcast_in_dim3A_403] : memref<64x128xf32, #tpu.memory_space<vmem>>[vector<16xi32>, vector<16xi32>], vector<16xf32>,
      %broadcast_in_dim3A_410 = vector.broadcast %add3A_349 : i32 to vector<16xi32>
      tpu.vector_store_idx %arg11[%add3A_402, %broadcast_in_dim3A_410], %gather3A_409 : memref<64x128xf32, #tpu.memory_space<vmem>>[vector<16xi32>, vector<16xi32>], vector<16xf32>,
      %slice3A_411 = vector.extract_strided_slice %get3A_15 {offsets = [10], sizes = [1], strides = [1]} : vector<16xi32> to vector<1xi32>
      %squeeze3A_412 = vector.extract %slice3A_411[0] : i32 from vector<1xi32>
      %shift_right_arithmetic3A_413 = arith.constant 7 : i32
      %shift_right_arithmetic3A_414 = arith.shrsi %squeeze3A_412, %shift_right_arithmetic3A_413 : i32
      %mul3A_415 = arith.constant 128 : i32
      %mul3A_416 = arith.muli %shift_right_arithmetic3A_414, %mul3A_415 : i32
      %multiple_of3A_417 = tpu.assume_multiple %mul3A_416, 128 : i32
      %dma_start3A_418 = arith.constant 2 : i32
      %dma_start3A_419 = arith.constant 0 : i32
      %dma_start3A_420 = arith.constant 0 : i32
      %dma_start3A_421 = tpu.memref_slice %arg10[%dma_start3A_418, %dma_start3A_419, %dma_start3A_420] : memref<8x64x128xf32, #tpu.memory_space<vmem>> -> memref<1x64x128xf32, #tpu.memory_space<vmem>>
      %dma_start3A_422 = tpu.memref_squeeze %dma_start3A_421 : memref<1x64x128xf32, #tpu.memory_space<vmem>> -> memref<64x128xf32, #tpu.memory_space<vmem>>
      %dma_start3A_423 = arith.constant 0 : i32
      %dma_start3A_424 = tpu.memref_slice %arg4[%dma_start3A_423, %multiple_of3A_417] : memref<64x1000000xf32, #tpu.memory_space<hbm>> -> memref<64x128xf32, #tpu.memory_space<hbm>>
      %dma_start3A_425 = arith.constant 0 : i32
      %dma_start3A_426 = arith.constant 0 : i32
      %dma_start3A_427 = tpu.memref_slice %arg10[%dma_start3A_418, %dma_start3A_425, %dma_start3A_426] : memref<8x64x128xf32, #tpu.memory_space<vmem>> -> memref<1x64x128xf32, #tpu.memory_space<vmem>>
      %dma_start3A_428 = tpu.memref_squeeze %dma_start3A_427 : memref<1x64x128xf32, #tpu.memory_space<vmem>> -> memref<64x128xf32, #tpu.memory_space<vmem>>
      %dma_start3A_429 = arith.constant 0 : i32
      %dma_start3A_430 = tpu.memref_slice %arg4[%dma_start3A_429, %multiple_of3A_417] : memref<64x1000000xf32, #tpu.memory_space<hbm>> -> memref<64x128xf32, #tpu.memory_space<hbm>>
      tpu.enqueue_dma source(%dma_start3A_430 : memref<64x128xf32, #tpu.memory_space<hbm>>) target(%dma_start3A_428 : memref<64x128xf32, #tpu.memory_space<vmem>>) target_semaphore(%arg16 : memref<!tpu.dma_semaphore, #tpu.memory_space<semaphore_mem>>)
      %slice3A_431 = vector.extract_strided_slice %get3A_15 {offsets = [3], sizes = [1], strides = [1]} : vector<16xi32> to vector<1xi32>
      %squeeze3A_432 = vector.extract %slice3A_431[0] : i32 from vector<1xi32>
      %mul3A_433 = arith.constant 16 : i32
      %mul3A_434 = arith.muli %scan3A_12, %mul3A_433 : i32
      %add3A_435 = arith.constant 3 : i32
      %add3A_436 = arith.addi %mul3A_434, %add3A_435 : i32
      %and3A_437 = arith.constant 127 : i32
      %and3A_438 = arith.andi %squeeze3A_432, %and3A_437 : i32
      %dma_wait3A_439 = arith.constant 3 : i32
      %dma_wait3A_440 = arith.constant 0 : i32
      %dma_wait3A_441 = arith.constant 0 : i32
      %dma_wait3A_442 = tpu.memref_slice %arg10[%dma_wait3A_439, %dma_wait3A_440, %dma_wait3A_441] : memref<8x64x128xf32, #tpu.memory_space<vmem>> -> memref<1x64x128xf32, #tpu.memory_space<vmem>>
      %dma_wait3A_443 = tpu.memref_squeeze %dma_wait3A_442 : memref<1x64x128xf32, #tpu.memory_space<vmem>> -> memref<64x128xf32, #tpu.memory_space<vmem>>
      %dma_wait3A_444 = arith.constant 0 : i32
      %dma_wait3A_445 = arith.constant 0 : i32
      %dma_wait3A_446 = tpu.memref_slice %arg4[%dma_wait3A_444, %dma_wait3A_445] : memref<64x1000000xf32, #tpu.memory_space<hbm>> -> memref<64x128xf32, #tpu.memory_space<hbm>>
      %dma_wait3A_447 = arith.constant 0 : i32
      %dma_wait3A_448 = arith.constant 0 : i32
      %dma_wait3A_449 = tpu.memref_slice %arg10[%dma_wait3A_439, %dma_wait3A_447, %dma_wait3A_448] : memref<8x64x128xf32, #tpu.memory_space<vmem>> -> memref<1x64x128xf32, #tpu.memory_space<vmem>>
      %dma_wait3A_450 = tpu.memref_squeeze %dma_wait3A_449 : memref<1x64x128xf32, #tpu.memory_space<vmem>> -> memref<64x128xf32, #tpu.memory_space<vmem>>
      %dma_wait3A_451 = arith.constant 0 : i32
      %dma_wait3A_452 = arith.constant 0 : i32
      %dma_wait3A_453 = tpu.memref_slice %arg4[%dma_wait3A_451, %dma_wait3A_452] : memref<64x1000000xf32, #tpu.memory_space<hbm>> -> memref<64x128xf32, #tpu.memory_space<hbm>>
      tpu.wait_dma2 semaphore(%arg17 : memref<!tpu.dma_semaphore, #tpu.memory_space<semaphore_mem>>) src(%dma_wait3A_453 : memref<64x128xf32, #tpu.memory_space<hbm>>) dst(%dma_wait3A_450 : memref<64x128xf32, #tpu.memory_space<vmem>>)
      %add3A_454 = arith.constant 0 : i32
      %add3A_455 = vector.broadcast %add3A_454 : i32 to vector<16xi32>
      %add3A_456 = arith.addi %add3A_455, %iota3A : vector<16xi32>
      %broadcast_in_dim3A_457 = vector.broadcast %and3A_438 : i32 to vector<16xi32>
      %gather3A_458 = arith.constant 3 : i32
      %gather3A_459 = arith.constant 0 : i32
      %gather3A_460 = arith.constant 0 : i32
      %gather3A_461 = tpu.memref_slice %arg10[%gather3A_458, %gather3A_459, %gather3A_460] : memref<8x64x128xf32, #tpu.memory_space<vmem>> -> memref<1x64x128xf32, #tpu.memory_space<vmem>>
      %gather3A_462 = tpu.memref_squeeze %gather3A_461 : memref<1x64x128xf32, #tpu.memory_space<vmem>> -> memref<64x128xf32, #tpu.memory_space<vmem>>
      %gather3A_463 = tpu.vector_load_idx %gather3A_462[%add3A_456, %broadcast_in_dim3A_457] : memref<64x128xf32, #tpu.memory_space<vmem>>[vector<16xi32>, vector<16xi32>], vector<16xf32>,
      %broadcast_in_dim3A_464 = vector.broadcast %add3A_436 : i32 to vector<16xi32>
      tpu.vector_store_idx %arg11[%add3A_456, %broadcast_in_dim3A_464], %gather3A_463 : memref<64x128xf32, #tpu.memory_space<vmem>>[vector<16xi32>, vector<16xi32>], vector<16xf32>,
      %add3A_465 = arith.constant 16 : i32
      %add3A_466 = vector.broadcast %add3A_465 : i32 to vector<16xi32>
      %add3A_467 = arith.addi %add3A_466, %iota3A : vector<16xi32>
      %broadcast_in_dim3A_468 = vector.broadcast %and3A_438 : i32 to vector<16xi32>
      %gather3A_469 = arith.constant 3 : i32
      %gather3A_470 = arith.constant 0 : i32
      %gather3A_471 = arith.constant 0 : i32
      %gather3A_472 = tpu.memref_slice %arg10[%gather3A_469, %gather3A_470, %gather3A_471] : memref<8x64x128xf32, #tpu.memory_space<vmem>> -> memref<1x64x128xf32, #tpu.memory_space<vmem>>
      %gather3A_473 = tpu.memref_squeeze %gather3A_472 : memref<1x64x128xf32, #tpu.memory_space<vmem>> -> memref<64x128xf32, #tpu.memory_space<vmem>>
      %gather3A_474 = tpu.vector_load_idx %gather3A_473[%add3A_467, %broadcast_in_dim3A_468] : memref<64x128xf32, #tpu.memory_space<vmem>>[vector<16xi32>, vector<16xi32>], vector<16xf32>,
      %broadcast_in_dim3A_475 = vector.broadcast %add3A_436 : i32 to vector<16xi32>
      tpu.vector_store_idx %arg11[%add3A_467, %broadcast_in_dim3A_475], %gather3A_474 : memref<64x128xf32, #tpu.memory_space<vmem>>[vector<16xi32>, vector<16xi32>], vector<16xf32>,
      %add3A_476 = arith.constant 32 : i32
      %add3A_477 = vector.broadcast %add3A_476 : i32 to vector<16xi32>
      %add3A_478 = arith.addi %add3A_477, %iota3A : vector<16xi32>
      %broadcast_in_dim3A_479 = vector.broadcast %and3A_438 : i32 to vector<16xi32>
      %gather3A_480 = arith.constant 3 : i32
      %gather3A_481 = arith.constant 0 : i32
      %gather3A_482 = arith.constant 0 : i32
      %gather3A_483 = tpu.memref_slice %arg10[%gather3A_480, %gather3A_481, %gather3A_482] : memref<8x64x128xf32, #tpu.memory_space<vmem>> -> memref<1x64x128xf32, #tpu.memory_space<vmem>>
      %gather3A_484 = tpu.memref_squeeze %gather3A_483 : memref<1x64x128xf32, #tpu.memory_space<vmem>> -> memref<64x128xf32, #tpu.memory_space<vmem>>
      %gather3A_485 = tpu.vector_load_idx %gather3A_484[%add3A_478, %broadcast_in_dim3A_479] : memref<64x128xf32, #tpu.memory_space<vmem>>[vector<16xi32>, vector<16xi32>], vector<16xf32>,
      %broadcast_in_dim3A_486 = vector.broadcast %add3A_436 : i32 to vector<16xi32>
      tpu.vector_store_idx %arg11[%add3A_478, %broadcast_in_dim3A_486], %gather3A_485 : memref<64x128xf32, #tpu.memory_space<vmem>>[vector<16xi32>, vector<16xi32>], vector<16xf32>,
      %add3A_487 = arith.constant 48 : i32
      %add3A_488 = vector.broadcast %add3A_487 : i32 to vector<16xi32>
      %add3A_489 = arith.addi %add3A_488, %iota3A : vector<16xi32>
      %broadcast_in_dim3A_490 = vector.broadcast %and3A_438 : i32 to vector<16xi32>
      %gather3A_491 = arith.constant 3 : i32
      %gather3A_492 = arith.constant 0 : i32
      %gather3A_493 = arith.constant 0 : i32
      %gather3A_494 = tpu.memref_slice %arg10[%gather3A_491, %gather3A_492, %gather3A_493] : memref<8x64x128xf32, #tpu.memory_space<vmem>> -> memref<1x64x128xf32, #tpu.memory_space<vmem>>
      %gather3A_495 = tpu.memref_squeeze %gather3A_494 : memref<1x64x128xf32, #tpu.memory_space<vmem>> -> memref<64x128xf32, #tpu.memory_space<vmem>>
      %gather3A_496 = tpu.vector_load_idx %gather3A_495[%add3A_489, %broadcast_in_dim3A_490] : memref<64x128xf32, #tpu.memory_space<vmem>>[vector<16xi32>, vector<16xi32>], vector<16xf32>,
      %broadcast_in_dim3A_497 = vector.broadcast %add3A_436 : i32 to vector<16xi32>
      tpu.vector_store_idx %arg11[%add3A_489, %broadcast_in_dim3A_497], %gather3A_496 : memref<64x128xf32, #tpu.memory_space<vmem>>[vector<16xi32>, vector<16xi32>], vector<16xf32>,
      %slice3A_498 = vector.extract_strided_slice %get3A_15 {offsets = [11], sizes = [1], strides = [1]} : vector<16xi32> to vector<1xi32>
      %squeeze3A_499 = vector.extract %slice3A_498[0] : i32 from vector<1xi32>
      %shift_right_arithmetic3A_500 = arith.constant 7 : i32
      %shift_right_arithmetic3A_501 = arith.shrsi %squeeze3A_499, %shift_right_arithmetic3A_500 : i32
      %mul3A_502 = arith.constant 128 : i32
      %mul3A_503 = arith.muli %shift_right_arithmetic3A_501, %mul3A_502 : i32
      %multiple_of3A_504 = tpu.assume_multiple %mul3A_503, 128 : i32
      %dma_start3A_505 = arith.constant 3 : i32
      %dma_start3A_506 = arith.constant 0 : i32
      %dma_start3A_507 = arith.constant 0 : i32
      %dma_start3A_508 = tpu.memref_slice %arg10[%dma_start3A_505, %dma_start3A_506, %dma_start3A_507] : memref<8x64x128xf32, #tpu.memory_space<vmem>> -> memref<1x64x128xf32, #tpu.memory_space<vmem>>
      %dma_start3A_509 = tpu.memref_squeeze %dma_start3A_508 : memref<1x64x128xf32, #tpu.memory_space<vmem>> -> memref<64x128xf32, #tpu.memory_space<vmem>>
      %dma_start3A_510 = arith.constant 0 : i32
      %dma_start3A_511 = tpu.memref_slice %arg4[%dma_start3A_510, %multiple_of3A_504] : memref<64x1000000xf32, #tpu.memory_space<hbm>> -> memref<64x128xf32, #tpu.memory_space<hbm>>
      %dma_start3A_512 = arith.constant 0 : i32
      %dma_start3A_513 = arith.constant 0 : i32
      %dma_start3A_514 = tpu.memref_slice %arg10[%dma_start3A_505, %dma_start3A_512, %dma_start3A_513] : memref<8x64x128xf32, #tpu.memory_space<vmem>> -> memref<1x64x128xf32, #tpu.memory_space<vmem>>
      %dma_start3A_515 = tpu.memref_squeeze %dma_start3A_514 : memref<1x64x128xf32, #tpu.memory_space<vmem>> -> memref<64x128xf32, #tpu.memory_space<vmem>>
      %dma_start3A_516 = arith.constant 0 : i32
      %dma_start3A_517 = tpu.memref_slice %arg4[%dma_start3A_516, %multiple_of3A_504] : memref<64x1000000xf32, #tpu.memory_space<hbm>> -> memref<64x128xf32, #tpu.memory_space<hbm>>
      tpu.enqueue_dma source(%dma_start3A_517 : memref<64x128xf32, #tpu.memory_space<hbm>>) target(%dma_start3A_515 : memref<64x128xf32, #tpu.memory_space<vmem>>) target_semaphore(%arg17 : memref<!tpu.dma_semaphore, #tpu.memory_space<semaphore_mem>>)
      %slice3A_518 = vector.extract_strided_slice %get3A_15 {offsets = [4], sizes = [1], strides = [1]} : vector<16xi32> to vector<1xi32>
      %squeeze3A_519 = vector.extract %slice3A_518[0] : i32 from vector<1xi32>
      %mul3A_520 = arith.constant 16 : i32
      %mul3A_521 = arith.muli %scan3A_12, %mul3A_520 : i32
      %add3A_522 = arith.constant 4 : i32
      %add3A_523 = arith.addi %mul3A_521, %add3A_522 : i32
      %and3A_524 = arith.constant 127 : i32
      %and3A_525 = arith.andi %squeeze3A_519, %and3A_524 : i32
      %dma_wait3A_526 = arith.constant 4 : i32
      %dma_wait3A_527 = arith.constant 0 : i32
      %dma_wait3A_528 = arith.constant 0 : i32
      %dma_wait3A_529 = tpu.memref_slice %arg10[%dma_wait3A_526, %dma_wait3A_527, %dma_wait3A_528] : memref<8x64x128xf32, #tpu.memory_space<vmem>> -> memref<1x64x128xf32, #tpu.memory_space<vmem>>
      %dma_wait3A_530 = tpu.memref_squeeze %dma_wait3A_529 : memref<1x64x128xf32, #tpu.memory_space<vmem>> -> memref<64x128xf32, #tpu.memory_space<vmem>>
      %dma_wait3A_531 = arith.constant 0 : i32
      %dma_wait3A_532 = arith.constant 0 : i32
      %dma_wait3A_533 = tpu.memref_slice %arg4[%dma_wait3A_531, %dma_wait3A_532] : memref<64x1000000xf32, #tpu.memory_space<hbm>> -> memref<64x128xf32, #tpu.memory_space<hbm>>
      %dma_wait3A_534 = arith.constant 0 : i32
      %dma_wait3A_535 = arith.constant 0 : i32
      %dma_wait3A_536 = tpu.memref_slice %arg10[%dma_wait3A_526, %dma_wait3A_534, %dma_wait3A_535] : memref<8x64x128xf32, #tpu.memory_space<vmem>> -> memref<1x64x128xf32, #tpu.memory_space<vmem>>
      %dma_wait3A_537 = tpu.memref_squeeze %dma_wait3A_536 : memref<1x64x128xf32, #tpu.memory_space<vmem>> -> memref<64x128xf32, #tpu.memory_space<vmem>>
      %dma_wait3A_538 = arith.constant 0 : i32
      %dma_wait3A_539 = arith.constant 0 : i32
      %dma_wait3A_540 = tpu.memref_slice %arg4[%dma_wait3A_538, %dma_wait3A_539] : memref<64x1000000xf32, #tpu.memory_space<hbm>> -> memref<64x128xf32, #tpu.memory_space<hbm>>
      tpu.wait_dma2 semaphore(%arg18 : memref<!tpu.dma_semaphore, #tpu.memory_space<semaphore_mem>>) src(%dma_wait3A_540 : memref<64x128xf32, #tpu.memory_space<hbm>>) dst(%dma_wait3A_537 : memref<64x128xf32, #tpu.memory_space<vmem>>)
      %add3A_541 = arith.constant 0 : i32
      %add3A_542 = vector.broadcast %add3A_541 : i32 to vector<16xi32>
      %add3A_543 = arith.addi %add3A_542, %iota3A : vector<16xi32>
      %broadcast_in_dim3A_544 = vector.broadcast %and3A_525 : i32 to vector<16xi32>
      %gather3A_545 = arith.constant 4 : i32
      %gather3A_546 = arith.constant 0 : i32
      %gather3A_547 = arith.constant 0 : i32
      %gather3A_548 = tpu.memref_slice %arg10[%gather3A_545, %gather3A_546, %gather3A_547] : memref<8x64x128xf32, #tpu.memory_space<vmem>> -> memref<1x64x128xf32, #tpu.memory_space<vmem>>
      %gather3A_549 = tpu.memref_squeeze %gather3A_548 : memref<1x64x128xf32, #tpu.memory_space<vmem>> -> memref<64x128xf32, #tpu.memory_space<vmem>>
      %gather3A_550 = tpu.vector_load_idx %gather3A_549[%add3A_543, %broadcast_in_dim3A_544] : memref<64x128xf32, #tpu.memory_space<vmem>>[vector<16xi32>, vector<16xi32>], vector<16xf32>,
      %broadcast_in_dim3A_551 = vector.broadcast %add3A_523 : i32 to vector<16xi32>
      tpu.vector_store_idx %arg11[%add3A_543, %broadcast_in_dim3A_551], %gather3A_550 : memref<64x128xf32, #tpu.memory_space<vmem>>[vector<16xi32>, vector<16xi32>], vector<16xf32>,
      %add3A_552 = arith.constant 16 : i32
      %add3A_553 = vector.broadcast %add3A_552 : i32 to vector<16xi32>
      %add3A_554 = arith.addi %add3A_553, %iota3A : vector<16xi32>
      %broadcast_in_dim3A_555 = vector.broadcast %and3A_525 : i32 to vector<16xi32>
      %gather3A_556 = arith.constant 4 : i32
      %gather3A_557 = arith.constant 0 : i32
      %gather3A_558 = arith.constant 0 : i32
      %gather3A_559 = tpu.memref_slice %arg10[%gather3A_556, %gather3A_557, %gather3A_558] : memref<8x64x128xf32, #tpu.memory_space<vmem>> -> memref<1x64x128xf32, #tpu.memory_space<vmem>>
      %gather3A_560 = tpu.memref_squeeze %gather3A_559 : memref<1x64x128xf32, #tpu.memory_space<vmem>> -> memref<64x128xf32, #tpu.memory_space<vmem>>
      %gather3A_561 = tpu.vector_load_idx %gather3A_560[%add3A_554, %broadcast_in_dim3A_555] : memref<64x128xf32, #tpu.memory_space<vmem>>[vector<16xi32>, vector<16xi32>], vector<16xf32>,
      %broadcast_in_dim3A_562 = vector.broadcast %add3A_523 : i32 to vector<16xi32>
      tpu.vector_store_idx %arg11[%add3A_554, %broadcast_in_dim3A_562], %gather3A_561 : memref<64x128xf32, #tpu.memory_space<vmem>>[vector<16xi32>, vector<16xi32>], vector<16xf32>,
      %add3A_563 = arith.constant 32 : i32
      %add3A_564 = vector.broadcast %add3A_563 : i32 to vector<16xi32>
      %add3A_565 = arith.addi %add3A_564, %iota3A : vector<16xi32>
      %broadcast_in_dim3A_566 = vector.broadcast %and3A_525 : i32 to vector<16xi32>
      %gather3A_567 = arith.constant 4 : i32
      %gather3A_568 = arith.constant 0 : i32
      %gather3A_569 = arith.constant 0 : i32
      %gather3A_570 = tpu.memref_slice %arg10[%gather3A_567, %gather3A_568, %gather3A_569] : memref<8x64x128xf32, #tpu.memory_space<vmem>> -> memref<1x64x128xf32, #tpu.memory_space<vmem>>
      %gather3A_571 = tpu.memref_squeeze %gather3A_570 : memref<1x64x128xf32, #tpu.memory_space<vmem>> -> memref<64x128xf32, #tpu.memory_space<vmem>>
      %gather3A_572 = tpu.vector_load_idx %gather3A_571[%add3A_565, %broadcast_in_dim3A_566] : memref<64x128xf32, #tpu.memory_space<vmem>>[vector<16xi32>, vector<16xi32>], vector<16xf32>,
      %broadcast_in_dim3A_573 = vector.broadcast %add3A_523 : i32 to vector<16xi32>
      tpu.vector_store_idx %arg11[%add3A_565, %broadcast_in_dim3A_573], %gather3A_572 : memref<64x128xf32, #tpu.memory_space<vmem>>[vector<16xi32>, vector<16xi32>], vector<16xf32>,
      %add3A_574 = arith.constant 48 : i32
      %add3A_575 = vector.broadcast %add3A_574 : i32 to vector<16xi32>
      %add3A_576 = arith.addi %add3A_575, %iota3A : vector<16xi32>
      %broadcast_in_dim3A_577 = vector.broadcast %and3A_525 : i32 to vector<16xi32>
      %gather3A_578 = arith.constant 4 : i32
      %gather3A_579 = arith.constant 0 : i32
      %gather3A_580 = arith.constant 0 : i32
      %gather3A_581 = tpu.memref_slice %arg10[%gather3A_578, %gather3A_579, %gather3A_580] : memref<8x64x128xf32, #tpu.memory_space<vmem>> -> memref<1x64x128xf32, #tpu.memory_space<vmem>>
      %gather3A_582 = tpu.memref_squeeze %gather3A_581 : memref<1x64x128xf32, #tpu.memory_space<vmem>> -> memref<64x128xf32, #tpu.memory_space<vmem>>
      %gather3A_583 = tpu.vector_load_idx %gather3A_582[%add3A_576, %broadcast_in_dim3A_577] : memref<64x128xf32, #tpu.memory_space<vmem>>[vector<16xi32>, vector<16xi32>], vector<16xf32>,
      %broadcast_in_dim3A_584 = vector.broadcast %add3A_523 : i32 to vector<16xi32>
      tpu.vector_store_idx %arg11[%add3A_576, %broadcast_in_dim3A_584], %gather3A_583 : memref<64x128xf32, #tpu.memory_space<vmem>>[vector<16xi32>, vector<16xi32>], vector<16xf32>,
      %slice3A_585 = vector.extract_strided_slice %get3A_15 {offsets = [12], sizes = [1], strides = [1]} : vector<16xi32> to vector<1xi32>
      %squeeze3A_586 = vector.extract %slice3A_585[0] : i32 from vector<1xi32>
      %shift_right_arithmetic3A_587 = arith.constant 7 : i32
      %shift_right_arithmetic3A_588 = arith.shrsi %squeeze3A_586, %shift_right_arithmetic3A_587 : i32
      %mul3A_589 = arith.constant 128 : i32
      %mul3A_590 = arith.muli %shift_right_arithmetic3A_588, %mul3A_589 : i32
      %multiple_of3A_591 = tpu.assume_multiple %mul3A_590, 128 : i32
      %dma_start3A_592 = arith.constant 4 : i32
      %dma_start3A_593 = arith.constant 0 : i32
      %dma_start3A_594 = arith.constant 0 : i32
      %dma_start3A_595 = tpu.memref_slice %arg10[%dma_start3A_592, %dma_start3A_593, %dma_start3A_594] : memref<8x64x128xf32, #tpu.memory_space<vmem>> -> memref<1x64x128xf32, #tpu.memory_space<vmem>>
      %dma_start3A_596 = tpu.memref_squeeze %dma_start3A_595 : memref<1x64x128xf32, #tpu.memory_space<vmem>> -> memref<64x128xf32, #tpu.memory_space<vmem>>
      %dma_start3A_597 = arith.constant 0 : i32
      %dma_start3A_598 = tpu.memref_slice %arg4[%dma_start3A_597, %multiple_of3A_591] : memref<64x1000000xf32, #tpu.memory_space<hbm>> -> memref<64x128xf32, #tpu.memory_space<hbm>>
      %dma_start3A_599 = arith.constant 0 : i32
      %dma_start3A_600 = arith.constant 0 : i32
      %dma_start3A_601 = tpu.memref_slice %arg10[%dma_start3A_592, %dma_start3A_599, %dma_start3A_600] : memref<8x64x128xf32, #tpu.memory_space<vmem>> -> memref<1x64x128xf32, #tpu.memory_space<vmem>>
      %dma_start3A_602 = tpu.memref_squeeze %dma_start3A_601 : memref<1x64x128xf32, #tpu.memory_space<vmem>> -> memref<64x128xf32, #tpu.memory_space<vmem>>
      %dma_start3A_603 = arith.constant 0 : i32
      %dma_start3A_604 = tpu.memref_slice %arg4[%dma_start3A_603, %multiple_of3A_591] : memref<64x1000000xf32, #tpu.memory_space<hbm>> -> memref<64x128xf32, #tpu.memory_space<hbm>>
      tpu.enqueue_dma source(%dma_start3A_604 : memref<64x128xf32, #tpu.memory_space<hbm>>) target(%dma_start3A_602 : memref<64x128xf32, #tpu.memory_space<vmem>>) target_semaphore(%arg18 : memref<!tpu.dma_semaphore, #tpu.memory_space<semaphore_mem>>)
      %slice3A_605 = vector.extract_strided_slice %get3A_15 {offsets = [5], sizes = [1], strides = [1]} : vector<16xi32> to vector<1xi32>
      %squeeze3A_606 = vector.extract %slice3A_605[0] : i32 from vector<1xi32>
      %mul3A_607 = arith.constant 16 : i32
      %mul3A_608 = arith.muli %scan3A_12, %mul3A_607 : i32
      %add3A_609 = arith.constant 5 : i32
      %add3A_610 = arith.addi %mul3A_608, %add3A_609 : i32
      %and3A_611 = arith.constant 127 : i32
      %and3A_612 = arith.andi %squeeze3A_606, %and3A_611 : i32
      %dma_wait3A_613 = arith.constant 5 : i32
      %dma_wait3A_614 = arith.constant 0 : i32
      %dma_wait3A_615 = arith.constant 0 : i32
      %dma_wait3A_616 = tpu.memref_slice %arg10[%dma_wait3A_613, %dma_wait3A_614, %dma_wait3A_615] : memref<8x64x128xf32, #tpu.memory_space<vmem>> -> memref<1x64x128xf32, #tpu.memory_space<vmem>>
      %dma_wait3A_617 = tpu.memref_squeeze %dma_wait3A_616 : memref<1x64x128xf32, #tpu.memory_space<vmem>> -> memref<64x128xf32, #tpu.memory_space<vmem>>
      %dma_wait3A_618 = arith.constant 0 : i32
      %dma_wait3A_619 = arith.constant 0 : i32
      %dma_wait3A_620 = tpu.memref_slice %arg4[%dma_wait3A_618, %dma_wait3A_619] : memref<64x1000000xf32, #tpu.memory_space<hbm>> -> memref<64x128xf32, #tpu.memory_space<hbm>>
      %dma_wait3A_621 = arith.constant 0 : i32
      %dma_wait3A_622 = arith.constant 0 : i32
      %dma_wait3A_623 = tpu.memref_slice %arg10[%dma_wait3A_613, %dma_wait3A_621, %dma_wait3A_622] : memref<8x64x128xf32, #tpu.memory_space<vmem>> -> memref<1x64x128xf32, #tpu.memory_space<vmem>>
      %dma_wait3A_624 = tpu.memref_squeeze %dma_wait3A_623 : memref<1x64x128xf32, #tpu.memory_space<vmem>> -> memref<64x128xf32, #tpu.memory_space<vmem>>
      %dma_wait3A_625 = arith.constant 0 : i32
      %dma_wait3A_626 = arith.constant 0 : i32
      %dma_wait3A_627 = tpu.memref_slice %arg4[%dma_wait3A_625, %dma_wait3A_626] : memref<64x1000000xf32, #tpu.memory_space<hbm>> -> memref<64x128xf32, #tpu.memory_space<hbm>>
      tpu.wait_dma2 semaphore(%arg19 : memref<!tpu.dma_semaphore, #tpu.memory_space<semaphore_mem>>) src(%dma_wait3A_627 : memref<64x128xf32, #tpu.memory_space<hbm>>) dst(%dma_wait3A_624 : memref<64x128xf32, #tpu.memory_space<vmem>>)
      %add3A_628 = arith.constant 0 : i32
      %add3A_629 = vector.broadcast %add3A_628 : i32 to vector<16xi32>
      %add3A_630 = arith.addi %add3A_629, %iota3A : vector<16xi32>
      %broadcast_in_dim3A_631 = vector.broadcast %and3A_612 : i32 to vector<16xi32>
      %gather3A_632 = arith.constant 5 : i32
      %gather3A_633 = arith.constant 0 : i32
      %gather3A_634 = arith.constant 0 : i32
      %gather3A_635 = tpu.memref_slice %arg10[%gather3A_632, %gather3A_633, %gather3A_634] : memref<8x64x128xf32, #tpu.memory_space<vmem>> -> memref<1x64x128xf32, #tpu.memory_space<vmem>>
      %gather3A_636 = tpu.memref_squeeze %gather3A_635 : memref<1x64x128xf32, #tpu.memory_space<vmem>> -> memref<64x128xf32, #tpu.memory_space<vmem>>
      %gather3A_637 = tpu.vector_load_idx %gather3A_636[%add3A_630, %broadcast_in_dim3A_631] : memref<64x128xf32, #tpu.memory_space<vmem>>[vector<16xi32>, vector<16xi32>], vector<16xf32>,
      %broadcast_in_dim3A_638 = vector.broadcast %add3A_610 : i32 to vector<16xi32>
      tpu.vector_store_idx %arg11[%add3A_630, %broadcast_in_dim3A_638], %gather3A_637 : memref<64x128xf32, #tpu.memory_space<vmem>>[vector<16xi32>, vector<16xi32>], vector<16xf32>,
      %add3A_639 = arith.constant 16 : i32
      %add3A_640 = vector.broadcast %add3A_639 : i32 to vector<16xi32>
      %add3A_641 = arith.addi %add3A_640, %iota3A : vector<16xi32>
      %broadcast_in_dim3A_642 = vector.broadcast %and3A_612 : i32 to vector<16xi32>
      %gather3A_643 = arith.constant 5 : i32
      %gather3A_644 = arith.constant 0 : i32
      %gather3A_645 = arith.constant 0 : i32
      %gather3A_646 = tpu.memref_slice %arg10[%gather3A_643, %gather3A_644, %gather3A_645] : memref<8x64x128xf32, #tpu.memory_space<vmem>> -> memref<1x64x128xf32, #tpu.memory_space<vmem>>
      %gather3A_647 = tpu.memref_squeeze %gather3A_646 : memref<1x64x128xf32, #tpu.memory_space<vmem>> -> memref<64x128xf32, #tpu.memory_space<vmem>>
      %gather3A_648 = tpu.vector_load_idx %gather3A_647[%add3A_641, %broadcast_in_dim3A_642] : memref<64x128xf32, #tpu.memory_space<vmem>>[vector<16xi32>, vector<16xi32>], vector<16xf32>,
      %broadcast_in_dim3A_649 = vector.broadcast %add3A_610 : i32 to vector<16xi32>
      tpu.vector_store_idx %arg11[%add3A_641, %broadcast_in_dim3A_649], %gather3A_648 : memref<64x128xf32, #tpu.memory_space<vmem>>[vector<16xi32>, vector<16xi32>], vector<16xf32>,
      %add3A_650 = arith.constant 32 : i32
      %add3A_651 = vector.broadcast %add3A_650 : i32 to vector<16xi32>
      %add3A_652 = arith.addi %add3A_651, %iota3A : vector<16xi32>
      %broadcast_in_dim3A_653 = vector.broadcast %and3A_612 : i32 to vector<16xi32>
      %gather3A_654 = arith.constant 5 : i32
      %gather3A_655 = arith.constant 0 : i32
      %gather3A_656 = arith.constant 0 : i32
      %gather3A_657 = tpu.memref_slice %arg10[%gather3A_654, %gather3A_655, %gather3A_656] : memref<8x64x128xf32, #tpu.memory_space<vmem>> -> memref<1x64x128xf32, #tpu.memory_space<vmem>>
      %gather3A_658 = tpu.memref_squeeze %gather3A_657 : memref<1x64x128xf32, #tpu.memory_space<vmem>> -> memref<64x128xf32, #tpu.memory_space<vmem>>
      %gather3A_659 = tpu.vector_load_idx %gather3A_658[%add3A_652, %broadcast_in_dim3A_653] : memref<64x128xf32, #tpu.memory_space<vmem>>[vector<16xi32>, vector<16xi32>], vector<16xf32>,
      %broadcast_in_dim3A_660 = vector.broadcast %add3A_610 : i32 to vector<16xi32>
      tpu.vector_store_idx %arg11[%add3A_652, %broadcast_in_dim3A_660], %gather3A_659 : memref<64x128xf32, #tpu.memory_space<vmem>>[vector<16xi32>, vector<16xi32>], vector<16xf32>,
      %add3A_661 = arith.constant 48 : i32
      %add3A_662 = vector.broadcast %add3A_661 : i32 to vector<16xi32>
      %add3A_663 = arith.addi %add3A_662, %iota3A : vector<16xi32>
      %broadcast_in_dim3A_664 = vector.broadcast %and3A_612 : i32 to vector<16xi32>
      %gather3A_665 = arith.constant 5 : i32
      %gather3A_666 = arith.constant 0 : i32
      %gather3A_667 = arith.constant 0 : i32
      %gather3A_668 = tpu.memref_slice %arg10[%gather3A_665, %gather3A_666, %gather3A_667] : memref<8x64x128xf32, #tpu.memory_space<vmem>> -> memref<1x64x128xf32, #tpu.memory_space<vmem>>
      %gather3A_669 = tpu.memref_squeeze %gather3A_668 : memref<1x64x128xf32, #tpu.memory_space<vmem>> -> memref<64x128xf32, #tpu.memory_space<vmem>>
      %gather3A_670 = tpu.vector_load_idx %gather3A_669[%add3A_663, %broadcast_in_dim3A_664] : memref<64x128xf32, #tpu.memory_space<vmem>>[vector<16xi32>, vector<16xi32>], vector<16xf32>,
      %broadcast_in_dim3A_671 = vector.broadcast %add3A_610 : i32 to vector<16xi32>
      tpu.vector_store_idx %arg11[%add3A_663, %broadcast_in_dim3A_671], %gather3A_670 : memref<64x128xf32, #tpu.memory_space<vmem>>[vector<16xi32>, vector<16xi32>], vector<16xf32>,
      %slice3A_672 = vector.extract_strided_slice %get3A_15 {offsets = [13], sizes = [1], strides = [1]} : vector<16xi32> to vector<1xi32>
      %squeeze3A_673 = vector.extract %slice3A_672[0] : i32 from vector<1xi32>
      %shift_right_arithmetic3A_674 = arith.constant 7 : i32
      %shift_right_arithmetic3A_675 = arith.shrsi %squeeze3A_673, %shift_right_arithmetic3A_674 : i32
      %mul3A_676 = arith.constant 128 : i32
      %mul3A_677 = arith.muli %shift_right_arithmetic3A_675, %mul3A_676 : i32
      %multiple_of3A_678 = tpu.assume_multiple %mul3A_677, 128 : i32
      %dma_start3A_679 = arith.constant 5 : i32
      %dma_start3A_680 = arith.constant 0 : i32
      %dma_start3A_681 = arith.constant 0 : i32
      %dma_start3A_682 = tpu.memref_slice %arg10[%dma_start3A_679, %dma_start3A_680, %dma_start3A_681] : memref<8x64x128xf32, #tpu.memory_space<vmem>> -> memref<1x64x128xf32, #tpu.memory_space<vmem>>
      %dma_start3A_683 = tpu.memref_squeeze %dma_start3A_682 : memref<1x64x128xf32, #tpu.memory_space<vmem>> -> memref<64x128xf32, #tpu.memory_space<vmem>>
      %dma_start3A_684 = arith.constant 0 : i32
      %dma_start3A_685 = tpu.memref_slice %arg4[%dma_start3A_684, %multiple_of3A_678] : memref<64x1000000xf32, #tpu.memory_space<hbm>> -> memref<64x128xf32, #tpu.memory_space<hbm>>
      %dma_start3A_686 = arith.constant 0 : i32
      %dma_start3A_687 = arith.constant 0 : i32
      %dma_start3A_688 = tpu.memref_slice %arg10[%dma_start3A_679, %dma_start3A_686, %dma_start3A_687] : memref<8x64x128xf32, #tpu.memory_space<vmem>> -> memref<1x64x128xf32, #tpu.memory_space<vmem>>
      %dma_start3A_689 = tpu.memref_squeeze %dma_start3A_688 : memref<1x64x128xf32, #tpu.memory_space<vmem>> -> memref<64x128xf32, #tpu.memory_space<vmem>>
      %dma_start3A_690 = arith.constant 0 : i32
      %dma_start3A_691 = tpu.memref_slice %arg4[%dma_start3A_690, %multiple_of3A_678] : memref<64x1000000xf32, #tpu.memory_space<hbm>> -> memref<64x128xf32, #tpu.memory_space<hbm>>
      tpu.enqueue_dma source(%dma_start3A_691 : memref<64x128xf32, #tpu.memory_space<hbm>>) target(%dma_start3A_689 : memref<64x128xf32, #tpu.memory_space<vmem>>) target_semaphore(%arg19 : memref<!tpu.dma_semaphore, #tpu.memory_space<semaphore_mem>>)
      %slice3A_692 = vector.extract_strided_slice %get3A_15 {offsets = [6], sizes = [1], strides = [1]} : vector<16xi32> to vector<1xi32>
      %squeeze3A_693 = vector.extract %slice3A_692[0] : i32 from vector<1xi32>
      %mul3A_694 = arith.constant 16 : i32
      %mul3A_695 = arith.muli %scan3A_12, %mul3A_694 : i32
      %add3A_696 = arith.constant 6 : i32
      %add3A_697 = arith.addi %mul3A_695, %add3A_696 : i32
      %and3A_698 = arith.constant 127 : i32
      %and3A_699 = arith.andi %squeeze3A_693, %and3A_698 : i32
      %dma_wait3A_700 = arith.constant 6 : i32
      %dma_wait3A_701 = arith.constant 0 : i32
      %dma_wait3A_702 = arith.constant 0 : i32
      %dma_wait3A_703 = tpu.memref_slice %arg10[%dma_wait3A_700, %dma_wait3A_701, %dma_wait3A_702] : memref<8x64x128xf32, #tpu.memory_space<vmem>> -> memref<1x64x128xf32, #tpu.memory_space<vmem>>
      %dma_wait3A_704 = tpu.memref_squeeze %dma_wait3A_703 : memref<1x64x128xf32, #tpu.memory_space<vmem>> -> memref<64x128xf32, #tpu.memory_space<vmem>>
      %dma_wait3A_705 = arith.constant 0 : i32
      %dma_wait3A_706 = arith.constant 0 : i32
      %dma_wait3A_707 = tpu.memref_slice %arg4[%dma_wait3A_705, %dma_wait3A_706] : memref<64x1000000xf32, #tpu.memory_space<hbm>> -> memref<64x128xf32, #tpu.memory_space<hbm>>
      %dma_wait3A_708 = arith.constant 0 : i32
      %dma_wait3A_709 = arith.constant 0 : i32
      %dma_wait3A_710 = tpu.memref_slice %arg10[%dma_wait3A_700, %dma_wait3A_708, %dma_wait3A_709] : memref<8x64x128xf32, #tpu.memory_space<vmem>> -> memref<1x64x128xf32, #tpu.memory_space<vmem>>
      %dma_wait3A_711 = tpu.memref_squeeze %dma_wait3A_710 : memref<1x64x128xf32, #tpu.memory_space<vmem>> -> memref<64x128xf32, #tpu.memory_space<vmem>>
      %dma_wait3A_712 = arith.constant 0 : i32
      %dma_wait3A_713 = arith.constant 0 : i32
      %dma_wait3A_714 = tpu.memref_slice %arg4[%dma_wait3A_712, %dma_wait3A_713] : memref<64x1000000xf32, #tpu.memory_space<hbm>> -> memref<64x128xf32, #tpu.memory_space<hbm>>
      tpu.wait_dma2 semaphore(%arg20 : memref<!tpu.dma_semaphore, #tpu.memory_space<semaphore_mem>>) src(%dma_wait3A_714 : memref<64x128xf32, #tpu.memory_space<hbm>>) dst(%dma_wait3A_711 : memref<64x128xf32, #tpu.memory_space<vmem>>)
      %add3A_715 = arith.constant 0 : i32
      %add3A_716 = vector.broadcast %add3A_715 : i32 to vector<16xi32>
      %add3A_717 = arith.addi %add3A_716, %iota3A : vector<16xi32>
      %broadcast_in_dim3A_718 = vector.broadcast %and3A_699 : i32 to vector<16xi32>
      %gather3A_719 = arith.constant 6 : i32
      %gather3A_720 = arith.constant 0 : i32
      %gather3A_721 = arith.constant 0 : i32
      %gather3A_722 = tpu.memref_slice %arg10[%gather3A_719, %gather3A_720, %gather3A_721] : memref<8x64x128xf32, #tpu.memory_space<vmem>> -> memref<1x64x128xf32, #tpu.memory_space<vmem>>
      %gather3A_723 = tpu.memref_squeeze %gather3A_722 : memref<1x64x128xf32, #tpu.memory_space<vmem>> -> memref<64x128xf32, #tpu.memory_space<vmem>>
      %gather3A_724 = tpu.vector_load_idx %gather3A_723[%add3A_717, %broadcast_in_dim3A_718] : memref<64x128xf32, #tpu.memory_space<vmem>>[vector<16xi32>, vector<16xi32>], vector<16xf32>,
      %broadcast_in_dim3A_725 = vector.broadcast %add3A_697 : i32 to vector<16xi32>
      tpu.vector_store_idx %arg11[%add3A_717, %broadcast_in_dim3A_725], %gather3A_724 : memref<64x128xf32, #tpu.memory_space<vmem>>[vector<16xi32>, vector<16xi32>], vector<16xf32>,
      %add3A_726 = arith.constant 16 : i32
      %add3A_727 = vector.broadcast %add3A_726 : i32 to vector<16xi32>
      %add3A_728 = arith.addi %add3A_727, %iota3A : vector<16xi32>
      %broadcast_in_dim3A_729 = vector.broadcast %and3A_699 : i32 to vector<16xi32>
      %gather3A_730 = arith.constant 6 : i32
      %gather3A_731 = arith.constant 0 : i32
      %gather3A_732 = arith.constant 0 : i32
      %gather3A_733 = tpu.memref_slice %arg10[%gather3A_730, %gather3A_731, %gather3A_732] : memref<8x64x128xf32, #tpu.memory_space<vmem>> -> memref<1x64x128xf32, #tpu.memory_space<vmem>>
      %gather3A_734 = tpu.memref_squeeze %gather3A_733 : memref<1x64x128xf32, #tpu.memory_space<vmem>> -> memref<64x128xf32, #tpu.memory_space<vmem>>
      %gather3A_735 = tpu.vector_load_idx %gather3A_734[%add3A_728, %broadcast_in_dim3A_729] : memref<64x128xf32, #tpu.memory_space<vmem>>[vector<16xi32>, vector<16xi32>], vector<16xf32>,
      %broadcast_in_dim3A_736 = vector.broadcast %add3A_697 : i32 to vector<16xi32>
      tpu.vector_store_idx %arg11[%add3A_728, %broadcast_in_dim3A_736], %gather3A_735 : memref<64x128xf32, #tpu.memory_space<vmem>>[vector<16xi32>, vector<16xi32>], vector<16xf32>,
      %add3A_737 = arith.constant 32 : i32
      %add3A_738 = vector.broadcast %add3A_737 : i32 to vector<16xi32>
      %add3A_739 = arith.addi %add3A_738, %iota3A : vector<16xi32>
      %broadcast_in_dim3A_740 = vector.broadcast %and3A_699 : i32 to vector<16xi32>
      %gather3A_741 = arith.constant 6 : i32
      %gather3A_742 = arith.constant 0 : i32
      %gather3A_743 = arith.constant 0 : i32
      %gather3A_744 = tpu.memref_slice %arg10[%gather3A_741, %gather3A_742, %gather3A_743] : memref<8x64x128xf32, #tpu.memory_space<vmem>> -> memref<1x64x128xf32, #tpu.memory_space<vmem>>
      %gather3A_745 = tpu.memref_squeeze %gather3A_744 : memref<1x64x128xf32, #tpu.memory_space<vmem>> -> memref<64x128xf32, #tpu.memory_space<vmem>>
      %gather3A_746 = tpu.vector_load_idx %gather3A_745[%add3A_739, %broadcast_in_dim3A_740] : memref<64x128xf32, #tpu.memory_space<vmem>>[vector<16xi32>, vector<16xi32>], vector<16xf32>,
      %broadcast_in_dim3A_747 = vector.broadcast %add3A_697 : i32 to vector<16xi32>
      tpu.vector_store_idx %arg11[%add3A_739, %broadcast_in_dim3A_747], %gather3A_746 : memref<64x128xf32, #tpu.memory_space<vmem>>[vector<16xi32>, vector<16xi32>], vector<16xf32>,
      %add3A_748 = arith.constant 48 : i32
      %add3A_749 = vector.broadcast %add3A_748 : i32 to vector<16xi32>
      %add3A_750 = arith.addi %add3A_749, %iota3A : vector<16xi32>
      %broadcast_in_dim3A_751 = vector.broadcast %and3A_699 : i32 to vector<16xi32>
      %gather3A_752 = arith.constant 6 : i32
      %gather3A_753 = arith.constant 0 : i32
      %gather3A_754 = arith.constant 0 : i32
      %gather3A_755 = tpu.memref_slice %arg10[%gather3A_752, %gather3A_753, %gather3A_754] : memref<8x64x128xf32, #tpu.memory_space<vmem>> -> memref<1x64x128xf32, #tpu.memory_space<vmem>>
      %gather3A_756 = tpu.memref_squeeze %gather3A_755 : memref<1x64x128xf32, #tpu.memory_space<vmem>> -> memref<64x128xf32, #tpu.memory_space<vmem>>
      %gather3A_757 = tpu.vector_load_idx %gather3A_756[%add3A_750, %broadcast_in_dim3A_751] : memref<64x128xf32, #tpu.memory_space<vmem>>[vector<16xi32>, vector<16xi32>], vector<16xf32>,
      %broadcast_in_dim3A_758 = vector.broadcast %add3A_697 : i32 to vector<16xi32>
      tpu.vector_store_idx %arg11[%add3A_750, %broadcast_in_dim3A_758], %gather3A_757 : memref<64x128xf32, #tpu.memory_space<vmem>>[vector<16xi32>, vector<16xi32>], vector<16xf32>,
      %slice3A_759 = vector.extract_strided_slice %get3A_15 {offsets = [14], sizes = [1], strides = [1]} : vector<16xi32> to vector<1xi32>
      %squeeze3A_760 = vector.extract %slice3A_759[0] : i32 from vector<1xi32>
      %shift_right_arithmetic3A_761 = arith.constant 7 : i32
      %shift_right_arithmetic3A_762 = arith.shrsi %squeeze3A_760, %shift_right_arithmetic3A_761 : i32
      %mul3A_763 = arith.constant 128 : i32
      %mul3A_764 = arith.muli %shift_right_arithmetic3A_762, %mul3A_763 : i32
      %multiple_of3A_765 = tpu.assume_multiple %mul3A_764, 128 : i32
      %dma_start3A_766 = arith.constant 6 : i32
      %dma_start3A_767 = arith.constant 0 : i32
      %dma_start3A_768 = arith.constant 0 : i32
      %dma_start3A_769 = tpu.memref_slice %arg10[%dma_start3A_766, %dma_start3A_767, %dma_start3A_768] : memref<8x64x128xf32, #tpu.memory_space<vmem>> -> memref<1x64x128xf32, #tpu.memory_space<vmem>>
      %dma_start3A_770 = tpu.memref_squeeze %dma_start3A_769 : memref<1x64x128xf32, #tpu.memory_space<vmem>> -> memref<64x128xf32, #tpu.memory_space<vmem>>
      %dma_start3A_771 = arith.constant 0 : i32
      %dma_start3A_772 = tpu.memref_slice %arg4[%dma_start3A_771, %multiple_of3A_765] : memref<64x1000000xf32, #tpu.memory_space<hbm>> -> memref<64x128xf32, #tpu.memory_space<hbm>>
      %dma_start3A_773 = arith.constant 0 : i32
      %dma_start3A_774 = arith.constant 0 : i32
      %dma_start3A_775 = tpu.memref_slice %arg10[%dma_start3A_766, %dma_start3A_773, %dma_start3A_774] : memref<8x64x128xf32, #tpu.memory_space<vmem>> -> memref<1x64x128xf32, #tpu.memory_space<vmem>>
      %dma_start3A_776 = tpu.memref_squeeze %dma_start3A_775 : memref<1x64x128xf32, #tpu.memory_space<vmem>> -> memref<64x128xf32, #tpu.memory_space<vmem>>
      %dma_start3A_777 = arith.constant 0 : i32
      %dma_start3A_778 = tpu.memref_slice %arg4[%dma_start3A_777, %multiple_of3A_765] : memref<64x1000000xf32, #tpu.memory_space<hbm>> -> memref<64x128xf32, #tpu.memory_space<hbm>>
      tpu.enqueue_dma source(%dma_start3A_778 : memref<64x128xf32, #tpu.memory_space<hbm>>) target(%dma_start3A_776 : memref<64x128xf32, #tpu.memory_space<vmem>>) target_semaphore(%arg20 : memref<!tpu.dma_semaphore, #tpu.memory_space<semaphore_mem>>)
      %slice3A_779 = vector.extract_strided_slice %get3A_15 {offsets = [7], sizes = [1], strides = [1]} : vector<16xi32> to vector<1xi32>
      %squeeze3A_780 = vector.extract %slice3A_779[0] : i32 from vector<1xi32>
      %mul3A_781 = arith.constant 16 : i32
      %mul3A_782 = arith.muli %scan3A_12, %mul3A_781 : i32
      %add3A_783 = arith.constant 7 : i32
      %add3A_784 = arith.addi %mul3A_782, %add3A_783 : i32
      %and3A_785 = arith.constant 127 : i32
      %and3A_786 = arith.andi %squeeze3A_780, %and3A_785 : i32
      %dma_wait3A_787 = arith.constant 7 : i32
      %dma_wait3A_788 = arith.constant 0 : i32
      %dma_wait3A_789 = arith.constant 0 : i32
      %dma_wait3A_790 = tpu.memref_slice %arg10[%dma_wait3A_787, %dma_wait3A_788, %dma_wait3A_789] : memref<8x64x128xf32, #tpu.memory_space<vmem>> -> memref<1x64x128xf32, #tpu.memory_space<vmem>>
      %dma_wait3A_791 = tpu.memref_squeeze %dma_wait3A_790 : memref<1x64x128xf32, #tpu.memory_space<vmem>> -> memref<64x128xf32, #tpu.memory_space<vmem>>
      %dma_wait3A_792 = arith.constant 0 : i32
      %dma_wait3A_793 = arith.constant 0 : i32
      %dma_wait3A_794 = tpu.memref_slice %arg4[%dma_wait3A_792, %dma_wait3A_793] : memref<64x1000000xf32, #tpu.memory_space<hbm>> -> memref<64x128xf32, #tpu.memory_space<hbm>>
      %dma_wait3A_795 = arith.constant 0 : i32
      %dma_wait3A_796 = arith.constant 0 : i32
      %dma_wait3A_797 = tpu.memref_slice %arg10[%dma_wait3A_787, %dma_wait3A_795, %dma_wait3A_796] : memref<8x64x128xf32, #tpu.memory_space<vmem>> -> memref<1x64x128xf32, #tpu.memory_space<vmem>>
      %dma_wait3A_798 = tpu.memref_squeeze %dma_wait3A_797 : memref<1x64x128xf32, #tpu.memory_space<vmem>> -> memref<64x128xf32, #tpu.memory_space<vmem>>
      %dma_wait3A_799 = arith.constant 0 : i32
      %dma_wait3A_800 = arith.constant 0 : i32
      %dma_wait3A_801 = tpu.memref_slice %arg4[%dma_wait3A_799, %dma_wait3A_800] : memref<64x1000000xf32, #tpu.memory_space<hbm>> -> memref<64x128xf32, #tpu.memory_space<hbm>>
      tpu.wait_dma2 semaphore(%arg21 : memref<!tpu.dma_semaphore, #tpu.memory_space<semaphore_mem>>) src(%dma_wait3A_801 : memref<64x128xf32, #tpu.memory_space<hbm>>) dst(%dma_wait3A_798 : memref<64x128xf32, #tpu.memory_space<vmem>>)
      %add3A_802 = arith.constant 0 : i32
      %add3A_803 = vector.broadcast %add3A_802 : i32 to vector<16xi32>
      %add3A_804 = arith.addi %add3A_803, %iota3A : vector<16xi32>
      %broadcast_in_dim3A_805 = vector.broadcast %and3A_786 : i32 to vector<16xi32>
      %gather3A_806 = arith.constant 7 : i32
      %gather3A_807 = arith.constant 0 : i32
      %gather3A_808 = arith.constant 0 : i32
      %gather3A_809 = tpu.memref_slice %arg10[%gather3A_806, %gather3A_807, %gather3A_808] : memref<8x64x128xf32, #tpu.memory_space<vmem>> -> memref<1x64x128xf32, #tpu.memory_space<vmem>>
      %gather3A_810 = tpu.memref_squeeze %gather3A_809 : memref<1x64x128xf32, #tpu.memory_space<vmem>> -> memref<64x128xf32, #tpu.memory_space<vmem>>
      %gather3A_811 = tpu.vector_load_idx %gather3A_810[%add3A_804, %broadcast_in_dim3A_805] : memref<64x128xf32, #tpu.memory_space<vmem>>[vector<16xi32>, vector<16xi32>], vector<16xf32>,
      %broadcast_in_dim3A_812 = vector.broadcast %add3A_784 : i32 to vector<16xi32>
      tpu.vector_store_idx %arg11[%add3A_804, %broadcast_in_dim3A_812], %gather3A_811 : memref<64x128xf32, #tpu.memory_space<vmem>>[vector<16xi32>, vector<16xi32>], vector<16xf32>,
      %add3A_813 = arith.constant 16 : i32
      %add3A_814 = vector.broadcast %add3A_813 : i32 to vector<16xi32>
      %add3A_815 = arith.addi %add3A_814, %iota3A : vector<16xi32>
      %broadcast_in_dim3A_816 = vector.broadcast %and3A_786 : i32 to vector<16xi32>
      %gather3A_817 = arith.constant 7 : i32
      %gather3A_818 = arith.constant 0 : i32
      %gather3A_819 = arith.constant 0 : i32
      %gather3A_820 = tpu.memref_slice %arg10[%gather3A_817, %gather3A_818, %gather3A_819] : memref<8x64x128xf32, #tpu.memory_space<vmem>> -> memref<1x64x128xf32, #tpu.memory_space<vmem>>
      %gather3A_821 = tpu.memref_squeeze %gather3A_820 : memref<1x64x128xf32, #tpu.memory_space<vmem>> -> memref<64x128xf32, #tpu.memory_space<vmem>>
      %gather3A_822 = tpu.vector_load_idx %gather3A_821[%add3A_815, %broadcast_in_dim3A_816] : memref<64x128xf32, #tpu.memory_space<vmem>>[vector<16xi32>, vector<16xi32>], vector<16xf32>,
      %broadcast_in_dim3A_823 = vector.broadcast %add3A_784 : i32 to vector<16xi32>
      tpu.vector_store_idx %arg11[%add3A_815, %broadcast_in_dim3A_823], %gather3A_822 : memref<64x128xf32, #tpu.memory_space<vmem>>[vector<16xi32>, vector<16xi32>], vector<16xf32>,
      %add3A_824 = arith.constant 32 : i32
      %add3A_825 = vector.broadcast %add3A_824 : i32 to vector<16xi32>
      %add3A_826 = arith.addi %add3A_825, %iota3A : vector<16xi32>
      %broadcast_in_dim3A_827 = vector.broadcast %and3A_786 : i32 to vector<16xi32>
      %gather3A_828 = arith.constant 7 : i32
      %gather3A_829 = arith.constant 0 : i32
      %gather3A_830 = arith.constant 0 : i32
      %gather3A_831 = tpu.memref_slice %arg10[%gather3A_828, %gather3A_829, %gather3A_830] : memref<8x64x128xf32, #tpu.memory_space<vmem>> -> memref<1x64x128xf32, #tpu.memory_space<vmem>>
      %gather3A_832 = tpu.memref_squeeze %gather3A_831 : memref<1x64x128xf32, #tpu.memory_space<vmem>> -> memref<64x128xf32, #tpu.memory_space<vmem>>
      %gather3A_833 = tpu.vector_load_idx %gather3A_832[%add3A_826, %broadcast_in_dim3A_827] : memref<64x128xf32, #tpu.memory_space<vmem>>[vector<16xi32>, vector<16xi32>], vector<16xf32>,
      %broadcast_in_dim3A_834 = vector.broadcast %add3A_784 : i32 to vector<16xi32>
      tpu.vector_store_idx %arg11[%add3A_826, %broadcast_in_dim3A_834], %gather3A_833 : memref<64x128xf32, #tpu.memory_space<vmem>>[vector<16xi32>, vector<16xi32>], vector<16xf32>,
      %add3A_835 = arith.constant 48 : i32
      %add3A_836 = vector.broadcast %add3A_835 : i32 to vector<16xi32>
      %add3A_837 = arith.addi %add3A_836, %iota3A : vector<16xi32>
      %broadcast_in_dim3A_838 = vector.broadcast %and3A_786 : i32 to vector<16xi32>
      %gather3A_839 = arith.constant 7 : i32
      %gather3A_840 = arith.constant 0 : i32
      %gather3A_841 = arith.constant 0 : i32
      %gather3A_842 = tpu.memref_slice %arg10[%gather3A_839, %gather3A_840, %gather3A_841] : memref<8x64x128xf32, #tpu.memory_space<vmem>> -> memref<1x64x128xf32, #tpu.memory_space<vmem>>
      %gather3A_843 = tpu.memref_squeeze %gather3A_842 : memref<1x64x128xf32, #tpu.memory_space<vmem>> -> memref<64x128xf32, #tpu.memory_space<vmem>>
      %gather3A_844 = tpu.vector_load_idx %gather3A_843[%add3A_837, %broadcast_in_dim3A_838] : memref<64x128xf32, #tpu.memory_space<vmem>>[vector<16xi32>, vector<16xi32>], vector<16xf32>,
      %broadcast_in_dim3A_845 = vector.broadcast %add3A_784 : i32 to vector<16xi32>
      tpu.vector_store_idx %arg11[%add3A_837, %broadcast_in_dim3A_845], %gather3A_844 : memref<64x128xf32, #tpu.memory_space<vmem>>[vector<16xi32>, vector<16xi32>], vector<16xf32>,
      %slice3A_846 = vector.extract_strided_slice %get3A_15 {offsets = [15], sizes = [1], strides = [1]} : vector<16xi32> to vector<1xi32>
      %squeeze3A_847 = vector.extract %slice3A_846[0] : i32 from vector<1xi32>
      %shift_right_arithmetic3A_848 = arith.constant 7 : i32
      %shift_right_arithmetic3A_849 = arith.shrsi %squeeze3A_847, %shift_right_arithmetic3A_848 : i32
      %mul3A_850 = arith.constant 128 : i32
      %mul3A_851 = arith.muli %shift_right_arithmetic3A_849, %mul3A_850 : i32
      %multiple_of3A_852 = tpu.assume_multiple %mul3A_851, 128 : i32
      %dma_start3A_853 = arith.constant 7 : i32
      %dma_start3A_854 = arith.constant 0 : i32
      %dma_start3A_855 = arith.constant 0 : i32
      %dma_start3A_856 = tpu.memref_slice %arg10[%dma_start3A_853, %dma_start3A_854, %dma_start3A_855] : memref<8x64x128xf32, #tpu.memory_space<vmem>> -> memref<1x64x128xf32, #tpu.memory_space<vmem>>
      %dma_start3A_857 = tpu.memref_squeeze %dma_start3A_856 : memref<1x64x128xf32, #tpu.memory_space<vmem>> -> memref<64x128xf32, #tpu.memory_space<vmem>>
      %dma_start3A_858 = arith.constant 0 : i32
      %dma_start3A_859 = tpu.memref_slice %arg4[%dma_start3A_858, %multiple_of3A_852] : memref<64x1000000xf32, #tpu.memory_space<hbm>> -> memref<64x128xf32, #tpu.memory_space<hbm>>
      %dma_start3A_860 = arith.constant 0 : i32
      %dma_start3A_861 = arith.constant 0 : i32
      %dma_start3A_862 = tpu.memref_slice %arg10[%dma_start3A_853, %dma_start3A_860, %dma_start3A_861] : memref<8x64x128xf32, #tpu.memory_space<vmem>> -> memref<1x64x128xf32, #tpu.memory_space<vmem>>
      %dma_start3A_863 = tpu.memref_squeeze %dma_start3A_862 : memref<1x64x128xf32, #tpu.memory_space<vmem>> -> memref<64x128xf32, #tpu.memory_space<vmem>>
      %dma_start3A_864 = arith.constant 0 : i32
      %dma_start3A_865 = tpu.memref_slice %arg4[%dma_start3A_864, %multiple_of3A_852] : memref<64x1000000xf32, #tpu.memory_space<hbm>> -> memref<64x128xf32, #tpu.memory_space<hbm>>
      tpu.enqueue_dma source(%dma_start3A_865 : memref<64x128xf32, #tpu.memory_space<hbm>>) target(%dma_start3A_863 : memref<64x128xf32, #tpu.memory_space<vmem>>) target_semaphore(%arg21 : memref<!tpu.dma_semaphore, #tpu.memory_space<semaphore_mem>>)
      %slice3A_866 = vector.extract_strided_slice %get3A_15 {offsets = [8], sizes = [1], strides = [1]} : vector<16xi32> to vector<1xi32>
      %squeeze3A_867 = vector.extract %slice3A_866[0] : i32 from vector<1xi32>
      %mul3A_868 = arith.constant 16 : i32
      %mul3A_869 = arith.muli %scan3A_12, %mul3A_868 : i32
      %add3A_870 = arith.constant 0 : i32
      %add3A_871 = arith.addi %mul3A_869, %add3A_870 : i32
      %add3A_872 = arith.constant 8 : i32
      %add3A_873 = arith.addi %add3A_871, %add3A_872 : i32
      %and3A_874 = arith.constant 127 : i32
      %and3A_875 = arith.andi %squeeze3A_867, %and3A_874 : i32
      %dma_wait3A_876 = arith.constant 0 : i32
      %dma_wait3A_877 = arith.constant 0 : i32
      %dma_wait3A_878 = arith.constant 0 : i32
      %dma_wait3A_879 = tpu.memref_slice %arg10[%dma_wait3A_876, %dma_wait3A_877, %dma_wait3A_878] : memref<8x64x128xf32, #tpu.memory_space<vmem>> -> memref<1x64x128xf32, #tpu.memory_space<vmem>>
      %dma_wait3A_880 = tpu.memref_squeeze %dma_wait3A_879 : memref<1x64x128xf32, #tpu.memory_space<vmem>> -> memref<64x128xf32, #tpu.memory_space<vmem>>
      %dma_wait3A_881 = arith.constant 0 : i32
      %dma_wait3A_882 = arith.constant 0 : i32
      %dma_wait3A_883 = tpu.memref_slice %arg4[%dma_wait3A_881, %dma_wait3A_882] : memref<64x1000000xf32, #tpu.memory_space<hbm>> -> memref<64x128xf32, #tpu.memory_space<hbm>>
      %dma_wait3A_884 = arith.constant 0 : i32
      %dma_wait3A_885 = arith.constant 0 : i32
      %dma_wait3A_886 = tpu.memref_slice %arg10[%dma_wait3A_876, %dma_wait3A_884, %dma_wait3A_885] : memref<8x64x128xf32, #tpu.memory_space<vmem>> -> memref<1x64x128xf32, #tpu.memory_space<vmem>>
      %dma_wait3A_887 = tpu.memref_squeeze %dma_wait3A_886 : memref<1x64x128xf32, #tpu.memory_space<vmem>> -> memref<64x128xf32, #tpu.memory_space<vmem>>
      %dma_wait3A_888 = arith.constant 0 : i32
      %dma_wait3A_889 = arith.constant 0 : i32
      %dma_wait3A_890 = tpu.memref_slice %arg4[%dma_wait3A_888, %dma_wait3A_889] : memref<64x1000000xf32, #tpu.memory_space<hbm>> -> memref<64x128xf32, #tpu.memory_space<hbm>>
      tpu.wait_dma2 semaphore(%arg14 : memref<!tpu.dma_semaphore, #tpu.memory_space<semaphore_mem>>) src(%dma_wait3A_890 : memref<64x128xf32, #tpu.memory_space<hbm>>) dst(%dma_wait3A_887 : memref<64x128xf32, #tpu.memory_space<vmem>>)
      %add3A_891 = arith.constant 0 : i32
      %add3A_892 = vector.broadcast %add3A_891 : i32 to vector<16xi32>
      %add3A_893 = arith.addi %add3A_892, %iota3A : vector<16xi32>
      %broadcast_in_dim3A_894 = vector.broadcast %and3A_875 : i32 to vector<16xi32>
      %gather3A_895 = arith.constant 0 : i32
      %gather3A_896 = arith.constant 0 : i32
      %gather3A_897 = arith.constant 0 : i32
      %gather3A_898 = tpu.memref_slice %arg10[%gather3A_895, %gather3A_896, %gather3A_897] : memref<8x64x128xf32, #tpu.memory_space<vmem>> -> memref<1x64x128xf32, #tpu.memory_space<vmem>>
      %gather3A_899 = tpu.memref_squeeze %gather3A_898 : memref<1x64x128xf32, #tpu.memory_space<vmem>> -> memref<64x128xf32, #tpu.memory_space<vmem>>
      %gather3A_900 = tpu.vector_load_idx %gather3A_899[%add3A_893, %broadcast_in_dim3A_894] : memref<64x128xf32, #tpu.memory_space<vmem>>[vector<16xi32>, vector<16xi32>], vector<16xf32>,
      %broadcast_in_dim3A_901 = vector.broadcast %add3A_873 : i32 to vector<16xi32>
      tpu.vector_store_idx %arg11[%add3A_893, %broadcast_in_dim3A_901], %gather3A_900 : memref<64x128xf32, #tpu.memory_space<vmem>>[vector<16xi32>, vector<16xi32>], vector<16xf32>,
      %add3A_902 = arith.constant 16 : i32
      %add3A_903 = vector.broadcast %add3A_902 : i32 to vector<16xi32>
      %add3A_904 = arith.addi %add3A_903, %iota3A : vector<16xi32>
      %broadcast_in_dim3A_905 = vector.broadcast %and3A_875 : i32 to vector<16xi32>
      %gather3A_906 = arith.constant 0 : i32
      %gather3A_907 = arith.constant 0 : i32
      %gather3A_908 = arith.constant 0 : i32
      %gather3A_909 = tpu.memref_slice %arg10[%gather3A_906, %gather3A_907, %gather3A_908] : memref<8x64x128xf32, #tpu.memory_space<vmem>> -> memref<1x64x128xf32, #tpu.memory_space<vmem>>
      %gather3A_910 = tpu.memref_squeeze %gather3A_909 : memref<1x64x128xf32, #tpu.memory_space<vmem>> -> memref<64x128xf32, #tpu.memory_space<vmem>>
      %gather3A_911 = tpu.vector_load_idx %gather3A_910[%add3A_904, %broadcast_in_dim3A_905] : memref<64x128xf32, #tpu.memory_space<vmem>>[vector<16xi32>, vector<16xi32>], vector<16xf32>,
      %broadcast_in_dim3A_912 = vector.broadcast %add3A_873 : i32 to vector<16xi32>
      tpu.vector_store_idx %arg11[%add3A_904, %broadcast_in_dim3A_912], %gather3A_911 : memref<64x128xf32, #tpu.memory_space<vmem>>[vector<16xi32>, vector<16xi32>], vector<16xf32>,
      %add3A_913 = arith.constant 32 : i32
      %add3A_914 = vector.broadcast %add3A_913 : i32 to vector<16xi32>
      %add3A_915 = arith.addi %add3A_914, %iota3A : vector<16xi32>
      %broadcast_in_dim3A_916 = vector.broadcast %and3A_875 : i32 to vector<16xi32>
      %gather3A_917 = arith.constant 0 : i32
      %gather3A_918 = arith.constant 0 : i32
      %gather3A_919 = arith.constant 0 : i32
      %gather3A_920 = tpu.memref_slice %arg10[%gather3A_917, %gather3A_918, %gather3A_919] : memref<8x64x128xf32, #tpu.memory_space<vmem>> -> memref<1x64x128xf32, #tpu.memory_space<vmem>>
      %gather3A_921 = tpu.memref_squeeze %gather3A_920 : memref<1x64x128xf32, #tpu.memory_space<vmem>> -> memref<64x128xf32, #tpu.memory_space<vmem>>
      %gather3A_922 = tpu.vector_load_idx %gather3A_921[%add3A_915, %broadcast_in_dim3A_916] : memref<64x128xf32, #tpu.memory_space<vmem>>[vector<16xi32>, vector<16xi32>], vector<16xf32>,
      %broadcast_in_dim3A_923 = vector.broadcast %add3A_873 : i32 to vector<16xi32>
      tpu.vector_store_idx %arg11[%add3A_915, %broadcast_in_dim3A_923], %gather3A_922 : memref<64x128xf32, #tpu.memory_space<vmem>>[vector<16xi32>, vector<16xi32>], vector<16xf32>,
      %add3A_924 = arith.constant 48 : i32
      %add3A_925 = vector.broadcast %add3A_924 : i32 to vector<16xi32>
      %add3A_926 = arith.addi %add3A_925, %iota3A : vector<16xi32>
      %broadcast_in_dim3A_927 = vector.broadcast %and3A_875 : i32 to vector<16xi32>
      %gather3A_928 = arith.constant 0 : i32
      %gather3A_929 = arith.constant 0 : i32
      %gather3A_930 = arith.constant 0 : i32
      %gather3A_931 = tpu.memref_slice %arg10[%gather3A_928, %gather3A_929, %gather3A_930] : memref<8x64x128xf32, #tpu.memory_space<vmem>> -> memref<1x64x128xf32, #tpu.memory_space<vmem>>
      %gather3A_932 = tpu.memref_squeeze %gather3A_931 : memref<1x64x128xf32, #tpu.memory_space<vmem>> -> memref<64x128xf32, #tpu.memory_space<vmem>>
      %gather3A_933 = tpu.vector_load_idx %gather3A_932[%add3A_926, %broadcast_in_dim3A_927] : memref<64x128xf32, #tpu.memory_space<vmem>>[vector<16xi32>, vector<16xi32>], vector<16xf32>,
      %broadcast_in_dim3A_934 = vector.broadcast %add3A_873 : i32 to vector<16xi32>
      tpu.vector_store_idx %arg11[%add3A_926, %broadcast_in_dim3A_934], %gather3A_933 : memref<64x128xf32, #tpu.memory_space<vmem>>[vector<16xi32>, vector<16xi32>], vector<16xf32>,
      %slice3A_935 = vector.extract_strided_slice %get3A_15 {offsets = [9], sizes = [1], strides = [1]} : vector<16xi32> to vector<1xi32>
      %squeeze3A_936 = vector.extract %slice3A_935[0] : i32 from vector<1xi32>
      %mul3A_937 = arith.constant 16 : i32
      %mul3A_938 = arith.muli %scan3A_12, %mul3A_937 : i32
      %add3A_939 = arith.constant 1 : i32
      %add3A_940 = arith.addi %mul3A_938, %add3A_939 : i32
      %add3A_941 = arith.constant 8 : i32
      %add3A_942 = arith.addi %add3A_940, %add3A_941 : i32
      %and3A_943 = arith.constant 127 : i32
      %and3A_944 = arith.andi %squeeze3A_936, %and3A_943 : i32
      %dma_wait3A_945 = arith.constant 1 : i32
      %dma_wait3A_946 = arith.constant 0 : i32
      %dma_wait3A_947 = arith.constant 0 : i32
      %dma_wait3A_948 = tpu.memref_slice %arg10[%dma_wait3A_945, %dma_wait3A_946, %dma_wait3A_947] : memref<8x64x128xf32, #tpu.memory_space<vmem>> -> memref<1x64x128xf32, #tpu.memory_space<vmem>>
      %dma_wait3A_949 = tpu.memref_squeeze %dma_wait3A_948 : memref<1x64x128xf32, #tpu.memory_space<vmem>> -> memref<64x128xf32, #tpu.memory_space<vmem>>
      %dma_wait3A_950 = arith.constant 0 : i32
      %dma_wait3A_951 = arith.constant 0 : i32
      %dma_wait3A_952 = tpu.memref_slice %arg4[%dma_wait3A_950, %dma_wait3A_951] : memref<64x1000000xf32, #tpu.memory_space<hbm>> -> memref<64x128xf32, #tpu.memory_space<hbm>>
      %dma_wait3A_953 = arith.constant 0 : i32
      %dma_wait3A_954 = arith.constant 0 : i32
      %dma_wait3A_955 = tpu.memref_slice %arg10[%dma_wait3A_945, %dma_wait3A_953, %dma_wait3A_954] : memref<8x64x128xf32, #tpu.memory_space<vmem>> -> memref<1x64x128xf32, #tpu.memory_space<vmem>>
      %dma_wait3A_956 = tpu.memref_squeeze %dma_wait3A_955 : memref<1x64x128xf32, #tpu.memory_space<vmem>> -> memref<64x128xf32, #tpu.memory_space<vmem>>
      %dma_wait3A_957 = arith.constant 0 : i32
      %dma_wait3A_958 = arith.constant 0 : i32
      %dma_wait3A_959 = tpu.memref_slice %arg4[%dma_wait3A_957, %dma_wait3A_958] : memref<64x1000000xf32, #tpu.memory_space<hbm>> -> memref<64x128xf32, #tpu.memory_space<hbm>>
      tpu.wait_dma2 semaphore(%arg15 : memref<!tpu.dma_semaphore, #tpu.memory_space<semaphore_mem>>) src(%dma_wait3A_959 : memref<64x128xf32, #tpu.memory_space<hbm>>) dst(%dma_wait3A_956 : memref<64x128xf32, #tpu.memory_space<vmem>>)
      %add3A_960 = arith.constant 0 : i32
      %add3A_961 = vector.broadcast %add3A_960 : i32 to vector<16xi32>
      %add3A_962 = arith.addi %add3A_961, %iota3A : vector<16xi32>
      %broadcast_in_dim3A_963 = vector.broadcast %and3A_944 : i32 to vector<16xi32>
      %gather3A_964 = arith.constant 1 : i32
      %gather3A_965 = arith.constant 0 : i32
      %gather3A_966 = arith.constant 0 : i32
      %gather3A_967 = tpu.memref_slice %arg10[%gather3A_964, %gather3A_965, %gather3A_966] : memref<8x64x128xf32, #tpu.memory_space<vmem>> -> memref<1x64x128xf32, #tpu.memory_space<vmem>>
      %gather3A_968 = tpu.memref_squeeze %gather3A_967 : memref<1x64x128xf32, #tpu.memory_space<vmem>> -> memref<64x128xf32, #tpu.memory_space<vmem>>
      %gather3A_969 = tpu.vector_load_idx %gather3A_968[%add3A_962, %broadcast_in_dim3A_963] : memref<64x128xf32, #tpu.memory_space<vmem>>[vector<16xi32>, vector<16xi32>], vector<16xf32>,
      %broadcast_in_dim3A_970 = vector.broadcast %add3A_942 : i32 to vector<16xi32>
      tpu.vector_store_idx %arg11[%add3A_962, %broadcast_in_dim3A_970], %gather3A_969 : memref<64x128xf32, #tpu.memory_space<vmem>>[vector<16xi32>, vector<16xi32>], vector<16xf32>,
      %add3A_971 = arith.constant 16 : i32
      %add3A_972 = vector.broadcast %add3A_971 : i32 to vector<16xi32>
      %add3A_973 = arith.addi %add3A_972, %iota3A : vector<16xi32>
      %broadcast_in_dim3A_974 = vector.broadcast %and3A_944 : i32 to vector<16xi32>
      %gather3A_975 = arith.constant 1 : i32
      %gather3A_976 = arith.constant 0 : i32
      %gather3A_977 = arith.constant 0 : i32
      %gather3A_978 = tpu.memref_slice %arg10[%gather3A_975, %gather3A_976, %gather3A_977] : memref<8x64x128xf32, #tpu.memory_space<vmem>> -> memref<1x64x128xf32, #tpu.memory_space<vmem>>
      %gather3A_979 = tpu.memref_squeeze %gather3A_978 : memref<1x64x128xf32, #tpu.memory_space<vmem>> -> memref<64x128xf32, #tpu.memory_space<vmem>>
      %gather3A_980 = tpu.vector_load_idx %gather3A_979[%add3A_973, %broadcast_in_dim3A_974] : memref<64x128xf32, #tpu.memory_space<vmem>>[vector<16xi32>, vector<16xi32>], vector<16xf32>,
      %broadcast_in_dim3A_981 = vector.broadcast %add3A_942 : i32 to vector<16xi32>
      tpu.vector_store_idx %arg11[%add3A_973, %broadcast_in_dim3A_981], %gather3A_980 : memref<64x128xf32, #tpu.memory_space<vmem>>[vector<16xi32>, vector<16xi32>], vector<16xf32>,
      %add3A_982 = arith.constant 32 : i32
      %add3A_983 = vector.broadcast %add3A_982 : i32 to vector<16xi32>
      %add3A_984 = arith.addi %add3A_983, %iota3A : vector<16xi32>
      %broadcast_in_dim3A_985 = vector.broadcast %and3A_944 : i32 to vector<16xi32>
      %gather3A_986 = arith.constant 1 : i32
      %gather3A_987 = arith.constant 0 : i32
      %gather3A_988 = arith.constant 0 : i32
      %gather3A_989 = tpu.memref_slice %arg10[%gather3A_986, %gather3A_987, %gather3A_988] : memref<8x64x128xf32, #tpu.memory_space<vmem>> -> memref<1x64x128xf32, #tpu.memory_space<vmem>>
      %gather3A_990 = tpu.memref_squeeze %gather3A_989 : memref<1x64x128xf32, #tpu.memory_space<vmem>> -> memref<64x128xf32, #tpu.memory_space<vmem>>
      %gather3A_991 = tpu.vector_load_idx %gather3A_990[%add3A_984, %broadcast_in_dim3A_985] : memref<64x128xf32, #tpu.memory_space<vmem>>[vector<16xi32>, vector<16xi32>], vector<16xf32>,
      %broadcast_in_dim3A_992 = vector.broadcast %add3A_942 : i32 to vector<16xi32>
      tpu.vector_store_idx %arg11[%add3A_984, %broadcast_in_dim3A_992], %gather3A_991 : memref<64x128xf32, #tpu.memory_space<vmem>>[vector<16xi32>, vector<16xi32>], vector<16xf32>,
      %add3A_993 = arith.constant 48 : i32
      %add3A_994 = vector.broadcast %add3A_993 : i32 to vector<16xi32>
      %add3A_995 = arith.addi %add3A_994, %iota3A : vector<16xi32>
      %broadcast_in_dim3A_996 = vector.broadcast %and3A_944 : i32 to vector<16xi32>
      %gather3A_997 = arith.constant 1 : i32
      %gather3A_998 = arith.constant 0 : i32
      %gather3A_999 = arith.constant 0 : i32
      %gather3A_1000 = tpu.memref_slice %arg10[%gather3A_997, %gather3A_998, %gather3A_999] : memref<8x64x128xf32, #tpu.memory_space<vmem>> -> memref<1x64x128xf32, #tpu.memory_space<vmem>>
      %gather3A_1001 = tpu.memref_squeeze %gather3A_1000 : memref<1x64x128xf32, #tpu.memory_space<vmem>> -> memref<64x128xf32, #tpu.memory_space<vmem>>
      %gather3A_1002 = tpu.vector_load_idx %gather3A_1001[%add3A_995, %broadcast_in_dim3A_996] : memref<64x128xf32, #tpu.memory_space<vmem>>[vector<16xi32>, vector<16xi32>], vector<16xf32>,
      %broadcast_in_dim3A_1003 = vector.broadcast %add3A_942 : i32 to vector<16xi32>
      tpu.vector_store_idx %arg11[%add3A_995, %broadcast_in_dim3A_1003], %gather3A_1002 : memref<64x128xf32, #tpu.memory_space<vmem>>[vector<16xi32>, vector<16xi32>], vector<16xf32>,
      %slice3A_1004 = vector.extract_strided_slice %get3A_15 {offsets = [10], sizes = [1], strides = [1]} : vector<16xi32> to vector<1xi32>
      %squeeze3A_1005 = vector.extract %slice3A_1004[0] : i32 from vector<1xi32>
      %mul3A_1006 = arith.constant 16 : i32
      %mul3A_1007 = arith.muli %scan3A_12, %mul3A_1006 : i32
      %add3A_1008 = arith.constant 2 : i32
      %add3A_1009 = arith.addi %mul3A_1007, %add3A_1008 : i32
      %add3A_1010 = arith.constant 8 : i32
      %add3A_1011 = arith.addi %add3A_1009, %add3A_1010 : i32
      %and3A_1012 = arith.constant 127 : i32
      %and3A_1013 = arith.andi %squeeze3A_1005, %and3A_1012 : i32
      %dma_wait3A_1014 = arith.constant 2 : i32
      %dma_wait3A_1015 = arith.constant 0 : i32
      %dma_wait3A_1016 = arith.constant 0 : i32
      %dma_wait3A_1017 = tpu.memref_slice %arg10[%dma_wait3A_1014, %dma_wait3A_1015, %dma_wait3A_1016] : memref<8x64x128xf32, #tpu.memory_space<vmem>> -> memref<1x64x128xf32, #tpu.memory_space<vmem>>
      %dma_wait3A_1018 = tpu.memref_squeeze %dma_wait3A_1017 : memref<1x64x128xf32, #tpu.memory_space<vmem>> -> memref<64x128xf32, #tpu.memory_space<vmem>>
      %dma_wait3A_1019 = arith.constant 0 : i32
      %dma_wait3A_1020 = arith.constant 0 : i32
      %dma_wait3A_1021 = tpu.memref_slice %arg4[%dma_wait3A_1019, %dma_wait3A_1020] : memref<64x1000000xf32, #tpu.memory_space<hbm>> -> memref<64x128xf32, #tpu.memory_space<hbm>>
      %dma_wait3A_1022 = arith.constant 0 : i32
      %dma_wait3A_1023 = arith.constant 0 : i32
      %dma_wait3A_1024 = tpu.memref_slice %arg10[%dma_wait3A_1014, %dma_wait3A_1022, %dma_wait3A_1023] : memref<8x64x128xf32, #tpu.memory_space<vmem>> -> memref<1x64x128xf32, #tpu.memory_space<vmem>>
      %dma_wait3A_1025 = tpu.memref_squeeze %dma_wait3A_1024 : memref<1x64x128xf32, #tpu.memory_space<vmem>> -> memref<64x128xf32, #tpu.memory_space<vmem>>
      %dma_wait3A_1026 = arith.constant 0 : i32
      %dma_wait3A_1027 = arith.constant 0 : i32
      %dma_wait3A_1028 = tpu.memref_slice %arg4[%dma_wait3A_1026, %dma_wait3A_1027] : memref<64x1000000xf32, #tpu.memory_space<hbm>> -> memref<64x128xf32, #tpu.memory_space<hbm>>
      tpu.wait_dma2 semaphore(%arg16 : memref<!tpu.dma_semaphore, #tpu.memory_space<semaphore_mem>>) src(%dma_wait3A_1028 : memref<64x128xf32, #tpu.memory_space<hbm>>) dst(%dma_wait3A_1025 : memref<64x128xf32, #tpu.memory_space<vmem>>)
      %add3A_1029 = arith.constant 0 : i32
      %add3A_1030 = vector.broadcast %add3A_1029 : i32 to vector<16xi32>
      %add3A_1031 = arith.addi %add3A_1030, %iota3A : vector<16xi32>
      %broadcast_in_dim3A_1032 = vector.broadcast %and3A_1013 : i32 to vector<16xi32>
      %gather3A_1033 = arith.constant 2 : i32
      %gather3A_1034 = arith.constant 0 : i32
      %gather3A_1035 = arith.constant 0 : i32
      %gather3A_1036 = tpu.memref_slice %arg10[%gather3A_1033, %gather3A_1034, %gather3A_1035] : memref<8x64x128xf32, #tpu.memory_space<vmem>> -> memref<1x64x128xf32, #tpu.memory_space<vmem>>
      %gather3A_1037 = tpu.memref_squeeze %gather3A_1036 : memref<1x64x128xf32, #tpu.memory_space<vmem>> -> memref<64x128xf32, #tpu.memory_space<vmem>>
      %gather3A_1038 = tpu.vector_load_idx %gather3A_1037[%add3A_1031, %broadcast_in_dim3A_1032] : memref<64x128xf32, #tpu.memory_space<vmem>>[vector<16xi32>, vector<16xi32>], vector<16xf32>,
      %broadcast_in_dim3A_1039 = vector.broadcast %add3A_1011 : i32 to vector<16xi32>
      tpu.vector_store_idx %arg11[%add3A_1031, %broadcast_in_dim3A_1039], %gather3A_1038 : memref<64x128xf32, #tpu.memory_space<vmem>>[vector<16xi32>, vector<16xi32>], vector<16xf32>,
      %add3A_1040 = arith.constant 16 : i32
      %add3A_1041 = vector.broadcast %add3A_1040 : i32 to vector<16xi32>
      %add3A_1042 = arith.addi %add3A_1041, %iota3A : vector<16xi32>
      %broadcast_in_dim3A_1043 = vector.broadcast %and3A_1013 : i32 to vector<16xi32>
      %gather3A_1044 = arith.constant 2 : i32
      %gather3A_1045 = arith.constant 0 : i32
      %gather3A_1046 = arith.constant 0 : i32
      %gather3A_1047 = tpu.memref_slice %arg10[%gather3A_1044, %gather3A_1045, %gather3A_1046] : memref<8x64x128xf32, #tpu.memory_space<vmem>> -> memref<1x64x128xf32, #tpu.memory_space<vmem>>
      %gather3A_1048 = tpu.memref_squeeze %gather3A_1047 : memref<1x64x128xf32, #tpu.memory_space<vmem>> -> memref<64x128xf32, #tpu.memory_space<vmem>>
      %gather3A_1049 = tpu.vector_load_idx %gather3A_1048[%add3A_1042, %broadcast_in_dim3A_1043] : memref<64x128xf32, #tpu.memory_space<vmem>>[vector<16xi32>, vector<16xi32>], vector<16xf32>,
      %broadcast_in_dim3A_1050 = vector.broadcast %add3A_1011 : i32 to vector<16xi32>
      tpu.vector_store_idx %arg11[%add3A_1042, %broadcast_in_dim3A_1050], %gather3A_1049 : memref<64x128xf32, #tpu.memory_space<vmem>>[vector<16xi32>, vector<16xi32>], vector<16xf32>,
      %add3A_1051 = arith.constant 32 : i32
      %add3A_1052 = vector.broadcast %add3A_1051 : i32 to vector<16xi32>
      %add3A_1053 = arith.addi %add3A_1052, %iota3A : vector<16xi32>
      %broadcast_in_dim3A_1054 = vector.broadcast %and3A_1013 : i32 to vector<16xi32>
      %gather3A_1055 = arith.constant 2 : i32
      %gather3A_1056 = arith.constant 0 : i32
      %gather3A_1057 = arith.constant 0 : i32
      %gather3A_1058 = tpu.memref_slice %arg10[%gather3A_1055, %gather3A_1056, %gather3A_1057] : memref<8x64x128xf32, #tpu.memory_space<vmem>> -> memref<1x64x128xf32, #tpu.memory_space<vmem>>
      %gather3A_1059 = tpu.memref_squeeze %gather3A_1058 : memref<1x64x128xf32, #tpu.memory_space<vmem>> -> memref<64x128xf32, #tpu.memory_space<vmem>>
      %gather3A_1060 = tpu.vector_load_idx %gather3A_1059[%add3A_1053, %broadcast_in_dim3A_1054] : memref<64x128xf32, #tpu.memory_space<vmem>>[vector<16xi32>, vector<16xi32>], vector<16xf32>,
      %broadcast_in_dim3A_1061 = vector.broadcast %add3A_1011 : i32 to vector<16xi32>
      tpu.vector_store_idx %arg11[%add3A_1053, %broadcast_in_dim3A_1061], %gather3A_1060 : memref<64x128xf32, #tpu.memory_space<vmem>>[vector<16xi32>, vector<16xi32>], vector<16xf32>,
      %add3A_1062 = arith.constant 48 : i32
      %add3A_1063 = vector.broadcast %add3A_1062 : i32 to vector<16xi32>
      %add3A_1064 = arith.addi %add3A_1063, %iota3A : vector<16xi32>
      %broadcast_in_dim3A_1065 = vector.broadcast %and3A_1013 : i32 to vector<16xi32>
      %gather3A_1066 = arith.constant 2 : i32
      %gather3A_1067 = arith.constant 0 : i32
      %gather3A_1068 = arith.constant 0 : i32
      %gather3A_1069 = tpu.memref_slice %arg10[%gather3A_1066, %gather3A_1067, %gather3A_1068] : memref<8x64x128xf32, #tpu.memory_space<vmem>> -> memref<1x64x128xf32, #tpu.memory_space<vmem>>
      %gather3A_1070 = tpu.memref_squeeze %gather3A_1069 : memref<1x64x128xf32, #tpu.memory_space<vmem>> -> memref<64x128xf32, #tpu.memory_space<vmem>>
      %gather3A_1071 = tpu.vector_load_idx %gather3A_1070[%add3A_1064, %broadcast_in_dim3A_1065] : memref<64x128xf32, #tpu.memory_space<vmem>>[vector<16xi32>, vector<16xi32>], vector<16xf32>,
      %broadcast_in_dim3A_1072 = vector.broadcast %add3A_1011 : i32 to vector<16xi32>
      tpu.vector_store_idx %arg11[%add3A_1064, %broadcast_in_dim3A_1072], %gather3A_1071 : memref<64x128xf32, #tpu.memory_space<vmem>>[vector<16xi32>, vector<16xi32>], vector<16xf32>,
      %slice3A_1073 = vector.extract_strided_slice %get3A_15 {offsets = [11], sizes = [1], strides = [1]} : vector<16xi32> to vector<1xi32>
      %squeeze3A_1074 = vector.extract %slice3A_1073[0] : i32 from vector<1xi32>
      %mul3A_1075 = arith.constant 16 : i32
      %mul3A_1076 = arith.muli %scan3A_12, %mul3A_1075 : i32
      %add3A_1077 = arith.constant 3 : i32
      %add3A_1078 = arith.addi %mul3A_1076, %add3A_1077 : i32
      %add3A_1079 = arith.constant 8 : i32
      %add3A_1080 = arith.addi %add3A_1078, %add3A_1079 : i32
      %and3A_1081 = arith.constant 127 : i32
      %and3A_1082 = arith.andi %squeeze3A_1074, %and3A_1081 : i32
      %dma_wait3A_1083 = arith.constant 3 : i32
      %dma_wait3A_1084 = arith.constant 0 : i32
      %dma_wait3A_1085 = arith.constant 0 : i32
      %dma_wait3A_1086 = tpu.memref_slice %arg10[%dma_wait3A_1083, %dma_wait3A_1084, %dma_wait3A_1085] : memref<8x64x128xf32, #tpu.memory_space<vmem>> -> memref<1x64x128xf32, #tpu.memory_space<vmem>>
      %dma_wait3A_1087 = tpu.memref_squeeze %dma_wait3A_1086 : memref<1x64x128xf32, #tpu.memory_space<vmem>> -> memref<64x128xf32, #tpu.memory_space<vmem>>
      %dma_wait3A_1088 = arith.constant 0 : i32
      %dma_wait3A_1089 = arith.constant 0 : i32
      %dma_wait3A_1090 = tpu.memref_slice %arg4[%dma_wait3A_1088, %dma_wait3A_1089] : memref<64x1000000xf32, #tpu.memory_space<hbm>> -> memref<64x128xf32, #tpu.memory_space<hbm>>
      %dma_wait3A_1091 = arith.constant 0 : i32
      %dma_wait3A_1092 = arith.constant 0 : i32
      %dma_wait3A_1093 = tpu.memref_slice %arg10[%dma_wait3A_1083, %dma_wait3A_1091, %dma_wait3A_1092] : memref<8x64x128xf32, #tpu.memory_space<vmem>> -> memref<1x64x128xf32, #tpu.memory_space<vmem>>
      %dma_wait3A_1094 = tpu.memref_squeeze %dma_wait3A_1093 : memref<1x64x128xf32, #tpu.memory_space<vmem>> -> memref<64x128xf32, #tpu.memory_space<vmem>>
      %dma_wait3A_1095 = arith.constant 0 : i32
      %dma_wait3A_1096 = arith.constant 0 : i32
      %dma_wait3A_1097 = tpu.memref_slice %arg4[%dma_wait3A_1095, %dma_wait3A_1096] : memref<64x1000000xf32, #tpu.memory_space<hbm>> -> memref<64x128xf32, #tpu.memory_space<hbm>>
      tpu.wait_dma2 semaphore(%arg17 : memref<!tpu.dma_semaphore, #tpu.memory_space<semaphore_mem>>) src(%dma_wait3A_1097 : memref<64x128xf32, #tpu.memory_space<hbm>>) dst(%dma_wait3A_1094 : memref<64x128xf32, #tpu.memory_space<vmem>>)
      %add3A_1098 = arith.constant 0 : i32
      %add3A_1099 = vector.broadcast %add3A_1098 : i32 to vector<16xi32>
      %add3A_1100 = arith.addi %add3A_1099, %iota3A : vector<16xi32>
      %broadcast_in_dim3A_1101 = vector.broadcast %and3A_1082 : i32 to vector<16xi32>
      %gather3A_1102 = arith.constant 3 : i32
      %gather3A_1103 = arith.constant 0 : i32
      %gather3A_1104 = arith.constant 0 : i32
      %gather3A_1105 = tpu.memref_slice %arg10[%gather3A_1102, %gather3A_1103, %gather3A_1104] : memref<8x64x128xf32, #tpu.memory_space<vmem>> -> memref<1x64x128xf32, #tpu.memory_space<vmem>>
      %gather3A_1106 = tpu.memref_squeeze %gather3A_1105 : memref<1x64x128xf32, #tpu.memory_space<vmem>> -> memref<64x128xf32, #tpu.memory_space<vmem>>
      %gather3A_1107 = tpu.vector_load_idx %gather3A_1106[%add3A_1100, %broadcast_in_dim3A_1101] : memref<64x128xf32, #tpu.memory_space<vmem>>[vector<16xi32>, vector<16xi32>], vector<16xf32>,
      %broadcast_in_dim3A_1108 = vector.broadcast %add3A_1080 : i32 to vector<16xi32>
      tpu.vector_store_idx %arg11[%add3A_1100, %broadcast_in_dim3A_1108], %gather3A_1107 : memref<64x128xf32, #tpu.memory_space<vmem>>[vector<16xi32>, vector<16xi32>], vector<16xf32>,
      %add3A_1109 = arith.constant 16 : i32
      %add3A_1110 = vector.broadcast %add3A_1109 : i32 to vector<16xi32>
      %add3A_1111 = arith.addi %add3A_1110, %iota3A : vector<16xi32>
      %broadcast_in_dim3A_1112 = vector.broadcast %and3A_1082 : i32 to vector<16xi32>
      %gather3A_1113 = arith.constant 3 : i32
      %gather3A_1114 = arith.constant 0 : i32
      %gather3A_1115 = arith.constant 0 : i32
      %gather3A_1116 = tpu.memref_slice %arg10[%gather3A_1113, %gather3A_1114, %gather3A_1115] : memref<8x64x128xf32, #tpu.memory_space<vmem>> -> memref<1x64x128xf32, #tpu.memory_space<vmem>>
      %gather3A_1117 = tpu.memref_squeeze %gather3A_1116 : memref<1x64x128xf32, #tpu.memory_space<vmem>> -> memref<64x128xf32, #tpu.memory_space<vmem>>
      %gather3A_1118 = tpu.vector_load_idx %gather3A_1117[%add3A_1111, %broadcast_in_dim3A_1112] : memref<64x128xf32, #tpu.memory_space<vmem>>[vector<16xi32>, vector<16xi32>], vector<16xf32>,
      %broadcast_in_dim3A_1119 = vector.broadcast %add3A_1080 : i32 to vector<16xi32>
      tpu.vector_store_idx %arg11[%add3A_1111, %broadcast_in_dim3A_1119], %gather3A_1118 : memref<64x128xf32, #tpu.memory_space<vmem>>[vector<16xi32>, vector<16xi32>], vector<16xf32>,
      %add3A_1120 = arith.constant 32 : i32
      %add3A_1121 = vector.broadcast %add3A_1120 : i32 to vector<16xi32>
      %add3A_1122 = arith.addi %add3A_1121, %iota3A : vector<16xi32>
      %broadcast_in_dim3A_1123 = vector.broadcast %and3A_1082 : i32 to vector<16xi32>
      %gather3A_1124 = arith.constant 3 : i32
      %gather3A_1125 = arith.constant 0 : i32
      %gather3A_1126 = arith.constant 0 : i32
      %gather3A_1127 = tpu.memref_slice %arg10[%gather3A_1124, %gather3A_1125, %gather3A_1126] : memref<8x64x128xf32, #tpu.memory_space<vmem>> -> memref<1x64x128xf32, #tpu.memory_space<vmem>>
      %gather3A_1128 = tpu.memref_squeeze %gather3A_1127 : memref<1x64x128xf32, #tpu.memory_space<vmem>> -> memref<64x128xf32, #tpu.memory_space<vmem>>
      %gather3A_1129 = tpu.vector_load_idx %gather3A_1128[%add3A_1122, %broadcast_in_dim3A_1123] : memref<64x128xf32, #tpu.memory_space<vmem>>[vector<16xi32>, vector<16xi32>], vector<16xf32>,
      %broadcast_in_dim3A_1130 = vector.broadcast %add3A_1080 : i32 to vector<16xi32>
      tpu.vector_store_idx %arg11[%add3A_1122, %broadcast_in_dim3A_1130], %gather3A_1129 : memref<64x128xf32, #tpu.memory_space<vmem>>[vector<16xi32>, vector<16xi32>], vector<16xf32>,
      %add3A_1131 = arith.constant 48 : i32
      %add3A_1132 = vector.broadcast %add3A_1131 : i32 to vector<16xi32>
      %add3A_1133 = arith.addi %add3A_1132, %iota3A : vector<16xi32>
      %broadcast_in_dim3A_1134 = vector.broadcast %and3A_1082 : i32 to vector<16xi32>
      %gather3A_1135 = arith.constant 3 : i32
      %gather3A_1136 = arith.constant 0 : i32
      %gather3A_1137 = arith.constant 0 : i32
      %gather3A_1138 = tpu.memref_slice %arg10[%gather3A_1135, %gather3A_1136, %gather3A_1137] : memref<8x64x128xf32, #tpu.memory_space<vmem>> -> memref<1x64x128xf32, #tpu.memory_space<vmem>>
      %gather3A_1139 = tpu.memref_squeeze %gather3A_1138 : memref<1x64x128xf32, #tpu.memory_space<vmem>> -> memref<64x128xf32, #tpu.memory_space<vmem>>
      %gather3A_1140 = tpu.vector_load_idx %gather3A_1139[%add3A_1133, %broadcast_in_dim3A_1134] : memref<64x128xf32, #tpu.memory_space<vmem>>[vector<16xi32>, vector<16xi32>], vector<16xf32>,
      %broadcast_in_dim3A_1141 = vector.broadcast %add3A_1080 : i32 to vector<16xi32>
      tpu.vector_store_idx %arg11[%add3A_1133, %broadcast_in_dim3A_1141], %gather3A_1140 : memref<64x128xf32, #tpu.memory_space<vmem>>[vector<16xi32>, vector<16xi32>], vector<16xf32>,
      %slice3A_1142 = vector.extract_strided_slice %get3A_15 {offsets = [12], sizes = [1], strides = [1]} : vector<16xi32> to vector<1xi32>
      %squeeze3A_1143 = vector.extract %slice3A_1142[0] : i32 from vector<1xi32>
      %mul3A_1144 = arith.constant 16 : i32
      %mul3A_1145 = arith.muli %scan3A_12, %mul3A_1144 : i32
      %add3A_1146 = arith.constant 4 : i32
      %add3A_1147 = arith.addi %mul3A_1145, %add3A_1146 : i32
      %add3A_1148 = arith.constant 8 : i32
      %add3A_1149 = arith.addi %add3A_1147, %add3A_1148 : i32
      %and3A_1150 = arith.constant 127 : i32
      %and3A_1151 = arith.andi %squeeze3A_1143, %and3A_1150 : i32
      %dma_wait3A_1152 = arith.constant 4 : i32
      %dma_wait3A_1153 = arith.constant 0 : i32
      %dma_wait3A_1154 = arith.constant 0 : i32
      %dma_wait3A_1155 = tpu.memref_slice %arg10[%dma_wait3A_1152, %dma_wait3A_1153, %dma_wait3A_1154] : memref<8x64x128xf32, #tpu.memory_space<vmem>> -> memref<1x64x128xf32, #tpu.memory_space<vmem>>
      %dma_wait3A_1156 = tpu.memref_squeeze %dma_wait3A_1155 : memref<1x64x128xf32, #tpu.memory_space<vmem>> -> memref<64x128xf32, #tpu.memory_space<vmem>>
      %dma_wait3A_1157 = arith.constant 0 : i32
      %dma_wait3A_1158 = arith.constant 0 : i32
      %dma_wait3A_1159 = tpu.memref_slice %arg4[%dma_wait3A_1157, %dma_wait3A_1158] : memref<64x1000000xf32, #tpu.memory_space<hbm>> -> memref<64x128xf32, #tpu.memory_space<hbm>>
      %dma_wait3A_1160 = arith.constant 0 : i32
      %dma_wait3A_1161 = arith.constant 0 : i32
      %dma_wait3A_1162 = tpu.memref_slice %arg10[%dma_wait3A_1152, %dma_wait3A_1160, %dma_wait3A_1161] : memref<8x64x128xf32, #tpu.memory_space<vmem>> -> memref<1x64x128xf32, #tpu.memory_space<vmem>>
      %dma_wait3A_1163 = tpu.memref_squeeze %dma_wait3A_1162 : memref<1x64x128xf32, #tpu.memory_space<vmem>> -> memref<64x128xf32, #tpu.memory_space<vmem>>
      %dma_wait3A_1164 = arith.constant 0 : i32
      %dma_wait3A_1165 = arith.constant 0 : i32
      %dma_wait3A_1166 = tpu.memref_slice %arg4[%dma_wait3A_1164, %dma_wait3A_1165] : memref<64x1000000xf32, #tpu.memory_space<hbm>> -> memref<64x128xf32, #tpu.memory_space<hbm>>
      tpu.wait_dma2 semaphore(%arg18 : memref<!tpu.dma_semaphore, #tpu.memory_space<semaphore_mem>>) src(%dma_wait3A_1166 : memref<64x128xf32, #tpu.memory_space<hbm>>) dst(%dma_wait3A_1163 : memref<64x128xf32, #tpu.memory_space<vmem>>)
      %add3A_1167 = arith.constant 0 : i32
      %add3A_1168 = vector.broadcast %add3A_1167 : i32 to vector<16xi32>
      %add3A_1169 = arith.addi %add3A_1168, %iota3A : vector<16xi32>
      %broadcast_in_dim3A_1170 = vector.broadcast %and3A_1151 : i32 to vector<16xi32>
      %gather3A_1171 = arith.constant 4 : i32
      %gather3A_1172 = arith.constant 0 : i32
      %gather3A_1173 = arith.constant 0 : i32
      %gather3A_1174 = tpu.memref_slice %arg10[%gather3A_1171, %gather3A_1172, %gather3A_1173] : memref<8x64x128xf32, #tpu.memory_space<vmem>> -> memref<1x64x128xf32, #tpu.memory_space<vmem>>
      %gather3A_1175 = tpu.memref_squeeze %gather3A_1174 : memref<1x64x128xf32, #tpu.memory_space<vmem>> -> memref<64x128xf32, #tpu.memory_space<vmem>>
      %gather3A_1176 = tpu.vector_load_idx %gather3A_1175[%add3A_1169, %broadcast_in_dim3A_1170] : memref<64x128xf32, #tpu.memory_space<vmem>>[vector<16xi32>, vector<16xi32>], vector<16xf32>,
      %broadcast_in_dim3A_1177 = vector.broadcast %add3A_1149 : i32 to vector<16xi32>
      tpu.vector_store_idx %arg11[%add3A_1169, %broadcast_in_dim3A_1177], %gather3A_1176 : memref<64x128xf32, #tpu.memory_space<vmem>>[vector<16xi32>, vector<16xi32>], vector<16xf32>,
      %add3A_1178 = arith.constant 16 : i32
      %add3A_1179 = vector.broadcast %add3A_1178 : i32 to vector<16xi32>
      %add3A_1180 = arith.addi %add3A_1179, %iota3A : vector<16xi32>
      %broadcast_in_dim3A_1181 = vector.broadcast %and3A_1151 : i32 to vector<16xi32>
      %gather3A_1182 = arith.constant 4 : i32
      %gather3A_1183 = arith.constant 0 : i32
      %gather3A_1184 = arith.constant 0 : i32
      %gather3A_1185 = tpu.memref_slice %arg10[%gather3A_1182, %gather3A_1183, %gather3A_1184] : memref<8x64x128xf32, #tpu.memory_space<vmem>> -> memref<1x64x128xf32, #tpu.memory_space<vmem>>
      %gather3A_1186 = tpu.memref_squeeze %gather3A_1185 : memref<1x64x128xf32, #tpu.memory_space<vmem>> -> memref<64x128xf32, #tpu.memory_space<vmem>>
      %gather3A_1187 = tpu.vector_load_idx %gather3A_1186[%add3A_1180, %broadcast_in_dim3A_1181] : memref<64x128xf32, #tpu.memory_space<vmem>>[vector<16xi32>, vector<16xi32>], vector<16xf32>,
      %broadcast_in_dim3A_1188 = vector.broadcast %add3A_1149 : i32 to vector<16xi32>
      tpu.vector_store_idx %arg11[%add3A_1180, %broadcast_in_dim3A_1188], %gather3A_1187 : memref<64x128xf32, #tpu.memory_space<vmem>>[vector<16xi32>, vector<16xi32>], vector<16xf32>,
      %add3A_1189 = arith.constant 32 : i32
      %add3A_1190 = vector.broadcast %add3A_1189 : i32 to vector<16xi32>
      %add3A_1191 = arith.addi %add3A_1190, %iota3A : vector<16xi32>
      %broadcast_in_dim3A_1192 = vector.broadcast %and3A_1151 : i32 to vector<16xi32>
      %gather3A_1193 = arith.constant 4 : i32
      %gather3A_1194 = arith.constant 0 : i32
      %gather3A_1195 = arith.constant 0 : i32
      %gather3A_1196 = tpu.memref_slice %arg10[%gather3A_1193, %gather3A_1194, %gather3A_1195] : memref<8x64x128xf32, #tpu.memory_space<vmem>> -> memref<1x64x128xf32, #tpu.memory_space<vmem>>
      %gather3A_1197 = tpu.memref_squeeze %gather3A_1196 : memref<1x64x128xf32, #tpu.memory_space<vmem>> -> memref<64x128xf32, #tpu.memory_space<vmem>>
      %gather3A_1198 = tpu.vector_load_idx %gather3A_1197[%add3A_1191, %broadcast_in_dim3A_1192] : memref<64x128xf32, #tpu.memory_space<vmem>>[vector<16xi32>, vector<16xi32>], vector<16xf32>,
      %broadcast_in_dim3A_1199 = vector.broadcast %add3A_1149 : i32 to vector<16xi32>
      tpu.vector_store_idx %arg11[%add3A_1191, %broadcast_in_dim3A_1199], %gather3A_1198 : memref<64x128xf32, #tpu.memory_space<vmem>>[vector<16xi32>, vector<16xi32>], vector<16xf32>,
      %add3A_1200 = arith.constant 48 : i32
      %add3A_1201 = vector.broadcast %add3A_1200 : i32 to vector<16xi32>
      %add3A_1202 = arith.addi %add3A_1201, %iota3A : vector<16xi32>
      %broadcast_in_dim3A_1203 = vector.broadcast %and3A_1151 : i32 to vector<16xi32>
      %gather3A_1204 = arith.constant 4 : i32
      %gather3A_1205 = arith.constant 0 : i32
      %gather3A_1206 = arith.constant 0 : i32
      %gather3A_1207 = tpu.memref_slice %arg10[%gather3A_1204, %gather3A_1205, %gather3A_1206] : memref<8x64x128xf32, #tpu.memory_space<vmem>> -> memref<1x64x128xf32, #tpu.memory_space<vmem>>
      %gather3A_1208 = tpu.memref_squeeze %gather3A_1207 : memref<1x64x128xf32, #tpu.memory_space<vmem>> -> memref<64x128xf32, #tpu.memory_space<vmem>>
      %gather3A_1209 = tpu.vector_load_idx %gather3A_1208[%add3A_1202, %broadcast_in_dim3A_1203] : memref<64x128xf32, #tpu.memory_space<vmem>>[vector<16xi32>, vector<16xi32>], vector<16xf32>,
      %broadcast_in_dim3A_1210 = vector.broadcast %add3A_1149 : i32 to vector<16xi32>
      tpu.vector_store_idx %arg11[%add3A_1202, %broadcast_in_dim3A_1210], %gather3A_1209 : memref<64x128xf32, #tpu.memory_space<vmem>>[vector<16xi32>, vector<16xi32>], vector<16xf32>,
      %slice3A_1211 = vector.extract_strided_slice %get3A_15 {offsets = [13], sizes = [1], strides = [1]} : vector<16xi32> to vector<1xi32>
      %squeeze3A_1212 = vector.extract %slice3A_1211[0] : i32 from vector<1xi32>
      %mul3A_1213 = arith.constant 16 : i32
      %mul3A_1214 = arith.muli %scan3A_12, %mul3A_1213 : i32
      %add3A_1215 = arith.constant 5 : i32
      %add3A_1216 = arith.addi %mul3A_1214, %add3A_1215 : i32
      %add3A_1217 = arith.constant 8 : i32
      %add3A_1218 = arith.addi %add3A_1216, %add3A_1217 : i32
      %and3A_1219 = arith.constant 127 : i32
      %and3A_1220 = arith.andi %squeeze3A_1212, %and3A_1219 : i32
      %dma_wait3A_1221 = arith.constant 5 : i32
      %dma_wait3A_1222 = arith.constant 0 : i32
      %dma_wait3A_1223 = arith.constant 0 : i32
      %dma_wait3A_1224 = tpu.memref_slice %arg10[%dma_wait3A_1221, %dma_wait3A_1222, %dma_wait3A_1223] : memref<8x64x128xf32, #tpu.memory_space<vmem>> -> memref<1x64x128xf32, #tpu.memory_space<vmem>>
      %dma_wait3A_1225 = tpu.memref_squeeze %dma_wait3A_1224 : memref<1x64x128xf32, #tpu.memory_space<vmem>> -> memref<64x128xf32, #tpu.memory_space<vmem>>
      %dma_wait3A_1226 = arith.constant 0 : i32
      %dma_wait3A_1227 = arith.constant 0 : i32
      %dma_wait3A_1228 = tpu.memref_slice %arg4[%dma_wait3A_1226, %dma_wait3A_1227] : memref<64x1000000xf32, #tpu.memory_space<hbm>> -> memref<64x128xf32, #tpu.memory_space<hbm>>
      %dma_wait3A_1229 = arith.constant 0 : i32
      %dma_wait3A_1230 = arith.constant 0 : i32
      %dma_wait3A_1231 = tpu.memref_slice %arg10[%dma_wait3A_1221, %dma_wait3A_1229, %dma_wait3A_1230] : memref<8x64x128xf32, #tpu.memory_space<vmem>> -> memref<1x64x128xf32, #tpu.memory_space<vmem>>
      %dma_wait3A_1232 = tpu.memref_squeeze %dma_wait3A_1231 : memref<1x64x128xf32, #tpu.memory_space<vmem>> -> memref<64x128xf32, #tpu.memory_space<vmem>>
      %dma_wait3A_1233 = arith.constant 0 : i32
      %dma_wait3A_1234 = arith.constant 0 : i32
      %dma_wait3A_1235 = tpu.memref_slice %arg4[%dma_wait3A_1233, %dma_wait3A_1234] : memref<64x1000000xf32, #tpu.memory_space<hbm>> -> memref<64x128xf32, #tpu.memory_space<hbm>>
      tpu.wait_dma2 semaphore(%arg19 : memref<!tpu.dma_semaphore, #tpu.memory_space<semaphore_mem>>) src(%dma_wait3A_1235 : memref<64x128xf32, #tpu.memory_space<hbm>>) dst(%dma_wait3A_1232 : memref<64x128xf32, #tpu.memory_space<vmem>>)
      %add3A_1236 = arith.constant 0 : i32
      %add3A_1237 = vector.broadcast %add3A_1236 : i32 to vector<16xi32>
      %add3A_1238 = arith.addi %add3A_1237, %iota3A : vector<16xi32>
      %broadcast_in_dim3A_1239 = vector.broadcast %and3A_1220 : i32 to vector<16xi32>
      %gather3A_1240 = arith.constant 5 : i32
      %gather3A_1241 = arith.constant 0 : i32
      %gather3A_1242 = arith.constant 0 : i32
      %gather3A_1243 = tpu.memref_slice %arg10[%gather3A_1240, %gather3A_1241, %gather3A_1242] : memref<8x64x128xf32, #tpu.memory_space<vmem>> -> memref<1x64x128xf32, #tpu.memory_space<vmem>>
      %gather3A_1244 = tpu.memref_squeeze %gather3A_1243 : memref<1x64x128xf32, #tpu.memory_space<vmem>> -> memref<64x128xf32, #tpu.memory_space<vmem>>
      %gather3A_1245 = tpu.vector_load_idx %gather3A_1244[%add3A_1238, %broadcast_in_dim3A_1239] : memref<64x128xf32, #tpu.memory_space<vmem>>[vector<16xi32>, vector<16xi32>], vector<16xf32>,
      %broadcast_in_dim3A_1246 = vector.broadcast %add3A_1218 : i32 to vector<16xi32>
      tpu.vector_store_idx %arg11[%add3A_1238, %broadcast_in_dim3A_1246], %gather3A_1245 : memref<64x128xf32, #tpu.memory_space<vmem>>[vector<16xi32>, vector<16xi32>], vector<16xf32>,
      %add3A_1247 = arith.constant 16 : i32
      %add3A_1248 = vector.broadcast %add3A_1247 : i32 to vector<16xi32>
      %add3A_1249 = arith.addi %add3A_1248, %iota3A : vector<16xi32>
      %broadcast_in_dim3A_1250 = vector.broadcast %and3A_1220 : i32 to vector<16xi32>
      %gather3A_1251 = arith.constant 5 : i32
      %gather3A_1252 = arith.constant 0 : i32
      %gather3A_1253 = arith.constant 0 : i32
      %gather3A_1254 = tpu.memref_slice %arg10[%gather3A_1251, %gather3A_1252, %gather3A_1253] : memref<8x64x128xf32, #tpu.memory_space<vmem>> -> memref<1x64x128xf32, #tpu.memory_space<vmem>>
      %gather3A_1255 = tpu.memref_squeeze %gather3A_1254 : memref<1x64x128xf32, #tpu.memory_space<vmem>> -> memref<64x128xf32, #tpu.memory_space<vmem>>
      %gather3A_1256 = tpu.vector_load_idx %gather3A_1255[%add3A_1249, %broadcast_in_dim3A_1250] : memref<64x128xf32, #tpu.memory_space<vmem>>[vector<16xi32>, vector<16xi32>], vector<16xf32>,
      %broadcast_in_dim3A_1257 = vector.broadcast %add3A_1218 : i32 to vector<16xi32>
      tpu.vector_store_idx %arg11[%add3A_1249, %broadcast_in_dim3A_1257], %gather3A_1256 : memref<64x128xf32, #tpu.memory_space<vmem>>[vector<16xi32>, vector<16xi32>], vector<16xf32>,
      %add3A_1258 = arith.constant 32 : i32
      %add3A_1259 = vector.broadcast %add3A_1258 : i32 to vector<16xi32>
      %add3A_1260 = arith.addi %add3A_1259, %iota3A : vector<16xi32>
      %broadcast_in_dim3A_1261 = vector.broadcast %and3A_1220 : i32 to vector<16xi32>
      %gather3A_1262 = arith.constant 5 : i32
      %gather3A_1263 = arith.constant 0 : i32
      %gather3A_1264 = arith.constant 0 : i32
      %gather3A_1265 = tpu.memref_slice %arg10[%gather3A_1262, %gather3A_1263, %gather3A_1264] : memref<8x64x128xf32, #tpu.memory_space<vmem>> -> memref<1x64x128xf32, #tpu.memory_space<vmem>>
      %gather3A_1266 = tpu.memref_squeeze %gather3A_1265 : memref<1x64x128xf32, #tpu.memory_space<vmem>> -> memref<64x128xf32, #tpu.memory_space<vmem>>
      %gather3A_1267 = tpu.vector_load_idx %gather3A_1266[%add3A_1260, %broadcast_in_dim3A_1261] : memref<64x128xf32, #tpu.memory_space<vmem>>[vector<16xi32>, vector<16xi32>], vector<16xf32>,
      %broadcast_in_dim3A_1268 = vector.broadcast %add3A_1218 : i32 to vector<16xi32>
      tpu.vector_store_idx %arg11[%add3A_1260, %broadcast_in_dim3A_1268], %gather3A_1267 : memref<64x128xf32, #tpu.memory_space<vmem>>[vector<16xi32>, vector<16xi32>], vector<16xf32>,
      %add3A_1269 = arith.constant 48 : i32
      %add3A_1270 = vector.broadcast %add3A_1269 : i32 to vector<16xi32>
      %add3A_1271 = arith.addi %add3A_1270, %iota3A : vector<16xi32>
      %broadcast_in_dim3A_1272 = vector.broadcast %and3A_1220 : i32 to vector<16xi32>
      %gather3A_1273 = arith.constant 5 : i32
      %gather3A_1274 = arith.constant 0 : i32
      %gather3A_1275 = arith.constant 0 : i32
      %gather3A_1276 = tpu.memref_slice %arg10[%gather3A_1273, %gather3A_1274, %gather3A_1275] : memref<8x64x128xf32, #tpu.memory_space<vmem>> -> memref<1x64x128xf32, #tpu.memory_space<vmem>>
      %gather3A_1277 = tpu.memref_squeeze %gather3A_1276 : memref<1x64x128xf32, #tpu.memory_space<vmem>> -> memref<64x128xf32, #tpu.memory_space<vmem>>
      %gather3A_1278 = tpu.vector_load_idx %gather3A_1277[%add3A_1271, %broadcast_in_dim3A_1272] : memref<64x128xf32, #tpu.memory_space<vmem>>[vector<16xi32>, vector<16xi32>], vector<16xf32>,
      %broadcast_in_dim3A_1279 = vector.broadcast %add3A_1218 : i32 to vector<16xi32>
      tpu.vector_store_idx %arg11[%add3A_1271, %broadcast_in_dim3A_1279], %gather3A_1278 : memref<64x128xf32, #tpu.memory_space<vmem>>[vector<16xi32>, vector<16xi32>], vector<16xf32>,
      %slice3A_1280 = vector.extract_strided_slice %get3A_15 {offsets = [14], sizes = [1], strides = [1]} : vector<16xi32> to vector<1xi32>
      %squeeze3A_1281 = vector.extract %slice3A_1280[0] : i32 from vector<1xi32>
      %mul3A_1282 = arith.constant 16 : i32
      %mul3A_1283 = arith.muli %scan3A_12, %mul3A_1282 : i32
      %add3A_1284 = arith.constant 6 : i32
      %add3A_1285 = arith.addi %mul3A_1283, %add3A_1284 : i32
      %add3A_1286 = arith.constant 8 : i32
      %add3A_1287 = arith.addi %add3A_1285, %add3A_1286 : i32
      %and3A_1288 = arith.constant 127 : i32
      %and3A_1289 = arith.andi %squeeze3A_1281, %and3A_1288 : i32
      %dma_wait3A_1290 = arith.constant 6 : i32
      %dma_wait3A_1291 = arith.constant 0 : i32
      %dma_wait3A_1292 = arith.constant 0 : i32
      %dma_wait3A_1293 = tpu.memref_slice %arg10[%dma_wait3A_1290, %dma_wait3A_1291, %dma_wait3A_1292] : memref<8x64x128xf32, #tpu.memory_space<vmem>> -> memref<1x64x128xf32, #tpu.memory_space<vmem>>
      %dma_wait3A_1294 = tpu.memref_squeeze %dma_wait3A_1293 : memref<1x64x128xf32, #tpu.memory_space<vmem>> -> memref<64x128xf32, #tpu.memory_space<vmem>>
      %dma_wait3A_1295 = arith.constant 0 : i32
      %dma_wait3A_1296 = arith.constant 0 : i32
      %dma_wait3A_1297 = tpu.memref_slice %arg4[%dma_wait3A_1295, %dma_wait3A_1296] : memref<64x1000000xf32, #tpu.memory_space<hbm>> -> memref<64x128xf32, #tpu.memory_space<hbm>>
      %dma_wait3A_1298 = arith.constant 0 : i32
      %dma_wait3A_1299 = arith.constant 0 : i32
      %dma_wait3A_1300 = tpu.memref_slice %arg10[%dma_wait3A_1290, %dma_wait3A_1298, %dma_wait3A_1299] : memref<8x64x128xf32, #tpu.memory_space<vmem>> -> memref<1x64x128xf32, #tpu.memory_space<vmem>>
      %dma_wait3A_1301 = tpu.memref_squeeze %dma_wait3A_1300 : memref<1x64x128xf32, #tpu.memory_space<vmem>> -> memref<64x128xf32, #tpu.memory_space<vmem>>
      %dma_wait3A_1302 = arith.constant 0 : i32
      %dma_wait3A_1303 = arith.constant 0 : i32
      %dma_wait3A_1304 = tpu.memref_slice %arg4[%dma_wait3A_1302, %dma_wait3A_1303] : memref<64x1000000xf32, #tpu.memory_space<hbm>> -> memref<64x128xf32, #tpu.memory_space<hbm>>
      tpu.wait_dma2 semaphore(%arg20 : memref<!tpu.dma_semaphore, #tpu.memory_space<semaphore_mem>>) src(%dma_wait3A_1304 : memref<64x128xf32, #tpu.memory_space<hbm>>) dst(%dma_wait3A_1301 : memref<64x128xf32, #tpu.memory_space<vmem>>)
      %add3A_1305 = arith.constant 0 : i32
      %add3A_1306 = vector.broadcast %add3A_1305 : i32 to vector<16xi32>
      %add3A_1307 = arith.addi %add3A_1306, %iota3A : vector<16xi32>
      %broadcast_in_dim3A_1308 = vector.broadcast %and3A_1289 : i32 to vector<16xi32>
      %gather3A_1309 = arith.constant 6 : i32
      %gather3A_1310 = arith.constant 0 : i32
      %gather3A_1311 = arith.constant 0 : i32
      %gather3A_1312 = tpu.memref_slice %arg10[%gather3A_1309, %gather3A_1310, %gather3A_1311] : memref<8x64x128xf32, #tpu.memory_space<vmem>> -> memref<1x64x128xf32, #tpu.memory_space<vmem>>
      %gather3A_1313 = tpu.memref_squeeze %gather3A_1312 : memref<1x64x128xf32, #tpu.memory_space<vmem>> -> memref<64x128xf32, #tpu.memory_space<vmem>>
      %gather3A_1314 = tpu.vector_load_idx %gather3A_1313[%add3A_1307, %broadcast_in_dim3A_1308] : memref<64x128xf32, #tpu.memory_space<vmem>>[vector<16xi32>, vector<16xi32>], vector<16xf32>,
      %broadcast_in_dim3A_1315 = vector.broadcast %add3A_1287 : i32 to vector<16xi32>
      tpu.vector_store_idx %arg11[%add3A_1307, %broadcast_in_dim3A_1315], %gather3A_1314 : memref<64x128xf32, #tpu.memory_space<vmem>>[vector<16xi32>, vector<16xi32>], vector<16xf32>,
      %add3A_1316 = arith.constant 16 : i32
      %add3A_1317 = vector.broadcast %add3A_1316 : i32 to vector<16xi32>
      %add3A_1318 = arith.addi %add3A_1317, %iota3A : vector<16xi32>
      %broadcast_in_dim3A_1319 = vector.broadcast %and3A_1289 : i32 to vector<16xi32>
      %gather3A_1320 = arith.constant 6 : i32
      %gather3A_1321 = arith.constant 0 : i32
      %gather3A_1322 = arith.constant 0 : i32
      %gather3A_1323 = tpu.memref_slice %arg10[%gather3A_1320, %gather3A_1321, %gather3A_1322] : memref<8x64x128xf32, #tpu.memory_space<vmem>> -> memref<1x64x128xf32, #tpu.memory_space<vmem>>
      %gather3A_1324 = tpu.memref_squeeze %gather3A_1323 : memref<1x64x128xf32, #tpu.memory_space<vmem>> -> memref<64x128xf32, #tpu.memory_space<vmem>>
      %gather3A_1325 = tpu.vector_load_idx %gather3A_1324[%add3A_1318, %broadcast_in_dim3A_1319] : memref<64x128xf32, #tpu.memory_space<vmem>>[vector<16xi32>, vector<16xi32>], vector<16xf32>,
      %broadcast_in_dim3A_1326 = vector.broadcast %add3A_1287 : i32 to vector<16xi32>
      tpu.vector_store_idx %arg11[%add3A_1318, %broadcast_in_dim3A_1326], %gather3A_1325 : memref<64x128xf32, #tpu.memory_space<vmem>>[vector<16xi32>, vector<16xi32>], vector<16xf32>,
      %add3A_1327 = arith.constant 32 : i32
      %add3A_1328 = vector.broadcast %add3A_1327 : i32 to vector<16xi32>
      %add3A_1329 = arith.addi %add3A_1328, %iota3A : vector<16xi32>
      %broadcast_in_dim3A_1330 = vector.broadcast %and3A_1289 : i32 to vector<16xi32>
      %gather3A_1331 = arith.constant 6 : i32
      %gather3A_1332 = arith.constant 0 : i32
      %gather3A_1333 = arith.constant 0 : i32
      %gather3A_1334 = tpu.memref_slice %arg10[%gather3A_1331, %gather3A_1332, %gather3A_1333] : memref<8x64x128xf32, #tpu.memory_space<vmem>> -> memref<1x64x128xf32, #tpu.memory_space<vmem>>
      %gather3A_1335 = tpu.memref_squeeze %gather3A_1334 : memref<1x64x128xf32, #tpu.memory_space<vmem>> -> memref<64x128xf32, #tpu.memory_space<vmem>>
      %gather3A_1336 = tpu.vector_load_idx %gather3A_1335[%add3A_1329, %broadcast_in_dim3A_1330] : memref<64x128xf32, #tpu.memory_space<vmem>>[vector<16xi32>, vector<16xi32>], vector<16xf32>,
      %broadcast_in_dim3A_1337 = vector.broadcast %add3A_1287 : i32 to vector<16xi32>
      tpu.vector_store_idx %arg11[%add3A_1329, %broadcast_in_dim3A_1337], %gather3A_1336 : memref<64x128xf32, #tpu.memory_space<vmem>>[vector<16xi32>, vector<16xi32>], vector<16xf32>,
      %add3A_1338 = arith.constant 48 : i32
      %add3A_1339 = vector.broadcast %add3A_1338 : i32 to vector<16xi32>
      %add3A_1340 = arith.addi %add3A_1339, %iota3A : vector<16xi32>
      %broadcast_in_dim3A_1341 = vector.broadcast %and3A_1289 : i32 to vector<16xi32>
      %gather3A_1342 = arith.constant 6 : i32
      %gather3A_1343 = arith.constant 0 : i32
      %gather3A_1344 = arith.constant 0 : i32
      %gather3A_1345 = tpu.memref_slice %arg10[%gather3A_1342, %gather3A_1343, %gather3A_1344] : memref<8x64x128xf32, #tpu.memory_space<vmem>> -> memref<1x64x128xf32, #tpu.memory_space<vmem>>
      %gather3A_1346 = tpu.memref_squeeze %gather3A_1345 : memref<1x64x128xf32, #tpu.memory_space<vmem>> -> memref<64x128xf32, #tpu.memory_space<vmem>>
      %gather3A_1347 = tpu.vector_load_idx %gather3A_1346[%add3A_1340, %broadcast_in_dim3A_1341] : memref<64x128xf32, #tpu.memory_space<vmem>>[vector<16xi32>, vector<16xi32>], vector<16xf32>,
      %broadcast_in_dim3A_1348 = vector.broadcast %add3A_1287 : i32 to vector<16xi32>
      tpu.vector_store_idx %arg11[%add3A_1340, %broadcast_in_dim3A_1348], %gather3A_1347 : memref<64x128xf32, #tpu.memory_space<vmem>>[vector<16xi32>, vector<16xi32>], vector<16xf32>,
      %slice3A_1349 = vector.extract_strided_slice %get3A_15 {offsets = [15], sizes = [1], strides = [1]} : vector<16xi32> to vector<1xi32>
      %squeeze3A_1350 = vector.extract %slice3A_1349[0] : i32 from vector<1xi32>
      %mul3A_1351 = arith.constant 16 : i32
      %mul3A_1352 = arith.muli %scan3A_12, %mul3A_1351 : i32
      %add3A_1353 = arith.constant 7 : i32
      %add3A_1354 = arith.addi %mul3A_1352, %add3A_1353 : i32
      %add3A_1355 = arith.constant 8 : i32
      %add3A_1356 = arith.addi %add3A_1354, %add3A_1355 : i32
      %and3A_1357 = arith.constant 127 : i32
      %and3A_1358 = arith.andi %squeeze3A_1350, %and3A_1357 : i32
      %dma_wait3A_1359 = arith.constant 7 : i32
      %dma_wait3A_1360 = arith.constant 0 : i32
      %dma_wait3A_1361 = arith.constant 0 : i32
      %dma_wait3A_1362 = tpu.memref_slice %arg10[%dma_wait3A_1359, %dma_wait3A_1360, %dma_wait3A_1361] : memref<8x64x128xf32, #tpu.memory_space<vmem>> -> memref<1x64x128xf32, #tpu.memory_space<vmem>>
      %dma_wait3A_1363 = tpu.memref_squeeze %dma_wait3A_1362 : memref<1x64x128xf32, #tpu.memory_space<vmem>> -> memref<64x128xf32, #tpu.memory_space<vmem>>
      %dma_wait3A_1364 = arith.constant 0 : i32
      %dma_wait3A_1365 = arith.constant 0 : i32
      %dma_wait3A_1366 = tpu.memref_slice %arg4[%dma_wait3A_1364, %dma_wait3A_1365] : memref<64x1000000xf32, #tpu.memory_space<hbm>> -> memref<64x128xf32, #tpu.memory_space<hbm>>
      %dma_wait3A_1367 = arith.constant 0 : i32
      %dma_wait3A_1368 = arith.constant 0 : i32
      %dma_wait3A_1369 = tpu.memref_slice %arg10[%dma_wait3A_1359, %dma_wait3A_1367, %dma_wait3A_1368] : memref<8x64x128xf32, #tpu.memory_space<vmem>> -> memref<1x64x128xf32, #tpu.memory_space<vmem>>
      %dma_wait3A_1370 = tpu.memref_squeeze %dma_wait3A_1369 : memref<1x64x128xf32, #tpu.memory_space<vmem>> -> memref<64x128xf32, #tpu.memory_space<vmem>>
      %dma_wait3A_1371 = arith.constant 0 : i32
      %dma_wait3A_1372 = arith.constant 0 : i32
      %dma_wait3A_1373 = tpu.memref_slice %arg4[%dma_wait3A_1371, %dma_wait3A_1372] : memref<64x1000000xf32, #tpu.memory_space<hbm>> -> memref<64x128xf32, #tpu.memory_space<hbm>>
      tpu.wait_dma2 semaphore(%arg21 : memref<!tpu.dma_semaphore, #tpu.memory_space<semaphore_mem>>) src(%dma_wait3A_1373 : memref<64x128xf32, #tpu.memory_space<hbm>>) dst(%dma_wait3A_1370 : memref<64x128xf32, #tpu.memory_space<vmem>>)
      %add3A_1374 = arith.constant 0 : i32
      %add3A_1375 = vector.broadcast %add3A_1374 : i32 to vector<16xi32>
      %add3A_1376 = arith.addi %add3A_1375, %iota3A : vector<16xi32>
      %broadcast_in_dim3A_1377 = vector.broadcast %and3A_1358 : i32 to vector<16xi32>
      %gather3A_1378 = arith.constant 7 : i32
      %gather3A_1379 = arith.constant 0 : i32
      %gather3A_1380 = arith.constant 0 : i32
      %gather3A_1381 = tpu.memref_slice %arg10[%gather3A_1378, %gather3A_1379, %gather3A_1380] : memref<8x64x128xf32, #tpu.memory_space<vmem>> -> memref<1x64x128xf32, #tpu.memory_space<vmem>>
      %gather3A_1382 = tpu.memref_squeeze %gather3A_1381 : memref<1x64x128xf32, #tpu.memory_space<vmem>> -> memref<64x128xf32, #tpu.memory_space<vmem>>
      %gather3A_1383 = tpu.vector_load_idx %gather3A_1382[%add3A_1376, %broadcast_in_dim3A_1377] : memref<64x128xf32, #tpu.memory_space<vmem>>[vector<16xi32>, vector<16xi32>], vector<16xf32>,
      %broadcast_in_dim3A_1384 = vector.broadcast %add3A_1356 : i32 to vector<16xi32>
      tpu.vector_store_idx %arg11[%add3A_1376, %broadcast_in_dim3A_1384], %gather3A_1383 : memref<64x128xf32, #tpu.memory_space<vmem>>[vector<16xi32>, vector<16xi32>], vector<16xf32>,
      %add3A_1385 = arith.constant 16 : i32
      %add3A_1386 = vector.broadcast %add3A_1385 : i32 to vector<16xi32>
      %add3A_1387 = arith.addi %add3A_1386, %iota3A : vector<16xi32>
      %broadcast_in_dim3A_1388 = vector.broadcast %and3A_1358 : i32 to vector<16xi32>
      %gather3A_1389 = arith.constant 7 : i32
      %gather3A_1390 = arith.constant 0 : i32
      %gather3A_1391 = arith.constant 0 : i32
      %gather3A_1392 = tpu.memref_slice %arg10[%gather3A_1389, %gather3A_1390, %gather3A_1391] : memref<8x64x128xf32, #tpu.memory_space<vmem>> -> memref<1x64x128xf32, #tpu.memory_space<vmem>>
      %gather3A_1393 = tpu.memref_squeeze %gather3A_1392 : memref<1x64x128xf32, #tpu.memory_space<vmem>> -> memref<64x128xf32, #tpu.memory_space<vmem>>
      %gather3A_1394 = tpu.vector_load_idx %gather3A_1393[%add3A_1387, %broadcast_in_dim3A_1388] : memref<64x128xf32, #tpu.memory_space<vmem>>[vector<16xi32>, vector<16xi32>], vector<16xf32>,
      %broadcast_in_dim3A_1395 = vector.broadcast %add3A_1356 : i32 to vector<16xi32>
      tpu.vector_store_idx %arg11[%add3A_1387, %broadcast_in_dim3A_1395], %gather3A_1394 : memref<64x128xf32, #tpu.memory_space<vmem>>[vector<16xi32>, vector<16xi32>], vector<16xf32>,
      %add3A_1396 = arith.constant 32 : i32
      %add3A_1397 = vector.broadcast %add3A_1396 : i32 to vector<16xi32>
      %add3A_1398 = arith.addi %add3A_1397, %iota3A : vector<16xi32>
      %broadcast_in_dim3A_1399 = vector.broadcast %and3A_1358 : i32 to vector<16xi32>
      %gather3A_1400 = arith.constant 7 : i32
      %gather3A_1401 = arith.constant 0 : i32
      %gather3A_1402 = arith.constant 0 : i32
      %gather3A_1403 = tpu.memref_slice %arg10[%gather3A_1400, %gather3A_1401, %gather3A_1402] : memref<8x64x128xf32, #tpu.memory_space<vmem>> -> memref<1x64x128xf32, #tpu.memory_space<vmem>>
      %gather3A_1404 = tpu.memref_squeeze %gather3A_1403 : memref<1x64x128xf32, #tpu.memory_space<vmem>> -> memref<64x128xf32, #tpu.memory_space<vmem>>
      %gather3A_1405 = tpu.vector_load_idx %gather3A_1404[%add3A_1398, %broadcast_in_dim3A_1399] : memref<64x128xf32, #tpu.memory_space<vmem>>[vector<16xi32>, vector<16xi32>], vector<16xf32>,
      %broadcast_in_dim3A_1406 = vector.broadcast %add3A_1356 : i32 to vector<16xi32>
      tpu.vector_store_idx %arg11[%add3A_1398, %broadcast_in_dim3A_1406], %gather3A_1405 : memref<64x128xf32, #tpu.memory_space<vmem>>[vector<16xi32>, vector<16xi32>], vector<16xf32>,
      %add3A_1407 = arith.constant 48 : i32
      %add3A_1408 = vector.broadcast %add3A_1407 : i32 to vector<16xi32>
      %add3A_1409 = arith.addi %add3A_1408, %iota3A : vector<16xi32>
      %broadcast_in_dim3A_1410 = vector.broadcast %and3A_1358 : i32 to vector<16xi32>
      %gather3A_1411 = arith.constant 7 : i32
      %gather3A_1412 = arith.constant 0 : i32
      %gather3A_1413 = arith.constant 0 : i32
      %gather3A_1414 = tpu.memref_slice %arg10[%gather3A_1411, %gather3A_1412, %gather3A_1413] : memref<8x64x128xf32, #tpu.memory_space<vmem>> -> memref<1x64x128xf32, #tpu.memory_space<vmem>>
      %gather3A_1415 = tpu.memref_squeeze %gather3A_1414 : memref<1x64x128xf32, #tpu.memory_space<vmem>> -> memref<64x128xf32, #tpu.memory_space<vmem>>
      %gather3A_1416 = tpu.vector_load_idx %gather3A_1415[%add3A_1409, %broadcast_in_dim3A_1410] : memref<64x128xf32, #tpu.memory_space<vmem>>[vector<16xi32>, vector<16xi32>], vector<16xf32>,
      %broadcast_in_dim3A_1417 = vector.broadcast %add3A_1356 : i32 to vector<16xi32>
      tpu.vector_store_idx %arg11[%add3A_1409, %broadcast_in_dim3A_1417], %gather3A_1416 : memref<64x128xf32, #tpu.memory_space<vmem>>[vector<16xi32>, vector<16xi32>], vector<16xf32>,
    }
    %scan3A_9 = arith.constant 8 : i32
    "tpu.region"() ({
      %run_scoped3A = tpu.sem_alloc : memref<!tpu.dma_semaphore, #tpu.memory_space<semaphore_mem>>
      %dma_start3A_12 = arith.constant 0 : i32
      %dma_start3A_13 = tpu.memref_slice %arg6[%dma_start3A_12, %mul3A_2] : memref<64x4096xf32, #tpu.memory_space<hbm>> -> memref<64x128xf32, #tpu.memory_space<hbm>>
      %dma_start3A_14 = arith.constant 0 : i32
      %dma_start3A_15 = tpu.memref_slice %arg6[%dma_start3A_14, %mul3A_2] : memref<64x4096xf32, #tpu.memory_space<hbm>> -> memref<64x128xf32, #tpu.memory_space<hbm>>
      tpu.enqueue_dma source(%arg11 : memref<64x128xf32, #tpu.memory_space<vmem>>) target(%dma_start3A_15 : memref<64x128xf32, #tpu.memory_space<hbm>>) target_semaphore(%run_scoped3A : memref<!tpu.dma_semaphore, #tpu.memory_space<semaphore_mem>>)
      %dma_wait3A_16 = arith.constant 0 : i32
      %dma_wait3A_17 = tpu.memref_slice %arg6[%dma_wait3A_16, %mul3A_2] : memref<64x4096xf32, #tpu.memory_space<hbm>> -> memref<64x128xf32, #tpu.memory_space<hbm>>
      %dma_wait3A_18 = arith.constant 0 : i32
      %dma_wait3A_19 = tpu.memref_slice %arg6[%dma_wait3A_18, %mul3A_2] : memref<64x4096xf32, #tpu.memory_space<hbm>> -> memref<64x128xf32, #tpu.memory_space<hbm>>
      tpu.wait_dma2 semaphore(%run_scoped3A : memref<!tpu.dma_semaphore, #tpu.memory_space<semaphore_mem>>) src(%arg11 : memref<64x128xf32, #tpu.memory_space<vmem>>) dst(%dma_wait3A_19 : memref<64x128xf32, #tpu.memory_space<hbm>>)
      tpu.yield
    }) : () -> ()
    %dma_wait3A = arith.constant 0 : i32
    %dma_wait3A_10 = arith.constant 0 : i32
    %dma_wait3A_11 = tpu.memref_slice %arg5[%dma_wait3A, %dma_wait3A_10] : memref<100000x128xf32, #tpu.memory_space<hbm>> -> memref<100000x128xf32, #tpu.memory_space<hbm>>
    tpu.wait_indirect_dma semaphore(%arg13 : memref<!tpu.dma_semaphore, #tpu.memory_space<semaphore_mem>>) src(%dma_wait3A_11 : memref<100000x128xf32, #tpu.memory_space<hbm>>) dst(%arg12 : memref<128x128xf32, #tpu.memory_space<vmem>>)
    "tpu.region"() ({
      %run_scoped3A = tpu.sem_alloc : memref<!tpu.dma_semaphore, #tpu.memory_space<semaphore_mem>>
      %dma_start3A_12 = arith.constant 0 : i32
      %dma_start3A_13 = tpu.memref_slice %arg7[%mul3A_2, %dma_start3A_12] : memref<4096x128xf32, #tpu.memory_space<hbm>> -> memref<128x128xf32, #tpu.memory_space<hbm>>
      %dma_start3A_14 = arith.constant 0 : i32
      %dma_start3A_15 = tpu.memref_slice %arg7[%mul3A_2, %dma_start3A_14] : memref<4096x128xf32, #tpu.memory_space<hbm>> -> memref<128x128xf32, #tpu.memory_space<hbm>>
      tpu.enqueue_dma source(%arg12 : memref<128x128xf32, #tpu.memory_space<vmem>>) target(%dma_start3A_15 : memref<128x128xf32, #tpu.memory_space<hbm>>) target_semaphore(%run_scoped3A : memref<!tpu.dma_semaphore, #tpu.memory_space<semaphore_mem>>)
      %dma_wait3A_16 = arith.constant 0 : i32
      %dma_wait3A_17 = tpu.memref_slice %arg7[%mul3A_2, %dma_wait3A_16] : memref<4096x128xf32, #tpu.memory_space<hbm>> -> memref<128x128xf32, #tpu.memory_space<hbm>>
      %dma_wait3A_18 = arith.constant 0 : i32
      %dma_wait3A_19 = tpu.memref_slice %arg7[%mul3A_2, %dma_wait3A_18] : memref<4096x128xf32, #tpu.memory_space<hbm>> -> memref<128x128xf32, #tpu.memory_space<hbm>>
      tpu.wait_dma2 semaphore(%run_scoped3A : memref<!tpu.dma_semaphore, #tpu.memory_space<semaphore_mem>>) src(%arg12 : memref<128x128xf32, #tpu.memory_space<vmem>>) dst(%dma_wait3A_19 : memref<128x128xf32, #tpu.memory_space<hbm>>)
      tpu.yield
    }) : () -> ()
    return
  }
}

module attributes {stable_mosaic.version = 14 : i64} {
  func.func @_prep_body(%arg0: i32, %arg1: memref<64x8192xf32, #tpu.memory_space<vmem>>, %arg2: memref<64x8192xf32, #tpu.memory_space<vmem>>, %arg3: memref<8192x128xf32, #tpu.memory_space<vmem>>) attributes {dimension_semantics = [#tpu.dimension_semantics<arbitrary>], iteration_bounds = array<i64: 13>, scalar_prefetch = 0 : i64, scratch_operands = 0 : i64, tpu.core_type = #tpu.core_type<tc>, window_params = [{transform_indices = @transform_0, window_bounds = array<i64: 64, 8192>}, {transform_indices = @transform_1, window_bounds = array<i64: 64, 8192>}, {transform_indices = @transform_2, window_bounds = array<i64: 8192, 128>}]} {
    %get3A = arith.constant 0 : index
    %get3A_0 = arith.constant 0 : index
    %get3A_1 = vector.load %arg1[%get3A, %get3A_0] : memref<64x8192xf32, #tpu.memory_space<vmem>>, vector<64x8192xf32>
    %transpose3A = tpu.transpose %get3A_1, [1, 0] : vector<64x8192xf32> -> vector<8192x64xf32>
    %swap3A = arith.constant 0 : index
    %swap3A_2 = arith.constant 0 : index
    %swap3A_3 = vector.load %arg3[%swap3A, %swap3A_2] : memref<8192x128xf32, #tpu.memory_space<vmem>>, vector<8192x64xf32>
    tpu.vector_store %arg3[%swap3A, %swap3A_2], %transpose3A {strides = array<i32>} : memref<8192x128xf32, #tpu.memory_space<vmem>>, vector<8192x64xf32>,
    %get3A_4 = arith.constant 0 : index
    %get3A_5 = arith.constant 0 : index
    %get3A_6 = vector.load %arg2[%get3A_4, %get3A_5] : memref<64x8192xf32, #tpu.memory_space<vmem>>, vector<64x8192xf32>
    %transpose3A_7 = tpu.transpose %get3A_6, [1, 0] : vector<64x8192xf32> -> vector<8192x64xf32>
    %swap3A_8 = arith.constant 0 : index
    %swap3A_9 = arith.constant 64 : index
    %swap3A_10 = vector.load %arg3[%swap3A_8, %swap3A_9] : memref<8192x128xf32, #tpu.memory_space<vmem>>, vector<8192x64xf32>
    tpu.vector_store %arg3[%swap3A_8, %swap3A_9], %transpose3A_7 {strides = array<i32>} : memref<8192x128xf32, #tpu.memory_space<vmem>>, vector<8192x64xf32>,
    return
  }
  func.func @transform_0(%arg0: i32) -> (i32, i32) {
    %c0_i32 = arith.constant 0 : i32
    %c0_i32_0 = arith.constant 0 : i32
    return %c0_i32, %arg0 : i32, i32
  }
  func.func @transform_1(%arg0: i32) -> (i32, i32) {
    %c0_i32 = arith.constant 0 : i32
    %c0_i32_0 = arith.constant 0 : i32
    return %c0_i32, %arg0 : i32, i32
  }
  func.func @transform_2(%arg0: i32) -> (i32, i32) {
    %c0_i32 = arith.constant 0 : i32
    %c0_i32_0 = arith.constant 0 : i32
    return %arg0, %c0_i32 : i32, i32
  }
}

module attributes {stable_mosaic.version = 14 : i64} {
  func.func @_dense_body(%arg0: i32, %arg1: memref<64x1024xf32, #tpu.memory_space<vmem>>, %arg2: memref<4x256x16xf32, #tpu.memory_space<vmem>>, %arg3: memref<1024x4x256xf32, #tpu.memory_space<vmem>>, %arg4: memref<1024x128xf32, #tpu.memory_space<vmem>>, %arg5: memref<1024x64xf32, #tpu.memory_space<vmem>>, %arg6: memref<1024xf32, #tpu.memory_space<vmem>>) attributes {dimension_semantics = [#tpu.dimension_semantics<arbitrary>], iteration_bounds = array<i64: 4>, scalar_prefetch = 0 : i64, scratch_operands = 0 : i64, tpu.core_type = #tpu.core_type<tc>, window_params = [{transform_indices = @transform_0, window_bounds = array<i64: 64, 1024>}, {pipeline_mode = #tpu.pipeline_mode<synchronous>, transform_indices = @transform_1, window_bounds = array<i64: 4, 256, 16>}, {transform_indices = @transform_2, window_bounds = array<i64: 1024, 4, 256>}, {transform_indices = @transform_3, window_bounds = array<i64: 1024, 128>}, {transform_indices = @transform_4, window_bounds = array<i64: 1024, 64>}, {transform_indices = @transform_5, window_bounds = array<i64: 1024>}]} {
    %iota3A = tpu.iota {dimensions = array<i32: 1>} : vector<1024x256xi32>
    %get3A = arith.constant 0 : index
    %get3A_0 = arith.constant 0 : index
    %get3A_1 = vector.load %arg1[%get3A, %get3A_0] : memref<64x1024xf32, #tpu.memory_space<vmem>>, vector<16x1024xf32>
    %get3A_2 = arith.constant 0 : index
    %get3A_3 = arith.constant 0 : index
    %get3A_4 = arith.constant 0 : index
    %get3A_5 = vector.load %arg2[%get3A_2, %get3A_3, %get3A_4] : memref<4x256x16xf32, #tpu.memory_space<vmem>>, vector<1x256x16xf32>
    %get3A_6 = vector.shape_cast %get3A_5 : vector<1x256x16xf32> to vector<256x16xf32>
    %dot_general3A = arith.constant dense<0.000000e+00> : vector<1024x256xf32>
    %dot_general3A_7 = tpu.matmul %get3A_1, %get3A_6, %dot_general3A {dimension_numbers = #tpu.dot_dimension_numbers<[0], [1], [1], [0], [0, 1, 1, 0], [], []>, precision = #tpu.contract_precision<fp32>, transpose_lhs_hint = false} : vector<16x1024xf32>, vector<256x16xf32>, vector<1024x256xf32> -> vector<1024x256xf32>
    %mul3A = arith.mulf %get3A_1, %get3A_1 : vector<16x1024xf32>
    %reduce_sum3A = arith.constant dense<0.000000e+00> : vector<1024xf32>
    %reduce_sum3A_8 = vector.multi_reduction <add>, %mul3A, %reduce_sum3A [0] : vector<16x1024xf32> to vector<1024xf32>
    %broadcast_in_dim3A = vector.shape_cast %reduce_sum3A_8 : vector<1024xf32> to vector<1024x1xf32>
    %mul3A_9 = arith.mulf %get3A_6, %get3A_6 : vector<256x16xf32>
    %reduce_sum3A_10 = arith.constant dense<0.000000e+00> : vector<256xf32>
    %reduce_sum3A_11 = vector.multi_reduction <add>, %mul3A_9, %reduce_sum3A_10 [1] : vector<256x16xf32> to vector<256xf32>
    %broadcast_in_dim3A_12 = vector.shape_cast %reduce_sum3A_11 : vector<256xf32> to vector<1x256xf32>
    %mul3A_13 = arith.constant 2.000000e+00 : f32
    %mul3A_14 = vector.broadcast %mul3A_13 : f32 to vector<1024x256xf32>
    %mul3A_15 = arith.mulf %mul3A_14, %dot_general3A_7 : vector<1024x256xf32>
    %sub3A = vector.broadcast %broadcast_in_dim3A : vector<1024x1xf32> to vector<1024x256xf32>
    %sub3A_16 = arith.subf %sub3A, %mul3A_15 : vector<1024x256xf32>
    %add3A = vector.broadcast %broadcast_in_dim3A_12 : vector<1x256xf32> to vector<1024x256xf32>
    %add3A_17 = arith.addf %sub3A_16, %add3A : vector<1024x256xf32>
    %max3A = arith.constant 0.000000e+00 : f32
    %max3A_18 = vector.broadcast %max3A : f32 to vector<1024x256xf32>
    %max3A_19 = arith.maximumf %add3A_17, %max3A_18 : vector<1024x256xf32>
    %add3A_20 = arith.constant 9.99999996E-13 : f32
    %add3A_21 = vector.broadcast %add3A_20 : f32 to vector<1024x256xf32>
    %add3A_22 = arith.addf %max3A_19, %add3A_21 : vector<1024x256xf32>
    %get3A_23 = arith.constant 0 : index
    %get3A_24 = arith.constant 0 : index
    %get3A_25 = arith.constant 0 : index
    %get3A_26 = vector.load %arg3[%get3A_23, %get3A_24, %get3A_25] : memref<1024x4x256xf32, #tpu.memory_space<vmem>>, vector<1024x1x256xf32>
    %get3A_27 = vector.shape_cast %get3A_26 : vector<1024x1x256xf32> to vector<1024x256xf32>
    %sqrt3A = math.sqrt %add3A_22 : vector<1024x256xf32>
    %sub3A_28 = arith.subf %get3A_27, %sqrt3A : vector<1024x256xf32>
    %argmax3A = tpu.reduce_index %sub3A_28 {axis = 1 : i32, kind = #tpu.reduction_kind<arg_max>} : vector<1024x256xf32> -> vector<1024xi32>
    %get3A_29 = arith.constant 0 : index
    %get3A_30 = arith.constant 0 : index
    %get3A_31 = vector.load %arg4[%get3A_29, %get3A_30] : memref<1024x128xf32, #tpu.memory_space<vmem>>, vector<1024x16xf32>
    %get3A_32 = arith.constant 0 : index
    %get3A_33 = arith.constant 0 : index
    %get3A_34 = vector.load %arg5[%get3A_32, %get3A_33] : memref<1024x64xf32, #tpu.memory_space<vmem>>, vector<1024x16xf32>
    %get3A_35 = arith.constant 0 : index
    %get3A_36 = arith.constant 64 : index
    %get3A_37 = vector.load %arg4[%get3A_35, %get3A_36] : memref<1024x128xf32, #tpu.memory_space<vmem>>, vector<1024x16xf32>
    %mul3A_38 = arith.constant 5.000000e-01 : f32
    %mul3A_39 = vector.broadcast %mul3A_38 : f32 to vector<1024x16xf32>
    %mul3A_40 = arith.mulf %mul3A_39, %get3A_37 : vector<1024x16xf32>
    %exp3A = math.exp %mul3A_40 : vector<1024x16xf32>
    %mul3A_41 = arith.mulf %get3A_34, %exp3A : vector<1024x16xf32>
    %add3A_42 = arith.addf %get3A_31, %mul3A_41 : vector<1024x16xf32>
    %dot_general3A_43 = arith.constant dense<0.000000e+00> : vector<1024x256xf32>
    %dot_general3A_44 = tpu.matmul %add3A_42, %get3A_6, %dot_general3A_43 {dimension_numbers = #tpu.dot_dimension_numbers<[1], [1], [0], [0], [0, 0, 1, 0], [], []>, precision = #tpu.contract_precision<fp32>, transpose_lhs_hint = false} : vector<1024x16xf32>, vector<256x16xf32>, vector<1024x256xf32> -> vector<1024x256xf32>
    %broadcast_in_dim3A_45 = vector.shape_cast %argmax3A : vector<1024xi32> to vector<1024x1xi32>
    %eq3A = vector.broadcast %broadcast_in_dim3A_45 : vector<1024x1xi32> to vector<1024x256xi32>
    %eq3A_46 = arith.cmpi eq, %iota3A, %eq3A : vector<1024x256xi32>
    %jit3A = arith.constant 0.000000e+00 : f32
    %broadcast_in_dim3A_47 = vector.broadcast %jit3A : f32 to vector<1024x256xf32>
    %select_n3A = arith.select %eq3A_46, %dot_general3A_44, %broadcast_in_dim3A_47 : vector<1024x256xi1>, vector<1024x256xf32>
    %reduce_sum3A_48 = arith.constant dense<0.000000e+00> : vector<1024xf32>
    %reduce_sum3A_49 = vector.multi_reduction <add>, %select_n3A, %reduce_sum3A_48 [1] : vector<1024x256xf32> to vector<1024xf32>
    %get3A_50 = arith.constant 16 : index
    %get3A_51 = arith.constant 0 : index
    %get3A_52 = vector.load %arg1[%get3A_50, %get3A_51] : memref<64x1024xf32, #tpu.memory_space<vmem>>, vector<16x1024xf32>
    %get3A_53 = arith.constant 1 : index
    %get3A_54 = arith.constant 0 : index
    %get3A_55 = arith.constant 0 : index
    %get3A_56 = vector.load %arg2[%get3A_53, %get3A_54, %get3A_55] : memref<4x256x16xf32, #tpu.memory_space<vmem>>, vector<1x256x16xf32>
    %get3A_57 = vector.shape_cast %get3A_56 : vector<1x256x16xf32> to vector<256x16xf32>
    %dot_general3A_58 = arith.constant dense<0.000000e+00> : vector<1024x256xf32>
    %dot_general3A_59 = tpu.matmul %get3A_52, %get3A_57, %dot_general3A_58 {dimension_numbers = #tpu.dot_dimension_numbers<[0], [1], [1], [0], [0, 1, 1, 0], [], []>, precision = #tpu.contract_precision<fp32>, transpose_lhs_hint = false} : vector<16x1024xf32>, vector<256x16xf32>, vector<1024x256xf32> -> vector<1024x256xf32>
    %mul3A_60 = arith.mulf %get3A_52, %get3A_52 : vector<16x1024xf32>
    %reduce_sum3A_61 = arith.constant dense<0.000000e+00> : vector<1024xf32>
    %reduce_sum3A_62 = vector.multi_reduction <add>, %mul3A_60, %reduce_sum3A_61 [0] : vector<16x1024xf32> to vector<1024xf32>
    %broadcast_in_dim3A_63 = vector.shape_cast %reduce_sum3A_62 : vector<1024xf32> to vector<1024x1xf32>
    %mul3A_64 = arith.mulf %get3A_57, %get3A_57 : vector<256x16xf32>
    %reduce_sum3A_65 = arith.constant dense<0.000000e+00> : vector<256xf32>
    %reduce_sum3A_66 = vector.multi_reduction <add>, %mul3A_64, %reduce_sum3A_65 [1] : vector<256x16xf32> to vector<256xf32>
    %broadcast_in_dim3A_67 = vector.shape_cast %reduce_sum3A_66 : vector<256xf32> to vector<1x256xf32>
    %mul3A_68 = arith.constant 2.000000e+00 : f32
    %mul3A_69 = vector.broadcast %mul3A_68 : f32 to vector<1024x256xf32>
    %mul3A_70 = arith.mulf %mul3A_69, %dot_general3A_59 : vector<1024x256xf32>
    %sub3A_71 = vector.broadcast %broadcast_in_dim3A_63 : vector<1024x1xf32> to vector<1024x256xf32>
    %sub3A_72 = arith.subf %sub3A_71, %mul3A_70 : vector<1024x256xf32>
    %add3A_73 = vector.broadcast %broadcast_in_dim3A_67 : vector<1x256xf32> to vector<1024x256xf32>
    %add3A_74 = arith.addf %sub3A_72, %add3A_73 : vector<1024x256xf32>
    %max3A_75 = arith.constant 0.000000e+00 : f32
    %max3A_76 = vector.broadcast %max3A_75 : f32 to vector<1024x256xf32>
    %max3A_77 = arith.maximumf %add3A_74, %max3A_76 : vector<1024x256xf32>
    %add3A_78 = arith.constant 9.99999996E-13 : f32
    %add3A_79 = vector.broadcast %add3A_78 : f32 to vector<1024x256xf32>
    %add3A_80 = arith.addf %max3A_77, %add3A_79 : vector<1024x256xf32>
    %get3A_81 = arith.constant 0 : index
    %get3A_82 = arith.constant 1 : index
    %get3A_83 = arith.constant 0 : index
    %get3A_84 = vector.load %arg3[%get3A_81, %get3A_82, %get3A_83] : memref<1024x4x256xf32, #tpu.memory_space<vmem>>, vector<1024x1x256xf32>
    %get3A_85 = vector.shape_cast %get3A_84 : vector<1024x1x256xf32> to vector<1024x256xf32>
    %sqrt3A_86 = math.sqrt %add3A_80 : vector<1024x256xf32>
    %sub3A_87 = arith.subf %get3A_85, %sqrt3A_86 : vector<1024x256xf32>
    %argmax3A_88 = tpu.reduce_index %sub3A_87 {axis = 1 : i32, kind = #tpu.reduction_kind<arg_max>} : vector<1024x256xf32> -> vector<1024xi32>
    %get3A_89 = arith.constant 0 : index
    %get3A_90 = arith.constant 16 : index
    %get3A_91 = vector.load %arg4[%get3A_89, %get3A_90] : memref<1024x128xf32, #tpu.memory_space<vmem>>, vector<1024x16xf32>
    %get3A_92 = arith.constant 0 : index
    %get3A_93 = arith.constant 16 : index
    %get3A_94 = vector.load %arg5[%get3A_92, %get3A_93] : memref<1024x64xf32, #tpu.memory_space<vmem>>, vector<1024x16xf32>
    %get3A_95 = arith.constant 0 : index
    %get3A_96 = arith.constant 80 : index
    %get3A_97 = vector.load %arg4[%get3A_95, %get3A_96] : memref<1024x128xf32, #tpu.memory_space<vmem>>, vector<1024x16xf32>
    %mul3A_98 = arith.constant 5.000000e-01 : f32
    %mul3A_99 = vector.broadcast %mul3A_98 : f32 to vector<1024x16xf32>
    %mul3A_100 = arith.mulf %mul3A_99, %get3A_97 : vector<1024x16xf32>
    %exp3A_101 = math.exp %mul3A_100 : vector<1024x16xf32>
    %mul3A_102 = arith.mulf %get3A_94, %exp3A_101 : vector<1024x16xf32>
    %add3A_103 = arith.addf %get3A_91, %mul3A_102 : vector<1024x16xf32>
    %dot_general3A_104 = arith.constant dense<0.000000e+00> : vector<1024x256xf32>
    %dot_general3A_105 = tpu.matmul %add3A_103, %get3A_57, %dot_general3A_104 {dimension_numbers = #tpu.dot_dimension_numbers<[1], [1], [0], [0], [0, 0, 1, 0], [], []>, precision = #tpu.contract_precision<fp32>, transpose_lhs_hint = false} : vector<1024x16xf32>, vector<256x16xf32>, vector<1024x256xf32> -> vector<1024x256xf32>
    %broadcast_in_dim3A_106 = vector.shape_cast %argmax3A_88 : vector<1024xi32> to vector<1024x1xi32>
    %eq3A_107 = vector.broadcast %broadcast_in_dim3A_106 : vector<1024x1xi32> to vector<1024x256xi32>
    %eq3A_108 = arith.cmpi eq, %iota3A, %eq3A_107 : vector<1024x256xi32>
    %jit3A_109 = arith.constant 0.000000e+00 : f32
    %broadcast_in_dim3A_110 = vector.broadcast %jit3A_109 : f32 to vector<1024x256xf32>
    %select_n3A_111 = arith.select %eq3A_108, %dot_general3A_105, %broadcast_in_dim3A_110 : vector<1024x256xi1>, vector<1024x256xf32>
    %reduce_sum3A_112 = arith.constant dense<0.000000e+00> : vector<1024xf32>
    %reduce_sum3A_113 = vector.multi_reduction <add>, %select_n3A_111, %reduce_sum3A_112 [1] : vector<1024x256xf32> to vector<1024xf32>
    %add3A_114 = arith.addf %reduce_sum3A_49, %reduce_sum3A_113 : vector<1024xf32>
    %get3A_115 = arith.constant 32 : index
    %get3A_116 = arith.constant 0 : index
    %get3A_117 = vector.load %arg1[%get3A_115, %get3A_116] : memref<64x1024xf32, #tpu.memory_space<vmem>>, vector<16x1024xf32>
    %get3A_118 = arith.constant 2 : index
    %get3A_119 = arith.constant 0 : index
    %get3A_120 = arith.constant 0 : index
    %get3A_121 = vector.load %arg2[%get3A_118, %get3A_119, %get3A_120] : memref<4x256x16xf32, #tpu.memory_space<vmem>>, vector<1x256x16xf32>
    %get3A_122 = vector.shape_cast %get3A_121 : vector<1x256x16xf32> to vector<256x16xf32>
    %dot_general3A_123 = arith.constant dense<0.000000e+00> : vector<1024x256xf32>
    %dot_general3A_124 = tpu.matmul %get3A_117, %get3A_122, %dot_general3A_123 {dimension_numbers = #tpu.dot_dimension_numbers<[0], [1], [1], [0], [0, 1, 1, 0], [], []>, precision = #tpu.contract_precision<fp32>, transpose_lhs_hint = false} : vector<16x1024xf32>, vector<256x16xf32>, vector<1024x256xf32> -> vector<1024x256xf32>
    %mul3A_125 = arith.mulf %get3A_117, %get3A_117 : vector<16x1024xf32>
    %reduce_sum3A_126 = arith.constant dense<0.000000e+00> : vector<1024xf32>
    %reduce_sum3A_127 = vector.multi_reduction <add>, %mul3A_125, %reduce_sum3A_126 [0] : vector<16x1024xf32> to vector<1024xf32>
    %broadcast_in_dim3A_128 = vector.shape_cast %reduce_sum3A_127 : vector<1024xf32> to vector<1024x1xf32>
    %mul3A_129 = arith.mulf %get3A_122, %get3A_122 : vector<256x16xf32>
    %reduce_sum3A_130 = arith.constant dense<0.000000e+00> : vector<256xf32>
    %reduce_sum3A_131 = vector.multi_reduction <add>, %mul3A_129, %reduce_sum3A_130 [1] : vector<256x16xf32> to vector<256xf32>
    %broadcast_in_dim3A_132 = vector.shape_cast %reduce_sum3A_131 : vector<256xf32> to vector<1x256xf32>
    %mul3A_133 = arith.constant 2.000000e+00 : f32
    %mul3A_134 = vector.broadcast %mul3A_133 : f32 to vector<1024x256xf32>
    %mul3A_135 = arith.mulf %mul3A_134, %dot_general3A_124 : vector<1024x256xf32>
    %sub3A_136 = vector.broadcast %broadcast_in_dim3A_128 : vector<1024x1xf32> to vector<1024x256xf32>
    %sub3A_137 = arith.subf %sub3A_136, %mul3A_135 : vector<1024x256xf32>
    %add3A_138 = vector.broadcast %broadcast_in_dim3A_132 : vector<1x256xf32> to vector<1024x256xf32>
    %add3A_139 = arith.addf %sub3A_137, %add3A_138 : vector<1024x256xf32>
    %max3A_140 = arith.constant 0.000000e+00 : f32
    %max3A_141 = vector.broadcast %max3A_140 : f32 to vector<1024x256xf32>
    %max3A_142 = arith.maximumf %add3A_139, %max3A_141 : vector<1024x256xf32>
    %add3A_143 = arith.constant 9.99999996E-13 : f32
    %add3A_144 = vector.broadcast %add3A_143 : f32 to vector<1024x256xf32>
    %add3A_145 = arith.addf %max3A_142, %add3A_144 : vector<1024x256xf32>
    %get3A_146 = arith.constant 0 : index
    %get3A_147 = arith.constant 2 : index
    %get3A_148 = arith.constant 0 : index
    %get3A_149 = vector.load %arg3[%get3A_146, %get3A_147, %get3A_148] : memref<1024x4x256xf32, #tpu.memory_space<vmem>>, vector<1024x1x256xf32>
    %get3A_150 = vector.shape_cast %get3A_149 : vector<1024x1x256xf32> to vector<1024x256xf32>
    %sqrt3A_151 = math.sqrt %add3A_145 : vector<1024x256xf32>
    %sub3A_152 = arith.subf %get3A_150, %sqrt3A_151 : vector<1024x256xf32>
    %argmax3A_153 = tpu.reduce_index %sub3A_152 {axis = 1 : i32, kind = #tpu.reduction_kind<arg_max>} : vector<1024x256xf32> -> vector<1024xi32>
    %get3A_154 = arith.constant 0 : index
    %get3A_155 = arith.constant 32 : index
    %get3A_156 = vector.load %arg4[%get3A_154, %get3A_155] : memref<1024x128xf32, #tpu.memory_space<vmem>>, vector<1024x16xf32>
    %get3A_157 = arith.constant 0 : index
    %get3A_158 = arith.constant 32 : index
    %get3A_159 = vector.load %arg5[%get3A_157, %get3A_158] : memref<1024x64xf32, #tpu.memory_space<vmem>>, vector<1024x16xf32>
    %get3A_160 = arith.constant 0 : index
    %get3A_161 = arith.constant 96 : index
    %get3A_162 = vector.load %arg4[%get3A_160, %get3A_161] : memref<1024x128xf32, #tpu.memory_space<vmem>>, vector<1024x16xf32>
    %mul3A_163 = arith.constant 5.000000e-01 : f32
    %mul3A_164 = vector.broadcast %mul3A_163 : f32 to vector<1024x16xf32>
    %mul3A_165 = arith.mulf %mul3A_164, %get3A_162 : vector<1024x16xf32>
    %exp3A_166 = math.exp %mul3A_165 : vector<1024x16xf32>
    %mul3A_167 = arith.mulf %get3A_159, %exp3A_166 : vector<1024x16xf32>
    %add3A_168 = arith.addf %get3A_156, %mul3A_167 : vector<1024x16xf32>
    %dot_general3A_169 = arith.constant dense<0.000000e+00> : vector<1024x256xf32>
    %dot_general3A_170 = tpu.matmul %add3A_168, %get3A_122, %dot_general3A_169 {dimension_numbers = #tpu.dot_dimension_numbers<[1], [1], [0], [0], [0, 0, 1, 0], [], []>, precision = #tpu.contract_precision<fp32>, transpose_lhs_hint = false} : vector<1024x16xf32>, vector<256x16xf32>, vector<1024x256xf32> -> vector<1024x256xf32>
    %broadcast_in_dim3A_171 = vector.shape_cast %argmax3A_153 : vector<1024xi32> to vector<1024x1xi32>
    %eq3A_172 = vector.broadcast %broadcast_in_dim3A_171 : vector<1024x1xi32> to vector<1024x256xi32>
    %eq3A_173 = arith.cmpi eq, %iota3A, %eq3A_172 : vector<1024x256xi32>
    %jit3A_174 = arith.constant 0.000000e+00 : f32
    %broadcast_in_dim3A_175 = vector.broadcast %jit3A_174 : f32 to vector<1024x256xf32>
    %select_n3A_176 = arith.select %eq3A_173, %dot_general3A_170, %broadcast_in_dim3A_175 : vector<1024x256xi1>, vector<1024x256xf32>
    %reduce_sum3A_177 = arith.constant dense<0.000000e+00> : vector<1024xf32>
    %reduce_sum3A_178 = vector.multi_reduction <add>, %select_n3A_176, %reduce_sum3A_177 [1] : vector<1024x256xf32> to vector<1024xf32>
    %add3A_179 = arith.addf %add3A_114, %reduce_sum3A_178 : vector<1024xf32>
    %get3A_180 = arith.constant 48 : index
    %get3A_181 = arith.constant 0 : index
    %get3A_182 = vector.load %arg1[%get3A_180, %get3A_181] : memref<64x1024xf32, #tpu.memory_space<vmem>>, vector<16x1024xf32>
    %get3A_183 = arith.constant 3 : index
    %get3A_184 = arith.constant 0 : index
    %get3A_185 = arith.constant 0 : index
    %get3A_186 = vector.load %arg2[%get3A_183, %get3A_184, %get3A_185] : memref<4x256x16xf32, #tpu.memory_space<vmem>>, vector<1x256x16xf32>
    %get3A_187 = vector.shape_cast %get3A_186 : vector<1x256x16xf32> to vector<256x16xf32>
    %dot_general3A_188 = arith.constant dense<0.000000e+00> : vector<1024x256xf32>
    %dot_general3A_189 = tpu.matmul %get3A_182, %get3A_187, %dot_general3A_188 {dimension_numbers = #tpu.dot_dimension_numbers<[0], [1], [1], [0], [0, 1, 1, 0], [], []>, precision = #tpu.contract_precision<fp32>, transpose_lhs_hint = false} : vector<16x1024xf32>, vector<256x16xf32>, vector<1024x256xf32> -> vector<1024x256xf32>
    %mul3A_190 = arith.mulf %get3A_182, %get3A_182 : vector<16x1024xf32>
    %reduce_sum3A_191 = arith.constant dense<0.000000e+00> : vector<1024xf32>
    %reduce_sum3A_192 = vector.multi_reduction <add>, %mul3A_190, %reduce_sum3A_191 [0] : vector<16x1024xf32> to vector<1024xf32>
    %broadcast_in_dim3A_193 = vector.shape_cast %reduce_sum3A_192 : vector<1024xf32> to vector<1024x1xf32>
    %mul3A_194 = arith.mulf %get3A_187, %get3A_187 : vector<256x16xf32>
    %reduce_sum3A_195 = arith.constant dense<0.000000e+00> : vector<256xf32>
    %reduce_sum3A_196 = vector.multi_reduction <add>, %mul3A_194, %reduce_sum3A_195 [1] : vector<256x16xf32> to vector<256xf32>
    %broadcast_in_dim3A_197 = vector.shape_cast %reduce_sum3A_196 : vector<256xf32> to vector<1x256xf32>
    %mul3A_198 = arith.constant 2.000000e+00 : f32
    %mul3A_199 = vector.broadcast %mul3A_198 : f32 to vector<1024x256xf32>
    %mul3A_200 = arith.mulf %mul3A_199, %dot_general3A_189 : vector<1024x256xf32>
    %sub3A_201 = vector.broadcast %broadcast_in_dim3A_193 : vector<1024x1xf32> to vector<1024x256xf32>
    %sub3A_202 = arith.subf %sub3A_201, %mul3A_200 : vector<1024x256xf32>
    %add3A_203 = vector.broadcast %broadcast_in_dim3A_197 : vector<1x256xf32> to vector<1024x256xf32>
    %add3A_204 = arith.addf %sub3A_202, %add3A_203 : vector<1024x256xf32>
    %max3A_205 = arith.constant 0.000000e+00 : f32
    %max3A_206 = vector.broadcast %max3A_205 : f32 to vector<1024x256xf32>
    %max3A_207 = arith.maximumf %add3A_204, %max3A_206 : vector<1024x256xf32>
    %add3A_208 = arith.constant 9.99999996E-13 : f32
    %add3A_209 = vector.broadcast %add3A_208 : f32 to vector<1024x256xf32>
    %add3A_210 = arith.addf %max3A_207, %add3A_209 : vector<1024x256xf32>
    %get3A_211 = arith.constant 0 : index
    %get3A_212 = arith.constant 3 : index
    %get3A_213 = arith.constant 0 : index
    %get3A_214 = vector.load %arg3[%get3A_211, %get3A_212, %get3A_213] : memref<1024x4x256xf32, #tpu.memory_space<vmem>>, vector<1024x1x256xf32>
    %get3A_215 = vector.shape_cast %get3A_214 : vector<1024x1x256xf32> to vector<1024x256xf32>
    %sqrt3A_216 = math.sqrt %add3A_210 : vector<1024x256xf32>
    %sub3A_217 = arith.subf %get3A_215, %sqrt3A_216 : vector<1024x256xf32>
    %argmax3A_218 = tpu.reduce_index %sub3A_217 {axis = 1 : i32, kind = #tpu.reduction_kind<arg_max>} : vector<1024x256xf32> -> vector<1024xi32>
    %get3A_219 = arith.constant 0 : index
    %get3A_220 = arith.constant 48 : index
    %get3A_221 = vector.load %arg4[%get3A_219, %get3A_220] : memref<1024x128xf32, #tpu.memory_space<vmem>>, vector<1024x16xf32>
    %get3A_222 = arith.constant 0 : index
    %get3A_223 = arith.constant 48 : index
    %get3A_224 = vector.load %arg5[%get3A_222, %get3A_223] : memref<1024x64xf32, #tpu.memory_space<vmem>>, vector<1024x16xf32>
    %get3A_225 = arith.constant 0 : index
    %get3A_226 = arith.constant 112 : index
    %get3A_227 = vector.load %arg4[%get3A_225, %get3A_226] : memref<1024x128xf32, #tpu.memory_space<vmem>>, vector<1024x16xf32>
    %mul3A_228 = arith.constant 5.000000e-01 : f32
    %mul3A_229 = vector.broadcast %mul3A_228 : f32 to vector<1024x16xf32>
    %mul3A_230 = arith.mulf %mul3A_229, %get3A_227 : vector<1024x16xf32>
    %exp3A_231 = math.exp %mul3A_230 : vector<1024x16xf32>
    %mul3A_232 = arith.mulf %get3A_224, %exp3A_231 : vector<1024x16xf32>
    %add3A_233 = arith.addf %get3A_221, %mul3A_232 : vector<1024x16xf32>
    %dot_general3A_234 = arith.constant dense<0.000000e+00> : vector<1024x256xf32>
    %dot_general3A_235 = tpu.matmul %add3A_233, %get3A_187, %dot_general3A_234 {dimension_numbers = #tpu.dot_dimension_numbers<[1], [1], [0], [0], [0, 0, 1, 0], [], []>, precision = #tpu.contract_precision<fp32>, transpose_lhs_hint = false} : vector<1024x16xf32>, vector<256x16xf32>, vector<1024x256xf32> -> vector<1024x256xf32>
    %broadcast_in_dim3A_236 = vector.shape_cast %argmax3A_218 : vector<1024xi32> to vector<1024x1xi32>
    %eq3A_237 = vector.broadcast %broadcast_in_dim3A_236 : vector<1024x1xi32> to vector<1024x256xi32>
    %eq3A_238 = arith.cmpi eq, %iota3A, %eq3A_237 : vector<1024x256xi32>
    %jit3A_239 = arith.constant 0.000000e+00 : f32
    %broadcast_in_dim3A_240 = vector.broadcast %jit3A_239 : f32 to vector<1024x256xf32>
    %select_n3A_241 = arith.select %eq3A_238, %dot_general3A_235, %broadcast_in_dim3A_240 : vector<1024x256xi1>, vector<1024x256xf32>
    %reduce_sum3A_242 = arith.constant dense<0.000000e+00> : vector<1024xf32>
    %reduce_sum3A_243 = vector.multi_reduction <add>, %select_n3A_241, %reduce_sum3A_242 [1] : vector<1024x256xf32> to vector<1024xf32>
    %add3A_244 = arith.addf %add3A_179, %reduce_sum3A_243 : vector<1024xf32>
    %swap3A = arith.constant 0 : index
    %swap3A_245 = vector.load %arg6[%swap3A] : memref<1024xf32, #tpu.memory_space<vmem>>, vector<1024xf32>
    tpu.vector_store %arg6[%swap3A], %add3A_244 {strides = array<i32>} : memref<1024xf32, #tpu.memory_space<vmem>>, vector<1024xf32>,
    return
  }
  func.func @transform_0(%arg0: i32) -> (i32, i32) {
    %c0_i32 = arith.constant 0 : i32
    %c0_i32_0 = arith.constant 0 : i32
    return %c0_i32, %arg0 : i32, i32
  }
  func.func @transform_1(%arg0: i32) -> (i32, i32, i32) {
    %c0_i32 = arith.constant 0 : i32
    %c0_i32_0 = arith.constant 0 : i32
    %c0_i32_1 = arith.constant 0 : i32
    %c0_i32_2 = arith.constant 0 : i32
    return %c0_i32, %c0_i32_0, %c0_i32_1 : i32, i32, i32
  }
  func.func @transform_2(%arg0: i32) -> (i32, i32, i32) {
    %c0_i32 = arith.constant 0 : i32
    %c0_i32_0 = arith.constant 0 : i32
    %c0_i32_1 = arith.constant 0 : i32
    return %arg0, %c0_i32, %c0_i32_0 : i32, i32, i32
  }
  func.func @transform_3(%arg0: i32) -> (i32, i32) {
    %c0_i32 = arith.constant 0 : i32
    %c0_i32_0 = arith.constant 0 : i32
    return %arg0, %c0_i32 : i32, i32
  }
  func.func @transform_4(%arg0: i32) -> (i32, i32) {
    %c0_i32 = arith.constant 0 : i32
    %c0_i32_0 = arith.constant 0 : i32
    return %arg0, %c0_i32 : i32, i32
  }
  func.func @transform_5(%arg0: i32) -> i32 {
    %c0_i32 = arith.constant 0 : i32
    return %arg0 : i32
  }
}

</mosaic_0001>

<sc_bundles>
// kernel: kernel.5.cloned.1.call-start
scs
__scs_entry_jumppad:
0x0: {  	(pc) =	sbr.rel $0x88, $3  }
0x1: {  	(tag) =	ssettag $0x0;
	lr =	simm.s32 $0x1  }
0x2: {  	[smem:$0x3F99] =	sst lr;
	_ =	strace $0xD0000000  }
0x3: {  	_ = 	snop  }
0x4: {  	_ = 	snop  }
0x5: {  	_ = 	snop  }
0x6: {  	_ = 	snop  }
0x7: {  	_ = 	snop  }
__scs_overlays_trampoline_lowered:
0x8: {  	[smem:$0x3FA8] =	sst s0  }
0x9: {  	[smem:$0x3FA9] =	sst s1  }
0xa: {  	[smem:$0x3FAA] =	sst s2  }
0xb: {  	[smem:$0x3FAB] =	sst s3  }
0xc: {  	[smem:$0x3FAC] =	sst s4  }
0xd: {  	[smem:$0x3FAD] =	sst s5  }
0xe: {  	[smem:$0x3FAE] =	sst s6  }
0xf: {  	[smem:$0x3FAF] =	sst s7  }
0x10: {  	[smem:$0x3FB0] =	sst s8  }
0x11: {  	[smem:$0x3FB1] =	sst s9;
	s0 =	simm.s32 @!p0 $0x0  }
0x12: {  	s1 =	sld [smem:$0x3F97];
	s0 =	simm.s32 @p0 $0x1  }
0x13: {  	[smem:$0x3FB2] =	sst s0;
	s0 =	simm.s32 @!p1 $0x0  }
0x14: {  	s2 =	sld [smem:$0x3F96];
	s0 =	simm.s32 @p1 $0x1  }
0x15: {  	[smem:$0x3FB3] =	sst s0;
	s0 =	simm.s32 @!p2 $0x0  }
0x16: {  	s3 =	sld [smem:$0x3FDB];
	s0 =	simm.s32 @p2 $0x1  }
0x17: {  	s4 =	simm.s32 $0x1BF5;
	[smem:$0x3FB5] =	sst s0  }
0x18: {  	s0 =	sld [smem:$0x3F98];
	_ =	swait.ge [sflag:s4], $0x0  }
0x19: {  	s7 =	sld [smem:$0x3F99]  }
0x1a: {  	s8 =	sadd.s32 $0xFFFFE003, lr  }
0x1b: {  	s9 =	sadd.s32 $0xFFFFFEF7, lr;
	s5 =	simm.s32 $0xFFFFFFFF;
	p2 =	slt.u32 s8, $0xFFFFF086  }
0x1c: {  	p1 =	slt.u32 s9, $0xF7A;
	s5 =	simm.s32 @!p2 $0x0  }
0x1d: {  	s5 =	simm.s32 @p1 $0x1;
	p0 =	seq.s32 s7, s2  }
0x1e: {  	s7 =	smul.u32 @!p0 $0xF7A, s2;
	p2 =	seq.s32 @!p0 s5, $0x0  }
0x1f: {  	s9 =	smul.u32 $0xF7A, s1;
	s8 =	simm.s32 @!p0 $0x1BF5;
	p2 =	por !p2, p0  }
0x20: {  	[sflag:s8] =	ssyncset.s32 @!p0 $0xFFFFF086;
	s6 =	sadd.s32 @!p0 s3, s7;
	s7 =	simm.s32 @!p0 $0x108  }
0x21: {  	s3 =	sadd.s32 s3, s9;
	s6 =	sadd.s32 @!p0 $0x88, s6;
	s7 =	simm.s32 @p2 $0x1082  }
0x22: {  	[simem:s7], [sflag:s8] =	dma.local @!p0 [hbm:s6], $0xF7A  }
0x23: {  	s9 =	sor.u32 $0xD0000000, s2;
	s6 =	simm.s32 $0x108;
	_ =	swait.ge @!p0 [sflag:s8], $0x0  }
0x24: {  	s3 =	sadd.s32 $0x88, s3;
	s6 =	simm.s32 @!p1 $0x1082;
	[sflag:s4] =	ssyncset.s32 $0xFFFFF086  }
0x25: {  	[simem:s6], [sflag:s4] =	dma.local [hbm:s3], $0xF7A  }
0x26: {  	[smem:$0x3F99] =	sst s1;
	(tag) =	ssettag s2;
	_ =	strace s9  }
0x27: {  	s1 =	sld [smem:$0x3FA9]  }
0x28: {  	s2 =	sld [smem:$0x3FAA]  }
0x29: {  	s4 =	sld [smem:$0x3FAC]  }
0x2a: {  	p0 =	seq.s32 s5, $0x0;
	s5 =	sld [smem:$0x3FAD]  }
0x2b: {  	s6 =	sld [smem:$0x3FAE]  }
0x2c: {  	s7 =	sld [smem:$0x3FAF]  }
0x2d: {  	s3 =	simm.s32 $0x108;
	s8 =	sld [smem:$0x3FB0]  }
0x2e: {  	s3 =	simm.s32 @!p0 $0x1082;
	s9 =	sld [smem:$0x3FB1]  }
0x2f: {  	lr =	sadd.s32 s0, s3;
	s0 =	sld [smem:$0x3FA8]  }
0x30: {  	s3 =	sld [smem:$0x3FAB]  }
0x31: {  	[smem:$0x3FB4] =	sst s10  }
0x32: {  	s10 =	sld [smem:$0x3FB2];
	_ =	sdelay $0x3  }
0x33: {  	p0 =	seq.s32 s10, $0x1;
	s10 =	sld [smem:$0x3FB4];
	_ =	sdelay $0x3  }
0x34: {  	[smem:$0x3FB4] =	sst s10  }
0x35: {  	s10 =	sld [smem:$0x3FB3];
	_ =	sdelay $0x3  }
0x36: {  	p1 =	seq.s32 s10, $0x1;
	s10 =	sld [smem:$0x3FB4];
	_ =	sdelay $0x3  }
0x37: {  	[smem:$0x3FB4] =	sst s10  }
0x38: {  	s10 =	sld [smem:$0x3FB5]  }
0x39: {  	_ = 	snop;
	(pc) =	sbr.ind lr, $3  }
0x3a: {  	_ = 	snop  }
0x3b: {  	_ = 	snop  }
0x3c: {  	p2 =	seq.s32 s10, $0x1;
	s10 =	sld [smem:$0x3FB4]  }
0x3d: {  	_ =	shalt  }
0x3e: {  	_ =	shalt  }
0x3f: {  	_ =	shalt  }
0x40: {  	_ =	shalt  }
0x41: {  	_ =	shalt  }
0x42: {  	_ =	shalt  }
0x43: {  	_ =	shalt  }
0x44: {  	_ =	shalt  }
0x45: {  	_ =	shalt  }
0x46: {  	_ =	shalt  }
0x47: {  	_ =	shalt  }
0x48: {  	_ =	shalt  }
0x49: {  	_ =	shalt  }
0x4a: {  	_ =	shalt  }
0x4b: {  	_ =	shalt  }
0x4c: {  	_ =	shalt  }
0x4d: {  	_ =	shalt  }
0x4e: {  	_ =	shalt  }
0x4f: {  	_ =	shalt  }
0x50: {  	_ =	shalt  }
0x51: {  	_ =	shalt  }
0x52: {  	_ =	shalt  }
0x53: {  	_ =	shalt  }
0x54: {  	_ =	shalt  }
0x55: {  	_ =	shalt  }
0x56: {  	_ =	shalt  }
0x57: {  	_ =	shalt  }
0x58: {  	_ =	shalt  }
0x59: {  	_ =	shalt  }
0x5a: {  	_ =	shalt  }
0x5b: {  	_ =	shalt  }
0x5c: {  	_ =	shalt  }
0x5d: {  	_ =	shalt  }
0x5e: {  	_ =	shalt  }
0x5f: {  	_ =	shalt  }
0x60: {  	_ =	shalt  }
0x61: {  	_ =	shalt  }
0x62: {  	_ =	shalt  }
0x63: {  	_ =	shalt  }
0x64: {  	_ =	shalt  }
0x65: {  	_ =	shalt  }
0x66: {  	_ =	shalt  }
0x67: {  	_ =	shalt  }
0x68: {  	_ =	shalt  }
0x69: {  	_ =	shalt  }
0x6a: {  	_ =	shalt  }
0x6b: {  	_ =	shalt  }
0x6c: {  	_ =	shalt  }
0x6d: {  	_ =	shalt  }
0x6e: {  	_ =	shalt  }
0x6f: {  	_ =	shalt  }
0x70: {  	_ =	shalt  }
0x71: {  	_ =	shalt  }
0x72: {  	_ =	shalt  }
0x73: {  	_ =	shalt  }
0x74: {  	_ =	shalt  }
0x75: {  	_ =	shalt  }
0x76: {  	_ =	shalt  }
0x77: {  	_ =	shalt  }
0x78: {  	_ =	shalt  }
0x79: {  	_ =	shalt  }
0x7a: {  	_ =	shalt  }
0x7b: {  	_ =	shalt  }
0x7c: {  	_ =	shalt  }
0x7d: {  	_ =	shalt  }
0x7e: {  	_ =	shalt  }
0x7f: {  	_ =	shalt  }
0x80: {  	_ =	shalt  }
0x81: {  	_ =	shalt  }
0x82: {  	_ =	shalt  }
0x83: {  	_ =	shalt  }
0x84: {  	_ =	shalt  }
0x85: {  	_ =	shalt  }
0x86: {  	_ =	shalt  }
0x87: {  	_ =	shalt  }
.Lfunc_end0:
.L_simem_size_0:
called_computation_lowered:
.L_overlay_start_0:
0x88: {  	s2 =	sld [smem:$0x3FD9]  }
0x89: {  	s3 =	sld [smem:$0x3FFE];
	_ =	sdelay $0x1  }
0x8a: {  	s1 =	srdreg.scid  }
0x8b: {  	s0 =	sand.u32 $0x1, s1  }
0x8c: {  	s17 =	sshll.u32 s0, $0xA;
	s2 =	sadd.s32 s3, s2  }
0x8d: {  	s2 =	sadd.s32 s2, s17  }
0x8e: {  	[smem:$0x3FC0] =	sst s2  }
0x8f: {  	_ = 	snop  }
0x90: {  	s2 =	sld [smem:$0x3FC9]  }
0x91: {  	s18 =	sld [smem:$0x3FC8]  }
0x92: {  	s4 =	sld [smem:$0x3FC7];
	(tm) =	ssettm $0x1  }
0x93: {  	s5 =	sld [smem:$0x3FFB];
	_ =	sdelay $0x3  }
0x94: {  	_ =	strace s5  }
0x95: {  	s5 =	sld [smem:$0x3FFC];
	_ =	sdelay $0x3  }
0x96: {  	_ =	strace s5  }
0x97: {  	s5 =	sld [smem:$0x3FFD];
	_ =	sdelay $0x3  }
0x98: {  	_ =	strace s5  }
0x99: {  	_ =	strace $0x8FFFFFFF  }
0x9a: {  	s19 =	sld [smem:$0x3FDB];
	_ =	sdelay $0x1  }
0x9b: {  	s6 =	simm.s32 $_scs_section_size  }
0x9c: {  	s7 =	simm.s32 $_size__tile_overlayer_lowered;
	s8 =	simm.s32 $_tile_overlayer_lowered  }
0x9d: {  	s22 =	simm.s32 $0x1BFF;
	s21 =	sshll.u32 s8, $0x1;
	s5 =	sadd.s32 s6, s19  }
0x9e: {  	s9 =	simm.s32 $0x0;
	s20 =	sshll.u32 s7, $0x1;
	s7 =	sadd.s32 s21, s5  }
0x9f: {  	[timem:s9], [sflag:s22] =	dma.local [hbm:s7], s20  }
0xa0: {  	_ =	swait.ge [sflag:s22], s20  }
0xa1: {  	s6 =	ssub.s32 $0x0, s20;
	[sflag:s22] =	ssyncset.done $0x0  }
0xa2: {  	[sflag:s22] =	ssyncadd.s32 s6;
	_ =	sdelay $0x1  }
0xa3: {  	s23 =	simm.s32 $0x1B8B  }
0xa4: {  	_ =	swait.ge [sflag:s23], $0x1  }
0xa5: {  	[sflag:s23] =	ssyncset.done $0x0  }
0xa6: {  	s25 =	simm.s32 $0x1B8E;
	s24 =	sld [smem:$0x3FFE];
	[sflag:s23] =	ssyncadd.s32 $0xFFFFFFFF  }
0xa7: {  	s26 =	simm.s32 $execute0_lowered;
	[smem:$0x3FD2] =	sst s25  }
0xa8: {  	s7 =	sshll.u32 s26, $0x1;
	_ =	strace $0x80000046;
	[dreg:$0x1] =	wrdreg $0xFFFFFFFF  }
0xa9: {  	s28 =	simm.s32 $_size_execute0_lowered;
	s5 =	sadd.s32 s5, s7;
	[dreg:$0x0] =	wrdreg $0x0  }
0xaa: {  	s7 =	sshll.u32 s28, $0x1;
	[dreg:$0x2] =	wrdreg s5  }
0xab: {  	[dreg:$0x3] =	wrdreg s7  }
0xac: {  	[dreg:$0x4] =	wrdreg $0xC0  }
0xad: {  	_ =	task [dreg:s9], $0x5FFFF  }
0xae: {  	[dreg:$0x1] =	wrdreg $0xFFFFFFFF  }
0xaf: {  	[dreg:$0x0] =	wrdreg $0x60  }
0xb0: {  	[dreg:$0x2] =	wrdreg s2  }
0xb1: {  	[dreg:$0x3] =	wrdreg s18  }
0xb2: {  	[dreg:$0x4] =	wrdreg s4  }
0xb3: {  	[dreg:$0x5] =	wrdreg s24  }
0xb4: {  	[dreg:$0x6] =	wrdreg $0x9  }
0xb5: {  	_ =	task.clear_ibuf [dreg:s9], $0x7FFFF;
	_ =	strace $0x90000046  }
0xb6: {  	s29 =	simm.s32 $0x9;
	_ =	strace $0x80000048  }
0xb7: {  	_ =	swait.ge [sflag:s29], $0x1  }
0xb8: {  	[sflag:s29] =	ssyncadd.s32 $0xFFFFFFFF  }
0xb9: {  	_ =	strace $0x90000048  }
0xba: {  	_ =	sfence  }
0xbb: {  	s30 =	sld [smem:$0x0];
	_ =	sdelay $0x2  }
0xbc: {  	s31 =	sshll.u32 s1, $0xD;
	s1 =	sshrl.u32 s1, $0x2  }
0xbd: {  	s3 =	sand.u32 $0x4000, s31;
	s1 =	sadd.s32 s1, s30  }
0xbe: {  	s0 =	sor.u32 s3, s0;
	s1 =	sshll.u32 s1, $0x11  }
0xbf: {  	s0 =	sor.u32 s1, s0  }
0xc0: {  	s0 =	sadd.s32 $0x8F2B, s0  }
0xc1: {  	[sflag:s0] =	ssyncadd.remote.s32 $0x1  }
0xc2: {  	_ =	sfence.sel $0xFFFF  }
0xc3: {  	[dreg:$0x0] =	wrdreg $0xFFFFFFFF;
	(pc) =	sbr.abs _section_cstart, $3  }
0xc4: {  	[dreg:$0x1] =	wrdreg $0xFFFFFFFF  }
0xc5: {  	_ =	task.clear_ibuf [dreg:s9], $0x2FFFF;
	_ =	strace $0x9FFFFFFF  }
0xc6: {  	(tm) =	ssettm $0x7FFFFFFF  }
0xc7: {  	_ =	shalt  }
tec
execute0_lowered:
.L_overlay_start_1:
0x0: {  	(tag) =	ssettag $0x1  }
0x1: {  	s0 =	rddreg [dreg:$0x0]  }
0x2: {  	s2 =	rddreg [dreg:$0x1]  }
0x3: {  	s1 =	rddreg [dreg:$0x2]  }
0x4: {  	s3 =	rddreg [dreg:$0x3]  }
0x5: {  	s9 =	simm.s32 $0x0;
	s4 =	srdreg.scid;
	s5 =	stileid.u32  }
0x6: {  	s13 =	simm.s32 $0x400;
	s14 =	simm.s32 $0x7A1400;
	s15 =	simm.s32 $0x100  }
0x7: {  	s16 =	simm.s32 $0x2100;
	s17 =	simm.s32 $0x4100;
	s18 =	simm.s32 $0x6100  }
0x8: {  	s19 =	simm.s32 $0x8100;
	s20 =	simm.s32 $0xA100;
	s21 =	simm.s32 $0xC100  }
0x9: {  	s28 =	simm.s32 $0x5;
	s29 =	simm.s32 $0x6;
	s30 =	simm.s32 $0x7  }
0xa: {  	s31 =	simm.s32 $0x8;
	[smem:$0x7FF] =	sst s9;
	s4 =	sand.u32 $0x1, s4  }
0xb: {  	s5 =	sshll.u32 s5, $0x8;
	s7 =	sadd.s32 $0x1200, s3;
	s6 =	sshll.u32 s4, $0x7  }
0xc: {  	_ =	strace $0x80000047;
	s4 =	ssub.s32 $0x2, s4;
	s5 =	sor.u32 s6, s5  }
0xd: {  	[dreg:$0x5] =	wrdreg s7;
	s8 =	sshrl.u32 s4, $0x1;
	s6 =	sadd.s32 s5, s3  }
0xe: {  	s22 =	sshll.u32 s5, $0x4;
	s4 =	ssub.s32 s4, s8;
	s5 =	sshrl.u32 s5, $0x3  }
0xf: {  	s3 =	sadd.s32 s22, s3;
	s0 =	sadd.s32 s0, s5;
	s23 =	sadd.s32 s2, s5  }
0x10: {  	s24 =	sadd.s32 $0x197C00, s6;
	s26 =	smax.u32 s4, $0x1;
	[dreg:$0x6] =	wrdreg s0  }
0x11: {  	v0 =	vlaneseq.u32;
	s5 =	simm.s32 $0x12100;
	s22 =	simm.s32 $0xE100;
	[dreg:$0x7] =	wrdreg s23  }
0x12: {  	v0 =	vmul.u32 $0x80, v0;
	s4 =	simm.s32 $0x0;
	[dreg:$0x8] =	wrdreg s24;
	s25 =	sadd.s32 $0x187C00, s3  }
0x13: {  	[dreg:$0xa] =	wrdreg s26;
	s3 =	simm.s32 $0xA;
	s24 =	simm.s32 $0x10100  }
0x14: {  	v1 =	vor.u32 $0x800, v0;
	v2 =	vor.u32 $0x1000, v0;
	v3 =	vor.u32 $0x1800, v0;
	s26 =	simm.s32 $0x4;
	s0 =	simm.s32 $0x9;
	[dreg:$0x9] =	wrdreg s25  }
.LBB2_1:
0x15: {  	[dreg:$0xb] =	wrdreg s4  }
0x16: {  	s2 =	rddreg [dreg:$0x6]  }
0x17: {  	[tilespmem:s9], [sflag:$0xA] =	stream.linear.gather [hbm4b:s2+s9], $0x80, $0x38;
	[tilespmem:$0x16100] =	vst v63  }
0x18: {  	_ =	swait.ge [sflag:s3], $0x80  }
0x19: {  	[sflag:s3] =	ssyncset.done $0x0  }
0x1a: {  	s23 =	simm.s32 $0x80;
	s12 =	rddreg [dreg:$0x7];
	[sflag:s3] =	ssyncadd.s32 $0xFFFFFF80  }
0x1b: {  	[tilespmem:s23], [sflag:$0xA] =	stream.linear.gather [hbm4b:s12+s9], $0x80, $0x38;
	[tilespmem:$0x16100] =	vst v63  }
0x1c: {  	_ =	swait.ge [sflag:s3], $0x80  }
0x1d: {  	s11 =	simm.s32 $0xF;
	[sflag:s3] =	ssyncset.done $0x0  }
0x1e: {  	s12 =	simm.s32 $0x0;
	s25 =	rddreg [dreg:$0x5];
	[sflag:s3] =	ssyncadd.s32 $0xFFFFFF80  }
0x1f: {  	[tilespmem:s5], [sflag:$0x1] =	stream.indirect.gather [hbm4b:s25+s23], $0x80, s23, s23, $0xb8;
	[tilespmem:$0x16100] =	vst v63  }
.LBB2_2:
0x20: {  	v4 =	vld [tilespmem:s12+$0x0];
	_ =	sdelay $0x4  }
0x21: {  	(v2sf) =	vpush v4, $0x0  }
0x22: {  	(v2sf) =	vpush v4, $0x1;
	_ =	sdelay $0x3  }
0x23: {  	(v2sf) =	vpush v4, $0x2;
	_ =	sdelay $0x1  }
0x24: {  	(v2sf) =	vpush v4, $0x3;
	_ =	sdelay $0x1  }
0x25: {  	(v2sf) =	vpush v4, $0x4;
	_ =	sdelay $0x5  }
0x26: {  	s5 =	spop (v2sf);
	(v2sf) =	vpush v4, $0x5  }
0x27: {  	s7 =	spop (v2sf);
	(v2sf) =	vpush v4, $0x6;
	_ =	sdelay $0x2  }
0x28: {  	s2 =	sand.u32 $0xFFFFF80, s5  }
0x29: {  	s2 =	sadd.s32 s1, s2;
	s9 =	sand.u32 $0xFFFFF80, s7;
	s8 =	spop (v2sf)  }
0x2a: {  	(v2sf) =	vpush v4, $0x7;
	[tilespmem:s15], [sflag:$0x2] =	stream.strided.gather [hbm4b:s2+s13], $0x2000, s14, s13, $0x38;
	[tilespmem:$0x16100] =	vst v63  }
0x2b: {  	s2 =	sadd.s32 s1, s9;
	s10 =	sand.u32 $0xFFFFF80, s8;
	s9 =	spop (v2sf)  }
0x2c: {  	[tilespmem:s16], [sflag:$0x3] =	stream.strided.gather [hbm4b:s2+s13], $0x2000, s14, s13, $0x38;
	[tilespmem:$0x16100] =	vst v63  }
0x2d: {  	s23 =	sand.u32 $0xFFFFF80, s9;
	s3 =	spop (v2sf);
	s2 =	sadd.s32 s1, s10  }
0x2e: {  	[tilespmem:s17], [sflag:$0x4] =	stream.strided.gather [hbm4b:s2+s13], $0x2000, s14, s13, $0x38;
	[tilespmem:$0x16100] =	vst v63  }
0x2f: {  	s6 =	sand.u32 $0xFFFFF80, s3;
	s2 =	sadd.s32 s1, s23  }
0x30: {  	[tilespmem:s18], [sflag:$0x5] =	stream.strided.gather [hbm4b:s2+s13], $0x2000, s14, s13, $0x38;
	[tilespmem:$0x16100] =	vst v63  }
0x31: {  	s6 =	sadd.s32 s1, s6  }
0x32: {  	[tilespmem:s19], [sflag:$0x6] =	stream.strided.gather [hbm4b:s6+s13], $0x2000, s14, s13, $0x38;
	[tilespmem:$0x16100] =	vst v63  }
0x33: {  	s2 =	spop (v2sf)  }
0x34: {  	s25 =	sand.u32 $0xFFFFF80, s2;
	s10 =	spop (v2sf)  }
0x35: {  	s6 =	sadd.s32 s1, s25;
	s4 =	sand.u32 $0xFFFFF80, s10  }
0x36: {  	[tilespmem:s20], [sflag:$0x7] =	stream.strided.gather [hbm4b:s6+s13], $0x2000, s14, s13, $0x38;
	[tilespmem:$0x16100] =	vst v63  }
0x37: {  	s6 =	sadd.s32 s1, s4  }
0x38: {  	[tilespmem:s21], [sflag:$0x8] =	stream.strided.gather [hbm4b:s6+s13], $0x2000, s14, s13, $0x38;
	[tilespmem:$0x16100] =	vst v63  }
0x39: {  	s6 =	spop (v2sf)  }
0x3a: {  	s5 =	sand.u32 $0x7F, s5;
	s4 =	sand.u32 $0xFFFFF80, s6  }
0x3b: {  	v5 =	vor.u32 s5, v0;
	s23 =	sadd.s32 $0xFFFFFFF1, s11;
	s25 =	simm.s32 $0x2;
	s4 =	sadd.s32 s1, s4  }
0x3c: {  	v6 =	vmov s23;
	[tilespmem:s22], [sflag:$0x9] =	stream.strided.gather [hbm4b:s4+s13], $0x2000, s14, s13, $0x38;
	[tilespmem:$0x16100] =	vst v63  }
0x3d: {  	v6 =	vand.u32 $0x70, v6;
	_ =	swait.ge [sflag:s25], $0x2000  }
0x3e: {  	v6 =	vbroadcast v6, $0x0;
	[sflag:s25] =	ssyncset.done $0x0  }
0x3f: {  	[sflag:s25] =	ssyncadd.s32 $0xFFFFE000  }
0x40: {  	v7 =	vor.u32 v0, v6;
	v5 =	vld.idx.msk [tilespmem:v5+s15+$0x0], $0xffff  }
0x41: {  	v8 =	vor.u32 s5, v1;
	_ =	sdelay $0x3  }
0x42: {  	[tilespmem:v7+s24+$0x0] =	vst.idx.msk $0xffff, v5  }
0x43: {  	v60 =	vor.u32 v1, v6;
	(v2sf) =	vpush v4, $0x8;
	v5 =	vld.idx.msk [tilespmem:v8+s15+$0x0], $0xffff  }
0x44: {  	v61 =	vor.u32 s5, v2;
	_ =	sdelay $0x3  }
0x45: {  	[tilespmem:v60+s24+$0x0] =	vst.idx.msk $0xffff, v5  }
0x46: {  	v62 =	vor.u32 v2, v6;
	v5 =	vld.idx.msk [tilespmem:v61+s15+$0x0], $0xffff  }
0x47: {  	v63 =	vor.u32 s5, v3;
	_ =	sdelay $0x3  }
0x48: {  	[tilespmem:v62+s24+$0x0] =	vst.idx.msk $0xffff, v5  }
0x49: {  	v6 =	vor.u32 v3, v6;
	v5 =	vld.idx.msk [tilespmem:v63+s15+$0x0], $0xffff;
	_ =	sdelay $0x2  }
0x4a: {  	s5 =	spop (v2sf)  }
0x4b: {  	s7 =	sand.u32 $0x7F, s7;
	s23 =	sand.u32 $0xFFFFF80, s5  }
0x4c: {  	s25 =	simm.s32 $0x3;
	s4 =	sadd.s32 s1, s23;
	s23 =	sadd.s32 $0xFFFFFFF2, s11;
	[tilespmem:v6+s24+$0x0] =	vst.idx.msk $0xffff, v5;
	v5 =	vor.u32 s7, v0  }
0x4d: {  	v11 =	vmov s23;
	[tilespmem:s15], [sflag:$0x2] =	stream.strided.gather [hbm4b:s4+s13], $0x2000, s14, s13, $0x38;
	[tilespmem:$0x16100] =	vst v63  }
0x4e: {  	v6 =	vand.u32 $0x71, v11;
	_ =	swait.ge [sflag:s25], $0x2000  }
0x4f: {  	v6 =	vbroadcast v6, $0x0;
	[sflag:s25] =	ssyncset.done $0x0  }
0x50: {  	[sflag:s25] =	ssyncadd.s32 $0xFFFFE000  }
0x51: {  	v12 =	vor.u32 v0, v6;
	v5 =	vld.idx.msk [tilespmem:v5+s16+$0x0], $0xffff  }
0x52: {  	v13 =	vor.u32 s7, v1;
	_ =	sdelay $0x3  }
0x53: {  	[tilespmem:v12+s24+$0x0] =	vst.idx.msk $0xffff, v5  }
0x54: {  	v14 =	vor.u32 v1, v6;
	(v2sf) =	vpush v4, $0x9;
	v5 =	vld.idx.msk [tilespmem:v13+s16+$0x0], $0xffff  }
0x55: {  	v15 =	vor.u32 s7, v2;
	_ =	sdelay $0x3  }
0x56: {  	[tilespmem:v14+s24+$0x0] =	vst.idx.msk $0xffff, v5  }
0x57: {  	v16 =	vor.u32 v2, v6;
	v5 =	vld.idx.msk [tilespmem:v15+s16+$0x0], $0xffff  }
0x58: {  	v17 =	vor.u32 s7, v3;
	_ =	sdelay $0x3  }
0x59: {  	[tilespmem:v16+s24+$0x0] =	vst.idx.msk $0xffff, v5  }
0x5a: {  	v6 =	vor.u32 v3, v6;
	v5 =	vld.idx.msk [tilespmem:v17+s16+$0x0], $0xffff;
	_ =	sdelay $0x2  }
0x5b: {  	s7 =	spop (v2sf)  }
0x5c: {  	s8 =	sand.u32 $0x7F, s8;
	s23 =	sand.u32 $0xFFFFF80, s7  }
0x5d: {  	s4 =	sadd.s32 s1, s23;
	s23 =	sadd.s32 $0xFFFFFFF3, s11;
	[tilespmem:v6+s24+$0x0] =	vst.idx.msk $0xffff, v5;
	v5 =	vor.u32 s8, v0  }
0x5e: {  	v18 =	vmov s23;
	[tilespmem:s16], [sflag:$0x3] =	stream.strided.gather [hbm4b:s4+s13], $0x2000, s14, s13, $0x38;
	[tilespmem:$0x16100] =	vst v63  }
0x5f: {  	v6 =	vand.u32 $0x72, v18;
	_ =	swait.ge [sflag:s26], $0x2000  }
0x60: {  	v6 =	vbroadcast v6, $0x0;
	[sflag:s26] =	ssyncset.done $0x0  }
0x61: {  	[sflag:s26] =	ssyncadd.s32 $0xFFFFE000  }
0x62: {  	v19 =	vor.u32 v0, v6;
	v5 =	vld.idx.msk [tilespmem:v5+s17+$0x0], $0xffff  }
0x63: {  	v20 =	vor.u32 s8, v1;
	_ =	sdelay $0x3  }
0x64: {  	[tilespmem:v19+s24+$0x0] =	vst.idx.msk $0xffff, v5  }
0x65: {  	v21 =	vor.u32 v1, v6;
	(v2sf) =	vpush v4, $0xA;
	v5 =	vld.idx.msk [tilespmem:v20+s17+$0x0], $0xffff  }
0x66: {  	v22 =	vor.u32 s8, v2;
	_ =	sdelay $0x3  }
0x67: {  	[tilespmem:v21+s24+$0x0] =	vst.idx.msk $0xffff, v5  }
0x68: {  	v23 =	vor.u32 v2, v6;
	v5 =	vld.idx.msk [tilespmem:v22+s17+$0x0], $0xffff  }
0x69: {  	v24 =	vor.u32 s8, v3;
	_ =	sdelay $0x3  }
0x6a: {  	[tilespmem:v23+s24+$0x0] =	vst.idx.msk $0xffff, v5  }
0x6b: {  	v6 =	vor.u32 v3, v6;
	v5 =	vld.idx.msk [tilespmem:v24+s17+$0x0], $0xffff;
	_ =	sdelay $0x2  }
0x6c: {  	s8 =	spop (v2sf)  }
0x6d: {  	s9 =	sand.u32 $0x7F, s9;
	s23 =	sand.u32 $0xFFFFF80, s8  }
0x6e: {  	s4 =	sadd.s32 s1, s23;
	s23 =	sadd.s32 $0xFFFFFFF4, s11;
	[tilespmem:v6+s24+$0x0] =	vst.idx.msk $0xffff, v5;
	v5 =	vor.u32 s9, v0  }
0x6f: {  	v25 =	vmov s23;
	[tilespmem:s17], [sflag:$0x4] =	stream.strided.gather [hbm4b:s4+s13], $0x2000, s14, s13, $0x38;
	[tilespmem:$0x16100] =	vst v63  }
0x70: {  	v6 =	vand.u32 $0x73, v25;
	_ =	swait.ge [sflag:s28], $0x2000  }
0x71: {  	v6 =	vbroadcast v6, $0x0;
	[sflag:s28] =	ssyncset.done $0x0  }
0x72: {  	[sflag:s28] =	ssyncadd.s32 $0xFFFFE000  }
0x73: {  	v26 =	vor.u32 v0, v6;
	v5 =	vld.idx.msk [tilespmem:v5+s18+$0x0], $0xffff  }
0x74: {  	v27 =	vor.u32 s9, v1;
	_ =	sdelay $0x3  }
0x75: {  	[tilespmem:v26+s24+$0x0] =	vst.idx.msk $0xffff, v5  }
0x76: {  	v28 =	vor.u32 v1, v6;
	(v2sf) =	vpush v4, $0xB;
	v5 =	vld.idx.msk [tilespmem:v27+s18+$0x0], $0xffff  }
0x77: {  	v29 =	vor.u32 s9, v2;
	_ =	sdelay $0x3  }
0x78: {  	[tilespmem:v28+s24+$0x0] =	vst.idx.msk $0xffff, v5  }
0x79: {  	v30 =	vor.u32 v2, v6;
	v5 =	vld.idx.msk [tilespmem:v29+s18+$0x0], $0xffff  }
0x7a: {  	v31 =	vor.u32 s9, v3;
	_ =	sdelay $0x3  }
0x7b: {  	[tilespmem:v30+s24+$0x0] =	vst.idx.msk $0xffff, v5  }
0x7c: {  	v6 =	vor.u32 v3, v6;
	v5 =	vld.idx.msk [tilespmem:v31+s18+$0x0], $0xffff;
	_ =	sdelay $0x2  }
0x7d: {  	s9 =	spop (v2sf)  }
0x7e: {  	s3 =	sand.u32 $0x7F, s3;
	s23 =	sand.u32 $0xFFFFF80, s9  }
0x7f: {  	s4 =	sadd.s32 s1, s23;
	s23 =	sadd.s32 $0xFFFFFFF5, s11;
	[tilespmem:v6+s24+$0x0] =	vst.idx.msk $0xffff, v5;
	v5 =	vor.u32 s3, v0  }
0x80: {  	v32 =	vmov s23;
	[tilespmem:s18], [sflag:$0x5] =	stream.strided.gather [hbm4b:s4+s13], $0x2000, s14, s13, $0x38;
	[tilespmem:$0x16100] =	vst v63  }
0x81: {  	v6 =	vand.u32 $0x74, v32;
	_ =	swait.ge [sflag:s29], $0x2000  }
0x82: {  	v6 =	vbroadcast v6, $0x0;
	[sflag:s29] =	ssyncset.done $0x0  }
0x83: {  	[sflag:s29] =	ssyncadd.s32 $0xFFFFE000  }
0x84: {  	v33 =	vor.u32 v0, v6;
	v5 =	vld.idx.msk [tilespmem:v5+s19+$0x0], $0xffff  }
0x85: {  	v34 =	vor.u32 s3, v1;
	_ =	sdelay $0x3  }
0x86: {  	[tilespmem:v33+s24+$0x0] =	vst.idx.msk $0xffff, v5  }
0x87: {  	v35 =	vor.u32 v1, v6;
	(v2sf) =	vpush v4, $0xC;
	v5 =	vld.idx.msk [tilespmem:v34+s19+$0x0], $0xffff  }
0x88: {  	v36 =	vor.u32 s3, v2;
	_ =	sdelay $0x3  }
0x89: {  	[tilespmem:v35+s24+$0x0] =	vst.idx.msk $0xffff, v5  }
0x8a: {  	v37 =	vor.u32 v2, v6;
	v5 =	vld.idx.msk [tilespmem:v36+s19+$0x0], $0xffff  }
0x8b: {  	v38 =	vor.u32 s3, v3;
	_ =	sdelay $0x3  }
0x8c: {  	[tilespmem:v37+s24+$0x0] =	vst.idx.msk $0xffff, v5  }
0x8d: {  	v6 =	vor.u32 v3, v6;
	v5 =	vld.idx.msk [tilespmem:v38+s19+$0x0], $0xffff;
	_ =	sdelay $0x2  }
0x8e: {  	s3 =	spop (v2sf)  }
0x8f: {  	s2 =	sand.u32 $0x7F, s2;
	s23 =	sand.u32 $0xFFFFF80, s3  }
0x90: {  	s4 =	sadd.s32 s1, s23;
	s23 =	sadd.s32 $0xFFFFFFF6, s11;
	[tilespmem:v6+s24+$0x0] =	vst.idx.msk $0xffff, v5;
	v5 =	vor.u32 s2, v0  }
0x91: {  	v39 =	vmov s23;
	[tilespmem:s19], [sflag:$0x6] =	stream.strided.gather [hbm4b:s4+s13], $0x2000, s14, s13, $0x38;
	[tilespmem:$0x16100] =	vst v63  }
0x92: {  	v6 =	vand.u32 $0x75, v39;
	_ =	swait.ge [sflag:s30], $0x2000  }
0x93: {  	v6 =	vbroadcast v6, $0x0;
	[sflag:s30] =	ssyncset.done $0x0  }
0x94: {  	[sflag:s30] =	ssyncadd.s32 $0xFFFFE000  }
0x95: {  	v40 =	vor.u32 v0, v6;
	v5 =	vld.idx.msk [tilespmem:v5+s20+$0x0], $0xffff  }
0x96: {  	v41 =	vor.u32 s2, v1;
	_ =	sdelay $0x3  }
0x97: {  	[tilespmem:v40+s24+$0x0] =	vst.idx.msk $0xffff, v5  }
0x98: {  	v42 =	vor.u32 v1, v6;
	(v2sf) =	vpush v4, $0xD;
	v5 =	vld.idx.msk [tilespmem:v41+s20+$0x0], $0xffff  }
0x99: {  	v43 =	vor.u32 s2, v2;
	_ =	sdelay $0x3  }
0x9a: {  	[tilespmem:v42+s24+$0x0] =	vst.idx.msk $0xffff, v5  }
0x9b: {  	v44 =	vor.u32 v2, v6;
	v5 =	vld.idx.msk [tilespmem:v43+s20+$0x0], $0xffff  }
0x9c: {  	v45 =	vor.u32 s2, v3;
	_ =	sdelay $0x3  }
0x9d: {  	[tilespmem:v44+s24+$0x0] =	vst.idx.msk $0xffff, v5  }
0x9e: {  	v6 =	vor.u32 v3, v6;
	v5 =	vld.idx.msk [tilespmem:v45+s20+$0x0], $0xffff;
	_ =	sdelay $0x2  }
0x9f: {  	s2 =	spop (v2sf)  }
0xa0: {  	s10 =	sand.u32 $0x7F, s10;
	s23 =	sand.u32 $0xFFFFF80, s2  }
0xa1: {  	s4 =	sadd.s32 s1, s23;
	s23 =	sadd.s32 $0xFFFFFFF7, s11;
	[tilespmem:v6+s24+$0x0] =	vst.idx.msk $0xffff, v5;
	v5 =	vor.u32 s10, v0  }
0xa2: {  	v46 =	vmov s23;
	[tilespmem:s20], [sflag:$0x7] =	stream.strided.gather [hbm4b:s4+s13], $0x2000, s14, s13, $0x38;
	[tilespmem:$0x16100] =	vst v63  }
0xa3: {  	v6 =	vand.u32 $0x76, v46;
	_ =	swait.ge [sflag:s31], $0x2000  }
0xa4: {  	v6 =	vbroadcast v6, $0x0;
	[sflag:s31] =	ssyncset.done $0x0  }
0xa5: {  	[sflag:s31] =	ssyncadd.s32 $0xFFFFE000  }
0xa6: {  	v47 =	vor.u32 v0, v6;
	v5 =	vld.idx.msk [tilespmem:v5+s21+$0x0], $0xffff  }
0xa7: {  	v48 =	vor.u32 s10, v1;
	_ =	sdelay $0x3  }
0xa8: {  	[tilespmem:v47+s24+$0x0] =	vst.idx.msk $0xffff, v5  }
0xa9: {  	v49 =	vor.u32 v1, v6;
	(v2sf) =	vpush v4, $0xE;
	v5 =	vld.idx.msk [tilespmem:v48+s21+$0x0], $0xffff  }
0xaa: {  	v50 =	vor.u32 s10, v2;
	_ =	sdelay $0x3  }
0xab: {  	[tilespmem:v49+s24+$0x0] =	vst.idx.msk $0xffff, v5  }
0xac: {  	v51 =	vor.u32 v2, v6;
	v5 =	vld.idx.msk [tilespmem:v50+s21+$0x0], $0xffff  }
0xad: {  	v52 =	vor.u32 s10, v3;
	_ =	sdelay $0x3  }
0xae: {  	[tilespmem:v51+s24+$0x0] =	vst.idx.msk $0xffff, v5  }
0xaf: {  	v6 =	vor.u32 v3, v6;
	v5 =	vld.idx.msk [tilespmem:v52+s21+$0x0], $0xffff;
	_ =	sdelay $0x2  }
0xb0: {  	s10 =	spop (v2sf)  }
0xb1: {  	s6 =	sand.u32 $0x7F, s6;
	s23 =	sand.u32 $0xFFFFF80, s10  }
0xb2: {  	s4 =	sadd.s32 s1, s23;
	s23 =	sadd.s32 $0xFFFFFFF8, s11;
	[tilespmem:v6+s24+$0x0] =	vst.idx.msk $0xffff, v5;
	v5 =	vor.u32 s6, v0  }
0xb3: {  	v53 =	vmov s23;
	[tilespmem:s21], [sflag:$0x8] =	stream.strided.gather [hbm4b:s4+s13], $0x2000, s14, s13, $0x38;
	[tilespmem:$0x16100] =	vst v63  }
0xb4: {  	v6 =	vand.u32 $0x77, v53;
	_ =	swait.ge [sflag:s0], $0x2000  }
0xb5: {  	v6 =	vbroadcast v6, $0x0;
	[sflag:s0] =	ssyncset.done $0x0  }
0xb6: {  	[sflag:s0] =	ssyncadd.s32 $0xFFFFE000  }
0xb7: {  	v54 =	vor.u32 v0, v6;
	v5 =	vld.idx.msk [tilespmem:v5+s22+$0x0], $0xffff  }
0xb8: {  	v55 =	vor.u32 s6, v1;
	_ =	sdelay $0x3  }
0xb9: {  	(v2sf) =	vpush v4, $0xF;
	[tilespmem:v54+s24+$0x0] =	vst.idx.msk $0xffff, v5  }
0xba: {  	v56 =	vor.u32 v1, v6;
	v5 =	vld.idx.msk [tilespmem:v55+s22+$0x0], $0xffff  }
0xbb: {  	v4 =	vor.u32 s6, v2;
	_ =	sdelay $0x3  }
0xbc: {  	[tilespmem:v56+s24+$0x0] =	vst.idx.msk $0xffff, v5  }
0xbd: {  	v5 =	vor.u32 v2, v6;
	v4 =	vld.idx.msk [tilespmem:v4+s22+$0x0], $0xffff  }
0xbe: {  	v57 =	vor.u32 s6, v3;
	_ =	sdelay $0x3  }
0xbf: {  	[tilespmem:v5+s24+$0x0] =	vst.idx.msk $0xffff, v4  }
0xc0: {  	v5 =	vor.u32 v3, v6;
	v4 =	vld.idx.msk [tilespmem:v57+s22+$0x0], $0xffff;
	_ =	sdelay $0x1  }
0xc1: {  	s6 =	spop (v2sf)  }
0xc2: {  	s23 =	sand.u32 $0xFFFFF80, s6  }
0xc3: {  	s5 =	sand.u32 $0x7F, s5;
	s4 =	sadd.s32 s1, s23;
	s23 =	sadd.s32 $0xFFFFFFF9, s11  }
0xc4: {  	[tilespmem:v5+s24+$0x0] =	vst.idx.msk $0xffff, v4;
	v4 =	vor.u32 s5, v0;
	v5 =	vmov s23;
	s23 =	simm.s32 $0x2  }
0xc5: {  	[tilespmem:s22], [sflag:$0x9] =	stream.strided.gather [hbm4b:s4+s13], $0x2000, s14, s13, $0x38;
	[tilespmem:$0x16100] =	vst v63  }
0xc6: {  	v5 =	vand.u32 $0x78, v5;
	_ =	swait.ge [sflag:s23], $0x2000  }
0xc7: {  	v5 =	vbroadcast v5, $0x0;
	[sflag:s23] =	ssyncset.done $0x0  }
0xc8: {  	[sflag:s23] =	ssyncadd.s32 $0xFFFFE000  }
0xc9: {  	v58 =	vor.u32 v0, v5;
	v4 =	vld.idx.msk [tilespmem:v4+s15+$0x0], $0xffff  }
0xca: {  	v59 =	vor.u32 s5, v1;
	_ =	sdelay $0x3  }
0xcb: {  	[tilespmem:v58+s24+$0x0] =	vst.idx.msk $0xffff, v4  }
0xcc: {  	v60 =	vor.u32 v1, v5;
	v4 =	vld.idx.msk [tilespmem:v59+s15+$0x0], $0xffff  }
0xcd: {  	v61 =	vor.u32 s5, v2;
	_ =	sdelay $0x3  }
0xce: {  	[tilespmem:v60+s24+$0x0] =	vst.idx.msk $0xffff, v4  }
0xcf: {  	v62 =	vor.u32 v2, v5;
	v4 =	vld.idx.msk [tilespmem:v61+s15+$0x0], $0xffff  }
0xd0: {  	v63 =	vor.u32 s5, v3;
	_ =	sdelay $0x3  }
0xd1: {  	[tilespmem:v62+s24+$0x0] =	vst.idx.msk $0xffff, v4  }
0xd2: {  	v5 =	vor.u32 v3, v5;
	v4 =	vld.idx.msk [tilespmem:v63+s15+$0x0], $0xffff;
	_ =	sdelay $0x2  }
0xd3: {  	s23 =	sand.u32 $0x7F, s7  }
0xd4: {  	s7 =	sadd.s32 $0xFFFFFFFA, s11;
	v9 =	vor.u32 s23, v0  }
0xd5: {  	v10 =	vmov s7;
	[tilespmem:v5+s24+$0x0] =	vst.idx.msk $0xffff, v4  }
0xd6: {  	v4 =	vand.u32 $0x79, v10;
	_ =	swait.ge [sflag:s25], $0x2000  }
0xd7: {  	v4 =	vbroadcast v4, $0x0;
	[sflag:s25] =	ssyncset.done $0x0  }
0xd8: {  	[sflag:s25] =	ssyncadd.s32 $0xFFFFE000  }
0xd9: {  	v11 =	vor.u32 v0, v4;
	v5 =	vld.idx.msk [tilespmem:v9+s16+$0x0], $0xffff  }
0xda: {  	v12 =	vor.u32 s23, v1;
	_ =	sdelay $0x3  }
0xdb: {  	[tilespmem:v11+s24+$0x0] =	vst.idx.msk $0xffff, v5  }
0xdc: {  	v13 =	vor.u32 v1, v4;
	v5 =	vld.idx.msk [tilespmem:v12+s16+$0x0], $0xffff  }
0xdd: {  	v14 =	vor.u32 s23, v2;
	_ =	sdelay $0x3  }
0xde: {  	[tilespmem:v13+s24+$0x0] =	vst.idx.msk $0xffff, v5  }
0xdf: {  	v15 =	vor.u32 v2, v4;
	v5 =	vld.idx.msk [tilespmem:v14+s16+$0x0], $0xffff  }
0xe0: {  	v16 =	vor.u32 s23, v3;
	_ =	sdelay $0x3  }
0xe1: {  	[tilespmem:v15+s24+$0x0] =	vst.idx.msk $0xffff, v5  }
0xe2: {  	v4 =	vor.u32 v3, v4;
	v5 =	vld.idx.msk [tilespmem:v16+s16+$0x0], $0xffff;
	_ =	sdelay $0x2  }
0xe3: {  	s8 =	sand.u32 $0x7F, s8  }
0xe4: {  	v17 =	vor.u32 s8, v0;
	s23 =	sadd.s32 $0xFFFFFFFB, s11  }
0xe5: {  	v18 =	vmov s23;
	[tilespmem:v4+s24+$0x0] =	vst.idx.msk $0xffff, v5  }
0xe6: {  	v4 =	vand.u32 $0x7A, v18;
	_ =	swait.ge [sflag:s26], $0x2000  }
0xe7: {  	v4 =	vbroadcast v4, $0x0;
	[sflag:s26] =	ssyncset.done $0x0  }
0xe8: {  	[sflag:s26] =	ssyncadd.s32 $0xFFFFE000  }
0xe9: {  	v19 =	vor.u32 v0, v4;
	v5 =	vld.idx.msk [tilespmem:v17+s17+$0x0], $0xffff  }
0xea: {  	v20 =	vor.u32 s8, v1;
	_ =	sdelay $0x3  }
0xeb: {  	[tilespmem:v19+s24+$0x0] =	vst.idx.msk $0xffff, v5  }
0xec: {  	v21 =	vor.u32 v1, v4;
	v5 =	vld.idx.msk [tilespmem:v20+s17+$0x0], $0xffff  }
0xed: {  	v22 =	vor.u32 s8, v2;
	_ =	sdelay $0x3  }
0xee: {  	[tilespmem:v21+s24+$0x0] =	vst.idx.msk $0xffff, v5  }
0xef: {  	v23 =	vor.u32 v2, v4;
	v5 =	vld.idx.msk [tilespmem:v22+s17+$0x0], $0xffff  }
0xf0: {  	v24 =	vor.u32 s8, v3;
	_ =	sdelay $0x3  }
0xf1: {  	[tilespmem:v23+s24+$0x0] =	vst.idx.msk $0xffff, v5  }
0xf2: {  	v4 =	vor.u32 v3, v4;
	v5 =	vld.idx.msk [tilespmem:v24+s17+$0x0], $0xffff;
	_ =	sdelay $0x2  }
0xf3: {  	s25 =	sand.u32 $0x7F, s9  }
0xf4: {  	s7 =	sadd.s32 $0xFFFFFFFC, s11;
	v25 =	vor.u32 s25, v0  }
0xf5: {  	v26 =	vmov s7;
	[tilespmem:v4+s24+$0x0] =	vst.idx.msk $0xffff, v5  }
0xf6: {  	v4 =	vand.u32 $0x7B, v26;
	_ =	swait.ge [sflag:s28], $0x2000  }
0xf7: {  	v4 =	vbroadcast v4, $0x0;
	[sflag:s28] =	ssyncset.done $0x0  }
0xf8: {  	[sflag:s28] =	ssyncadd.s32 $0xFFFFE000  }
0xf9: {  	v27 =	vor.u32 v0, v4;
	v5 =	vld.idx.msk [tilespmem:v25+s18+$0x0], $0xffff  }
0xfa: {  	v28 =	vor.u32 s25, v1;
	_ =	sdelay $0x3  }
0xfb: {  	[tilespmem:v27+s24+$0x0] =	vst.idx.msk $0xffff, v5  }
0xfc: {  	v29 =	vor.u32 v1, v4;
	v5 =	vld.idx.msk [tilespmem:v28+s18+$0x0], $0xffff  }
0xfd: {  	v30 =	vor.u32 s25, v2;
	_ =	sdelay $0x3  }
0xfe: {  	[tilespmem:v29+s24+$0x0] =	vst.idx.msk $0xffff, v5  }
0xff: {  	v31 =	vor.u32 v2, v4;
	v5 =	vld.idx.msk [tilespmem:v30+s18+$0x0], $0xffff  }
0x100: {  	v32 =	vor.u32 s25, v3;
	_ =	sdelay $0x3  }
0x101: {  	[tilespmem:v31+s24+$0x0] =	vst.idx.msk $0xffff, v5  }
0x102: {  	v4 =	vor.u32 v3, v4;
	v5 =	vld.idx.msk [tilespmem:v32+s18+$0x0], $0xffff;
	_ =	sdelay $0x2  }
0x103: {  	s3 =	sand.u32 $0x7F, s3  }
0x104: {  	s8 =	sadd.s32 $0xFFFFFFFD, s11;
	v33 =	vor.u32 s3, v0  }
0x105: {  	v34 =	vmov s8;
	[tilespmem:v4+s24+$0x0] =	vst.idx.msk $0xffff, v5  }
0x106: {  	v4 =	vand.u32 $0x7C, v34;
	_ =	swait.ge [sflag:s29], $0x2000  }
0x107: {  	v4 =	vbroadcast v4, $0x0;
	[sflag:s29] =	ssyncset.done $0x0  }
0x108: {  	[sflag:s29] =	ssyncadd.s32 $0xFFFFE000  }
0x109: {  	v35 =	vor.u32 v0, v4;
	v5 =	vld.idx.msk [tilespmem:v33+s19+$0x0], $0xffff  }
0x10a: {  	v36 =	vor.u32 s3, v1;
	_ =	sdelay $0x3  }
0x10b: {  	[tilespmem:v35+s24+$0x0] =	vst.idx.msk $0xffff, v5  }
0x10c: {  	v37 =	vor.u32 v1, v4;
	v5 =	vld.idx.msk [tilespmem:v36+s19+$0x0], $0xffff  }
0x10d: {  	v38 =	vor.u32 s3, v2;
	_ =	sdelay $0x3  }
0x10e: {  	[tilespmem:v37+s24+$0x0] =	vst.idx.msk $0xffff, v5  }
0x10f: {  	v39 =	vor.u32 v2, v4;
	v5 =	vld.idx.msk [tilespmem:v38+s19+$0x0], $0xffff  }
0x110: {  	v40 =	vor.u32 s3, v3;
	_ =	sdelay $0x3  }
0x111: {  	[tilespmem:v39+s24+$0x0] =	vst.idx.msk $0xffff, v5  }
0x112: {  	v4 =	vor.u32 v3, v4;
	v5 =	vld.idx.msk [tilespmem:v40+s19+$0x0], $0xffff;
	_ =	sdelay $0x2  }
0x113: {  	s2 =	sand.u32 $0x7F, s2  }
0x114: {  	v41 =	vor.u32 s2, v0;
	s9 =	sadd.s32 $0xFFFFFFFE, s11  }
0x115: {  	v42 =	vmov s9;
	[tilespmem:v4+s24+$0x0] =	vst.idx.msk $0xffff, v5  }
0x116: {  	v4 =	vand.u32 $0x7D, v42;
	_ =	swait.ge [sflag:s30], $0x2000  }
0x117: {  	v4 =	vbroadcast v4, $0x0;
	[sflag:s30] =	ssyncset.done $0x0  }
0x118: {  	[sflag:s30] =	ssyncadd.s32 $0xFFFFE000  }
0x119: {  	v43 =	vor.u32 v0, v4;
	v5 =	vld.idx.msk [tilespmem:v41+s20+$0x0], $0xffff  }
0x11a: {  	v44 =	vor.u32 s2, v1;
	_ =	sdelay $0x3  }
0x11b: {  	[tilespmem:v43+s24+$0x0] =	vst.idx.msk $0xffff, v5  }
0x11c: {  	v45 =	vor.u32 v1, v4;
	v5 =	vld.idx.msk [tilespmem:v44+s20+$0x0], $0xffff  }
0x11d: {  	v46 =	vor.u32 s2, v2;
	_ =	sdelay $0x3  }
0x11e: {  	[tilespmem:v45+s24+$0x0] =	vst.idx.msk $0xffff, v5  }
0x11f: {  	v47 =	vor.u32 v2, v4;
	v5 =	vld.idx.msk [tilespmem:v46+s20+$0x0], $0xffff  }
0x120: {  	v48 =	vor.u32 s2, v3;
	_ =	sdelay $0x3  }
0x121: {  	[tilespmem:v47+s24+$0x0] =	vst.idx.msk $0xffff, v5  }
0x122: {  	v4 =	vor.u32 v3, v4;
	v5 =	vld.idx.msk [tilespmem:v48+s20+$0x0], $0xffff;
	_ =	sdelay $0x2  }
0x123: {  	s10 =	sand.u32 $0x7F, s10  }
0x124: {  	v49 =	vor.u32 s10, v0;
	s23 =	sadd.s32 $0xFFFFFFFF, s11  }
0x125: {  	v50 =	vmov s23;
	[tilespmem:v4+s24+$0x0] =	vst.idx.msk $0xffff, v5  }
0x126: {  	v4 =	vand.u32 $0x7E, v50;
	_ =	swait.ge [sflag:s31], $0x2000  }
0x127: {  	v4 =	vbroadcast v4, $0x0;
	[sflag:s31] =	ssyncset.done $0x0  }
0x128: {  	[sflag:s31] =	ssyncadd.s32 $0xFFFFE000  }
0x129: {  	v51 =	vor.u32 v0, v4;
	v5 =	vld.idx.msk [tilespmem:v49+s21+$0x0], $0xffff  }
0x12a: {  	v52 =	vor.u32 s10, v1;
	_ =	sdelay $0x3  }
0x12b: {  	[tilespmem:v51+s24+$0x0] =	vst.idx.msk $0xffff, v5  }
0x12c: {  	v53 =	vor.u32 v1, v4;
	v5 =	vld.idx.msk [tilespmem:v52+s21+$0x0], $0xffff  }
0x12d: {  	v54 =	vor.u32 s10, v2;
	_ =	sdelay $0x3  }
0x12e: {  	[tilespmem:v53+s24+$0x0] =	vst.idx.msk $0xffff, v5  }
0x12f: {  	v55 =	vor.u32 v2, v4;
	v5 =	vld.idx.msk [tilespmem:v54+s21+$0x0], $0xffff  }
0x130: {  	v56 =	vor.u32 s10, v3;
	_ =	sdelay $0x3  }
0x131: {  	[tilespmem:v55+s24+$0x0] =	vst.idx.msk $0xffff, v5  }
0x132: {  	v4 =	vor.u32 v3, v4;
	v5 =	vld.idx.msk [tilespmem:v56+s21+$0x0], $0xffff;
	_ =	sdelay $0x2  }
0x133: {  	s25 =	sand.u32 $0x7F, s6  }
0x134: {  	v57 =	vor.u32 s25, v0  }
0x135: {  	[tilespmem:v4+s24+$0x0] =	vst.idx.msk $0xffff, v5;
	v4 =	vmov s11  }
0x136: {  	_ =	swait.ge [sflag:s0], $0x2000;
	v4 =	vand.u32 $0x7F, v4  }
0x137: {  	[sflag:s0] =	ssyncset.done $0x0;
	v4 =	vbroadcast v4, $0x0  }
0x138: {  	[sflag:s0] =	ssyncadd.s32 $0xFFFFE000  }
0x139: {  	v5 =	vld.idx.msk [tilespmem:v57+s22+$0x0], $0xffff;
	v58 =	vor.u32 v0, v4  }
0x13a: {  	v59 =	vor.u32 s25, v1;
	_ =	sdelay $0x3  }
0x13b: {  	[tilespmem:v58+s24+$0x0] =	vst.idx.msk $0xffff, v5  }
0x13c: {  	v60 =	vor.u32 v1, v4;
	v5 =	vld.idx.msk [tilespmem:v59+s22+$0x0], $0xffff  }
0x13d: {  	v61 =	vor.u32 s25, v2;
	_ =	sdelay $0x3  }
0x13e: {  	[tilespmem:v60+s24+$0x0] =	vst.idx.msk $0xffff, v5  }
0x13f: {  	v62 =	vor.u32 v2, v4;
	v5 =	vld.idx.msk [tilespmem:v61+s22+$0x0], $0xffff  }
0x140: {  	v63 =	vor.u32 s25, v3;
	_ =	sdelay $0x3  }
0x141: {  	[tilespmem:v62+s24+$0x0] =	vst.idx.msk $0xffff, v5  }
0x142: {  	p0 =	sne.s32 s11, $0x7F;
	v4 =	vor.u32 v3, v4;
	v5 =	vld.idx.msk [tilespmem:v63+s22+$0x0], $0xffff  }
.Ltmp0:
0x143: {  	_ = 	snop;
	(pc) =	sbr.rel @p0 .LBB2_2-.Ltmp0, $2  }
0x144: {  	_ =	sdelay $0x2  }
0x145: {  	s12 =	sadd.s32 $0x10, s12;
	s11 =	sadd.s32 $0x10, s11;
	[tilespmem:v4+s24+$0x0] =	vst.idx.msk $0xffff, v5  }
0x146: {  	s2 =	rddreg [dreg:$0x8];
	s3 =	simm.s32 $0x8000  }
0x147: {  	[hbm4b:s2+s13] =	stream.strided.scatter [tilespmem:s24], [sflag:$0xA], $0x2000, s3, s13, $0x38;
	[tilespmem:$0x16100] =	vst v63  }
0x148: {  	s3 =	simm.s32 $0xA  }
0x149: {  	_ =	swait.ge [sflag:s3], $0x2000  }
0x14a: {  	[sflag:s3] =	ssyncset.done $0x0  }
0x14b: {  	s12 =	simm.s32 $0x1;
	[sflag:s3] =	ssyncadd.s32 $0xFFFFE000  }
0x14c: {  	_ =	swait.ge [sflag:s12], $0x4000  }
0x14d: {  	s9 =	simm.s32 $0x0;
	[sflag:s12] =	ssyncset.done $0x0  }
0x14e: {  	s5 =	simm.s32 $0x12100;
	s23 =	rddreg [dreg:$0x9];
	[sflag:s12] =	ssyncadd.s32 $0xFFFFC000  }
0x14f: {  	[hbm4b:s23+s9] =	stream.linear.scatter [tilespmem:s5], [sflag:$0xA], $0x4000, $0x38;
	[tilespmem:$0x16100] =	vst v63  }
0x150: {  	_ =	swait.ge [sflag:s3], $0x4000  }
0x151: {  	s4 =	rddreg [dreg:$0xb]  }
0x152: {  	s25 =	rddreg [dreg:$0xa];
	s4 =	sadd.s32 $0x1, s4  }
0x153: {  	p0 =	sne.s32 s4, s25  }
.Ltmp1:
0x154: {  	_ = 	snop;
	(pc) =	sbr.rel @p0 .LBB2_1-.Ltmp1, $3  }
0x155: {  	_ =	sdelay $0x1  }
0x156: {  	[sflag:s3] =	ssyncset.done $0x0  }
0x157: {  	[sflag:s3] =	ssyncadd.s32 $0xFFFFC000  }
0x158: {  	_ =	sfence.sel $0x180000  }
0x159: {  	[bflag:$0x0] =	sbarrier.arrive $0xFFFF  }
0x15a: {  	_ =	strace $0x90000047  }
0x15b: {  	s0 =	stileid.u32;
	[bflag:$0x2] =	sbarrier.arrive $0xFFFF  }
0x15c: {  	p0 =	sne.s32 s0, $0x0;
	s0 =	rddreg [dreg:$0x4]  }
0x15d: {  	s0 =	sadd.s32 @!p0 $0x100000, s0  }
0x15e: {  	[sflag:s0] =	ssyncadd.tile.s32 @!p0 $0x1;
	_ =	shalt  }
.Lfunc_end2:
_tile_overlayer_lowered:
.L_overlay_start_2:
0x15f: {  	(tag) =	ssettag $0x2  }
0x160: {  	s0 =	rddreg [dreg:$0x0];
	s2 =	stileid.u32  }
0x161: {  	s1 =	rddreg [dreg:$0x1];
	p0 =	sne.s32 s2, $0x0  }
0x162: {  	s3 =	rddreg [dreg:$0x2];
	[bflag:$0x3] =	sbarrier.arrive $0xFFFF;
	s2 =	simm.s32 @!p0 $0x1C0A  }
0x163: {  	[timem:s3], [sflag:s2] =	dma.local @!p0 [hbm:s0], s1  }
0x164: {  	s0 =	simm.s32 @!p0 $0xA  }
0x165: {  	_ =	swait.ge @!p0 [sflag:s0], s1  }
0x166: {  	s1 =	ssub.s32 @!p0 $0x0, s1;
	[sflag:s0] =	ssyncset.done @!p0 $0x0  }
0x167: {  	[sflag:s0] =	ssyncadd.s32 @!p0 s1  }
0x168: {  	[bflag:$0x3] =	sbarrier.arrive $0xFFFF  }
0x169: {  	_ =	shalt  }

</sc_bundles>
